<compile_context>
chip_gen: v7x
topology: tpu7x:2x2x1
jax: 0.10.2.dev20260603
libtpu: 0.0.44.dev20260713+nightly
codegen_flags: <defaults>
</compile_context>

<pallas_src>
import functools

import jax
import jax.numpy as jnp
from jax import lax
from jax.experimental import pallas as pl
from jax.experimental.pallas import tpu as pltpu
from jax.experimental.pallas import tpu_sc as plsc

N = 10000
E = 320000
D = 128
W = 144
NS = 16
EPT = E // NS
CH = 128
IB = 12
NBLK = 13
NCHUNK = NBLK * IB
TAIL = EPT - NCHUNK * CH
RPT = 624


def _sage_pair(tab_card, tab_merch, sc2m, dc2m, sm2c, dm2c,
               sc2m_t, dc2m_t, sm2c_t, dm2c_t, zeros):
    mesh = plsc.VectorSubcoreMesh(core_axis_name="c", subcore_axis_name="s")

    @functools.partial(
        pl.kernel,
        out_type=(jax.ShapeDtypeStruct((N, W), jnp.float32),
                  jax.ShapeDtypeStruct((N, W), jnp.float32)),
        mesh=mesh,
        compiler_params=pltpu.CompilerParams(use_tc_tiling_on_sc=False),
        scratch_types=[
            pltpu.VMEM((IB, CH), jnp.int32),
            pltpu.VMEM((IB, CH), jnp.int32),
            pltpu.VMEM((TAIL,), jnp.int32),
            pltpu.VMEM((TAIL,), jnp.int32),
            pltpu.VMEM((CH, W), jnp.float32),
            pltpu.VMEM((CH, W), jnp.float32),
            pltpu.VMEM_SHARED((N, W), jnp.float32),
            pltpu.SemaphoreType.DMA,
            pltpu.SemaphoreType.DMA,
            pltpu.SemaphoreType.DMA,
            pltpu.SemaphoreType.DMA,
        ],
    )
    def k(tab_c, tab_m, s_c2m, d_c2m, s_m2c, d_m2c,
          st_c2m, dt_c2m, st_m2c, dt_m2c, zz, agg_m_out, agg_c_out,
          src_v, dst_v, srct_v, dstt_v, rows_a, rows_b, acc_sh,
          sem_a, sem_b, sem_sa, sem_sb):
        cid = lax.axis_index("c")
        sid = lax.axis_index("s")
        base = sid * RPT
        last = N - (NS - 1) * RPT

        @pl.when(sid < NS - 1)
        def _():
            pltpu.sync_copy(zz.at[pl.ds(base, RPT)],
                            acc_sh.at[pl.ds(base, RPT)])

        @pl.when(sid == NS - 1)
        def _():
            pltpu.sync_copy(zz.at[pl.ds((NS - 1) * RPT, last)],
                            acc_sh.at[pl.ds((NS - 1) * RPT, last)])

        plsc.subcore_barrier()

        def run(tab, s_hbm, d_hbm, st_hbm, dt_hbm):
            @pl.loop(0, NBLK)
            def _(g):
                pltpu.sync_copy(s_hbm.at[sid].at[pl.ds(g * IB, IB)], src_v)
                pltpu.sync_copy(d_hbm.at[sid].at[pl.ds(g * IB, IB)], dst_v)
                pltpu.async_copy(tab.at[src_v.at[0]], rows_a, sem_a)
                pltpu.async_copy(tab.at[src_v.at[1]], rows_b, sem_b)

                @pl.loop(0, IB, step=2)
                def _(j):
                    pltpu.make_async_copy(tab.at[src_v.at[j]],
                                          rows_a, sem_a).wait()
                    pltpu.async_copy(rows_a, acc_sh.at[dst_v.at[j]],
                                     sem_sa, add=True)
                    pltpu.make_async_copy(tab.at[src_v.at[j + 1]],
                                          rows_b, sem_b).wait()
                    pltpu.async_copy(rows_b, acc_sh.at[dst_v.at[j + 1]],
                                     sem_sb, add=True)
                    pltpu.make_async_copy(rows_a, acc_sh.at[dst_v.at[j]],
                                          sem_sa).wait()

                    @pl.when(j + 2 < IB)
                    def _():
                        pltpu.async_copy(tab.at[src_v.at[j + 2]],
                                         rows_a, sem_a)

                    pltpu.make_async_copy(rows_b, acc_sh.at[dst_v.at[j + 1]],
                                          sem_sb).wait()

                    @pl.when(j + 3 < IB)
                    def _():
                        pltpu.async_copy(tab.at[src_v.at[j + 3]],
                                         rows_b, sem_b)

            pltpu.sync_copy(st_hbm.at[sid], srct_v)
            pltpu.sync_copy(dt_hbm.at[sid], dstt_v)
            pltpu.async_copy(tab.at[srct_v], rows_a.at[pl.ds(0, TAIL)],
                             sem_a).wait()
            pltpu.sync_copy(rows_a.at[pl.ds(0, TAIL)], acc_sh.at[dstt_v],
                            add=True)

        @pl.when(cid == 0)
        def _():
            run(tab_c, s_c2m, d_c2m, st_c2m, dt_c2m)

        @pl.when(cid == 1)
        def _():
            run(tab_m, s_m2c, d_m2c, st_m2c, dt_m2c)

        plsc.subcore_barrier()

        def readout(out_ref):
            @pl.when(sid < NS - 1)
            def _():
                pltpu.sync_copy(acc_sh.at[pl.ds(base, RPT)],
                                out_ref.at[pl.ds(base, RPT)])

            @pl.when(sid == NS - 1)
            def _():
                pltpu.sync_copy(acc_sh.at[pl.ds((NS - 1) * RPT, last)],
                                out_ref.at[pl.ds((NS - 1) * RPT, last)])

        @pl.when(cid == 0)
        def _():
            readout(agg_m_out)

        @pl.when(cid == 1)
        def _():
            readout(agg_c_out)

    return k(tab_card, tab_merch, sc2m, dc2m, sm2c, dm2c,
             sc2m_t, dc2m_t, sm2c_t, dm2c_t, zeros)


BT = 2000


def _transform_body(acc_ref, xdst_ref, wl_ref, bl_ref, wr_ref, out_ref):
    a = acc_ref[...]
    mean = a[:, :D] / jnp.maximum(a[:, D:D + 1], 1.0)
    x = xdst_ref[...][:, :D]
    h = jnp.dot(mean, wl_ref[...], preferred_element_type=jnp.float32)
    h = h + bl_ref[...]
    h = h + jnp.dot(x, wr_ref[...], preferred_element_type=jnp.float32)
    h = jnp.maximum(h, 0.0)
    out_ref[...] = jnp.concatenate(
        [h, jnp.ones((BT, W - D), jnp.float32)], axis=1)


def _transform(acc, xdst_tab, Wl, bl, Wr):
    return pl.pallas_call(
        _transform_body,
        grid=(N // BT,),
        in_specs=[
            pl.BlockSpec((BT, W), lambda i: (i, 0)),
            pl.BlockSpec((BT, W), lambda i: (i, 0)),
            pl.BlockSpec((D, D), lambda i: (0, 0)),
            pl.BlockSpec((1, D), lambda i: (0, 0)),
            pl.BlockSpec((D, D), lambda i: (0, 0)),
        ],
        out_specs=pl.BlockSpec((BT, W), lambda i: (i, 0)),
        out_shape=jax.ShapeDtypeStruct((N, W), jnp.float32),
    )(acc, xdst_tab, Wl, bl.reshape(1, D), Wr)


def _final_body(acc_ref, xdst_ref, wl_ref, bl_ref, wr_ref,
                cw1_ref, cb1_ref, cw2_ref, cb2_ref,
                rw1_ref, rb1_ref, rw2_ref, rb2_ref,
                x_out, pred_out, risk_out):
    a = acc_ref[...]
    mean = a[:, :D] / jnp.maximum(a[:, D:D + 1], 1.0)
    x = xdst_ref[...][:, :D]
    h = jnp.dot(mean, wl_ref[...], preferred_element_type=jnp.float32)
    h = h + bl_ref[...]
    h = h + jnp.dot(x, wr_ref[...], preferred_element_type=jnp.float32)
    h = jnp.maximum(h, 0.0)
    x_out[...] = h
    hc = jnp.dot(h, cw1_ref[...], preferred_element_type=jnp.float32)
    hc = jnp.maximum(hc + cb1_ref[...], 0.0)
    pred_out[...] = jnp.dot(hc, cw2_ref[...],
                            preferred_element_type=jnp.float32) + cb2_ref[...]
    hr = jnp.dot(h, rw1_ref[...], preferred_element_type=jnp.float32)
    hr = jnp.maximum(hr + rb1_ref[...], 0.0)
    risk_out[...] = jax.nn.sigmoid(
        jnp.dot(hr, rw2_ref[...], preferred_element_type=jnp.float32)
        + rb2_ref[...])


def _final(acc, xdst_tab, Wl, bl, Wr, cW1, cb1, cW2, cb2, rW1, rb1, rW2, rb2):
    H2 = D // 2
    full = lambda a, b: pl.BlockSpec((a, b), lambda i: (0, 0))
    return pl.pallas_call(
        _final_body,
        grid=(N // BT,),
        in_specs=[
            pl.BlockSpec((BT, W), lambda i: (i, 0)),
            pl.BlockSpec((BT, W), lambda i: (i, 0)),
            full(D, D), full(1, D), full(D, D),
            full(D, H2), full(1, H2), full(H2, 2), full(1, 2),
            full(D, H2), full(1, H2), full(H2, 1), full(1, 1),
        ],
        out_specs=[
            pl.BlockSpec((BT, D), lambda i: (i, 0)),
            pl.BlockSpec((BT, 2), lambda i: (i, 0)),
            pl.BlockSpec((BT, 1), lambda i: (i, 0)),
        ],
        out_shape=[
            jax.ShapeDtypeStruct((N, D), jnp.float32),
            jax.ShapeDtypeStruct((N, 2), jnp.float32),
            jax.ShapeDtypeStruct((N, 1), jnp.float32),
        ],
    )(acc, xdst_tab, Wl, bl.reshape(1, D), Wr,
      cW1, cb1.reshape(1, H2), cW2, cb2.reshape(1, 2),
      rW1, rb1.reshape(1, H2), rW2, rb2.reshape(1, 1))


def kernel(x_card, x_merchant, edge_index_c2m, edge_index_m2c, params):
    p = params
    ones = jnp.ones((N, W - D), jnp.float32)
    tab_c = jnp.concatenate([x_card, ones], axis=1)
    tab_m = jnp.concatenate([x_merchant, ones], axis=1)
    zeros = jnp.zeros((N, W), jnp.float32)

    def split(e):
        r = e.reshape(NS, EPT)
        return (r[:, :NCHUNK * CH].reshape(NS, NCHUNK, CH),
                r[:, NCHUNK * CH:])

    sc2m, sc2m_t = split(edge_index_c2m[0])
    dc2m, dc2m_t = split(edge_index_c2m[1])
    sm2c, sm2c_t = split(edge_index_m2c[0])
    dm2c, dm2c_t = split(edge_index_m2c[1])
    edges = (sc2m, dc2m, sm2c, dm2c, sc2m_t, dc2m_t, sm2c_t, dm2c_t)

    agg_m, agg_c = _sage_pair(tab_c, tab_m, *edges, zeros)
    tab_m1 = _transform(agg_m, tab_m, p['Wl_0_c2m'], p['bl_0_c2m'],
                        p['Wr_0_c2m'])
    tab_c1 = _transform(agg_c, tab_c, p['Wl_0_m2c'], p['bl_0_m2c'],
                        p['Wr_0_m2c'])

    agg_m2, agg_c2 = _sage_pair(tab_c1, tab_m1, *edges, zeros)
    x_m, pred_m, risk_m = _final(
        agg_m2, tab_m1, p['Wl_1_c2m'], p['bl_1_c2m'], p['Wr_1_c2m'],
        p['cW1_merchant'], p['cb1_merchant'], p['cW2_merchant'],
        p['cb2_merchant'], p['rW1'], p['rb1'], p['rW2'], p['rb2'])
    x_c, pred_c, risk_c = _final(
        agg_c2, tab_c1, p['Wl_1_m2c'], p['bl_1_m2c'], p['Wr_1_m2c'],
        p['cW1_card'], p['cb1_card'], p['cW2_card'], p['cb2_card'],
        p['rW1'], p['rb1'], p['rW2'], p['rb2'])

    return (x_c, x_m, pred_c, pred_m,
            risk_c.squeeze(-1), risk_m.squeeze(-1))

# --- scband reference (transcript-rebuilt; emitter-appended) ---
"""Pipeline reference for scband-hetero-graph-sage-29807073034770 (READ-ONLY COPY).

The authoritative reference and input builder live on the scoring server;
editing this copy changes nothing except your own understanding.
"""

import jax, jax.numpy as jnp
import numpy as np

N_CARD = 10000
N_MERCH = 10000
E = 320000
D = 128
H = 128

def _mk(key, shape, scale=0.05):
    return jax.random.normal(key, shape, dtype=jnp.float32) * scale

def setup_inputs(seed: int = 0):
    key = jax.random.key(seed)
    ks = iter(jax.random.split(key, 64))
    inp = {}
    inp['x_card'] = jax.random.normal(next(ks), (N_CARD, D), dtype=jnp.float32)
    inp['x_merchant'] = jax.random.normal(next(ks), (N_MERCH, D), dtype=jnp.float32)
    inp['edge_index_c2m'] = jax.random.randint(next(ks), (2, E), 0, N_CARD, dtype=jnp.int32)
    inp['edge_index_m2c'] = jax.random.randint(next(ks), (2, E), 0, N_MERCH, dtype=jnp.int32)
    params = {}
    for i in range(2):
        for et in ('c2m', 'm2c'):
            params['Wl_%d_%s' % (i, et)] = _mk(next(ks), (H, H))
            params['bl_%d_%s' % (i, et)] = jnp.zeros((H,), jnp.float32)
            params['Wr_%d_%s' % (i, et)] = _mk(next(ks), (H, H))
    for nt in ('card', 'merchant'):
        params['cW1_%s' % nt] = _mk(next(ks), (H, H // 2))
        params['cb1_%s' % nt] = jnp.zeros((H // 2,), jnp.float32)
        params['cW2_%s' % nt] = _mk(next(ks), (H // 2, 2))
        params['cb2_%s' % nt] = jnp.zeros((2,), jnp.float32)
    params['rW1'] = _mk(next(ks), (H, H // 2))
    params['rb1'] = jnp.zeros((H // 2,), jnp.float32)
    params['rW2'] = _mk(next(ks), (H // 2, 1))
    params['rb2'] = jnp.zeros((1,), jnp.float32)
    inp['params'] = params
    return inp

def _sage(x_src, x_dst, edge_index, Wl, bl, Wr):
    # PyG SAGEConv with mean aggregation (bipartite): lin_l(mean_j x_src[j]) + lin_r(x_dst)
    src = edge_index[0]
    dst = edge_index[1]
    msgs = jnp.take(x_src, src, axis=0)
    n_dst = x_dst.shape[0]
    agg = jax.ops.segment_sum(msgs, dst, num_segments=n_dst)
    cnt = jax.ops.segment_sum(jnp.ones((edge_index.shape[1],), jnp.float32), dst, num_segments=n_dst)
    mean = agg / jnp.clip(cnt, 1.0, None)[:, None]
    return mean @ Wl + bl + x_dst @ Wr

def _forward(x_card, x_merchant, e_c2m, e_m2c, p):
    for i in range(2):
        new_m = _sage(x_card, x_merchant, e_c2m, p['Wl_%d_c2m' % i], p['bl_%d_c2m' % i], p['Wr_%d_c2m' % i])
        new_c = _sage(x_merchant, x_card, e_m2c, p['Wl_%d_m2c' % i], p['bl_%d_m2c' % i], p['Wr_%d_m2c' % i])
        # HeteroConv aggr='mean': one edge type per dst node type -> identity mean.
        # ReLU then dropout (eval mode -> dropout is identity)
        x_card = jax.nn.relu(new_c)
        x_merchant = jax.nn.relu(new_m)
    pred_card = jax.nn.relu(x_card @ p['cW1_card'] + p['cb1_card']) @ p['cW2_card'] + p['cb2_card']
    pred_merchant = jax.nn.relu(x_merchant @ p['cW1_merchant'] + p['cb1_merchant']) @ p['cW2_merchant'] + p['cb2_merchant']
    risk_card = jax.nn.sigmoid(jax.nn.relu(x_card @ p['rW1'] + p['rb1']) @ p['rW2'] + p['rb2']).squeeze(-1)
    risk_merchant = jax.nn.sigmoid(jax.nn.relu(x_merchant @ p['rW1'] + p['rb1']) @ p['rW2'] + p['rb2']).squeeze(-1)
    return x_card, x_merchant, pred_card, pred_merchant, risk_card, risk_merchant

def reference(x_card, x_merchant, edge_index_c2m, edge_index_m2c, params):
    return _forward(x_card, x_merchant, edge_index_c2m, edge_index_m2c, params)

if __name__ == "__main__":
    import jax
    _d = setup_inputs()
    print(jax.jit(kernel)(*tuple(_d.values())))

</pallas_src>

<mosaic_0001>
#map = affine_map<(d0, d1) -> (0, 0)>
#map1 = affine_map<(d0, d1) -> (0, 0, 0)>
module attributes {stable_mosaic.version = 14 : i64} {
  func.func @k(%arg0: i32, %arg1: i32, %arg2: memref<10000x144xf32, #tpu.memory_space<hbm>>, %arg3: memref<10000x144xf32, #tpu.memory_space<hbm>>, %arg4: memref<16x156x128xi32, #tpu.memory_space<hbm>>, %arg5: memref<16x156x128xi32, #tpu.memory_space<hbm>>, %arg6: memref<16x156x128xi32, #tpu.memory_space<hbm>>, %arg7: memref<16x156x128xi32, #tpu.memory_space<hbm>>, %arg8: memref<16x32xi32, #tpu.memory_space<hbm>>, %arg9: memref<16x32xi32, #tpu.memory_space<hbm>>, %arg10: memref<16x32xi32, #tpu.memory_space<hbm>>, %arg11: memref<16x32xi32, #tpu.memory_space<hbm>>, %arg12: memref<10000x144xf32, #tpu.memory_space<hbm>>, %arg13: memref<10000x144xf32, #tpu.memory_space<hbm>>, %arg14: memref<10000x144xf32, #tpu.memory_space<hbm>>, %arg15: memref<12x128xi32, #tpu.memory_space<vmem>>, %arg16: memref<12x128xi32, #tpu.memory_space<vmem>>, %arg17: memref<32xi32, #tpu.memory_space<vmem>>, %arg18: memref<32xi32, #tpu.memory_space<vmem>>, %arg19: memref<128x144xf32, #tpu.memory_space<vmem>>, %arg20: memref<128x144xf32, #tpu.memory_space<vmem>>, %arg21: memref<10000x144xf32, #tpu.memory_space<vmem_shared>>, %arg22: memref<!tpu.dma_semaphore, #tpu.memory_space<semaphore_mem>>, %arg23: memref<!tpu.dma_semaphore, #tpu.memory_space<semaphore_mem>>, %arg24: memref<!tpu.dma_semaphore, #tpu.memory_space<semaphore_mem>>, %arg25: memref<!tpu.dma_semaphore, #tpu.memory_space<semaphore_mem>>) attributes {dimension_semantics = [#tpu.dimension_semantics<core_parallel>, #tpu.dimension_semantics<subcore_parallel>], iteration_bounds = array<i64: 2, 16>, scalar_prefetch = 0 : i64, scratch_operands = 11 : i64, tpu.core_type = #tpu.core_type<sc_vector_subcore>, window_params = [{transform_indices = #map}, {transform_indices = #map}, {transform_indices = #map1}, {transform_indices = #map1}, {transform_indices = #map1}, {transform_indices = #map1}, {transform_indices = #map}, {transform_indices = #map}, {transform_indices = #map}, {transform_indices = #map}, {transform_indices = #map}, {transform_indices = #map}, {transform_indices = #map}]} {
    %mul3A = arith.constant 624 : i32
    %mul3A_0 = arith.muli %arg1, %mul3A : i32
    %lt3A = arith.constant 15 : i32
    %lt3A_1 = arith.cmpi slt, %arg1, %lt3A : i32
    %convert_element_type3A = arith.extui %lt3A_1 : i1 to i32
    %cond3A = arith.constant 0 : i32
    %cond3A_2 = arith.cmpi ne, %convert_element_type3A, %cond3A : i32
    scf.if %cond3A_2 {
      "tpu.region"() ({
        %run_scoped3A = tpu.sem_alloc : memref<!tpu.dma_semaphore, #tpu.memory_space<semaphore_mem>>
        %dma_start3A = arith.constant 0 : i32
        %dma_start3A_28 = tpu.memref_slice %arg21[%mul3A_0, %dma_start3A] : memref<10000x144xf32, #tpu.memory_space<vmem_shared>> -> memref<624x144xf32, #tpu.memory_space<vmem_shared>>
        %dma_start3A_29 = arith.constant 0 : i32
        %dma_start3A_30 = tpu.memref_slice %arg12[%mul3A_0, %dma_start3A_29] : memref<10000x144xf32, #tpu.memory_space<hbm>> -> memref<624x144xf32, #tpu.memory_space<hbm>>
        tpu.enqueue_dma source(%dma_start3A_30 : memref<624x144xf32, #tpu.memory_space<hbm>>) target(%dma_start3A_28 : memref<624x144xf32, #tpu.memory_space<vmem_shared>>) target_semaphore(%run_scoped3A : memref<!tpu.dma_semaphore, #tpu.memory_space<semaphore_mem>>)
        %dma_wait3A = arith.constant 0 : i32
        %dma_wait3A_31 = tpu.memref_slice %arg21[%mul3A_0, %dma_wait3A] : memref<10000x144xf32, #tpu.memory_space<vmem_shared>> -> memref<624x144xf32, #tpu.memory_space<vmem_shared>>
        %dma_wait3A_32 = arith.constant 0 : i32
        %dma_wait3A_33 = tpu.memref_slice %arg12[%mul3A_0, %dma_wait3A_32] : memref<10000x144xf32, #tpu.memory_space<hbm>> -> memref<624x144xf32, #tpu.memory_space<hbm>>
        tpu.wait_dma2 semaphore(%run_scoped3A : memref<!tpu.dma_semaphore, #tpu.memory_space<semaphore_mem>>) src(%dma_wait3A_33 : memref<624x144xf32, #tpu.memory_space<hbm>>) dst(%dma_wait3A_31 : memref<624x144xf32, #tpu.memory_space<vmem_shared>>)
        tpu.yield
      }) : () -> ()
    } else {
    }
    %eq3A = arith.constant 15 : i32
    %eq3A_3 = arith.cmpi eq, %arg1, %eq3A : i32
    %convert_element_type3A_4 = arith.extui %eq3A_3 : i1 to i32
    %cond3A_5 = arith.constant 0 : i32
    %cond3A_6 = arith.cmpi ne, %convert_element_type3A_4, %cond3A_5 : i32
    scf.if %cond3A_6 {
      "tpu.region"() ({
        %run_scoped3A = tpu.sem_alloc : memref<!tpu.dma_semaphore, #tpu.memory_space<semaphore_mem>>
        %dma_start3A = arith.constant 9360 : i32
        %dma_start3A_28 = arith.constant 0 : i32
        %dma_start3A_29 = tpu.memref_slice %arg21[%dma_start3A, %dma_start3A_28] : memref<10000x144xf32, #tpu.memory_space<vmem_shared>> -> memref<640x144xf32, #tpu.memory_space<vmem_shared>>
        %dma_start3A_30 = arith.constant 9360 : i32
        %dma_start3A_31 = arith.constant 0 : i32
        %dma_start3A_32 = tpu.memref_slice %arg12[%dma_start3A_30, %dma_start3A_31] : memref<10000x144xf32, #tpu.memory_space<hbm>> -> memref<640x144xf32, #tpu.memory_space<hbm>>
        tpu.enqueue_dma source(%dma_start3A_32 : memref<640x144xf32, #tpu.memory_space<hbm>>) target(%dma_start3A_29 : memref<640x144xf32, #tpu.memory_space<vmem_shared>>) target_semaphore(%run_scoped3A : memref<!tpu.dma_semaphore, #tpu.memory_space<semaphore_mem>>)
        %dma_wait3A = arith.constant 9360 : i32
        %dma_wait3A_33 = arith.constant 0 : i32
        %dma_wait3A_34 = tpu.memref_slice %arg21[%dma_wait3A, %dma_wait3A_33] : memref<10000x144xf32, #tpu.memory_space<vmem_shared>> -> memref<640x144xf32, #tpu.memory_space<vmem_shared>>
        %dma_wait3A_35 = arith.constant 9360 : i32
        %dma_wait3A_36 = arith.constant 0 : i32
        %dma_wait3A_37 = tpu.memref_slice %arg12[%dma_wait3A_35, %dma_wait3A_36] : memref<10000x144xf32, #tpu.memory_space<hbm>> -> memref<640x144xf32, #tpu.memory_space<hbm>>
        tpu.wait_dma2 semaphore(%run_scoped3A : memref<!tpu.dma_semaphore, #tpu.memory_space<semaphore_mem>>) src(%dma_wait3A_37 : memref<640x144xf32, #tpu.memory_space<hbm>>) dst(%dma_wait3A_34 : memref<640x144xf32, #tpu.memory_space<vmem_shared>>)
        tpu.yield
      }) : () -> ()
    } else {
    }
    %barrier3A = arith.constant 0 : index
    tpu.barrier barrier_id(%barrier3A)
    %eq3A_7 = arith.constant 0 : i32
    %eq3A_8 = arith.cmpi eq, %arg0, %eq3A_7 : i32
    %convert_element_type3A_9 = arith.extui %eq3A_8 : i1 to i32
    %cond3A_10 = arith.constant 0 : i32
    %cond3A_11 = arith.cmpi ne, %convert_element_type3A_9, %cond3A_10 : i32
    scf.if %cond3A_11 {
      %scan3A = arith.constant 0 : i32
      %scan3A_28 = arith.constant 13 : i32
      %scan3A_29 = arith.addi %scan3A, %scan3A_28 : i32
      %scan3A_30 = arith.constant 1 : i32
      scf.for %scan3A_42 = %scan3A to %scan3A_29 step %scan3A_30  : i32 {
        %mul3A_43 = arith.constant 1 : i32
        %mul3A_44 = arith.muli %scan3A_42, %mul3A_43 : i32
        %add3A = arith.constant 0 : i32
        %add3A_45 = arith.addi %add3A, %mul3A_44 : i32
        %mul3A_46 = arith.constant 12 : i32
        %mul3A_47 = arith.muli %add3A_45, %mul3A_46 : i32
        "tpu.region"() ({
          %run_scoped3A = tpu.sem_alloc : memref<!tpu.dma_semaphore, #tpu.memory_space<semaphore_mem>>
          %dma_start3A_69 = arith.constant 0 : i32
          %dma_start3A_70 = arith.constant 0 : i32
          %dma_start3A_71 = tpu.memref_slice %arg4[%arg1, %dma_start3A_69, %dma_start3A_70] : memref<16x156x128xi32, #tpu.memory_space<hbm>> -> memref<1x156x128xi32, #tpu.memory_space<hbm>>
          %dma_start3A_72 = tpu.memref_squeeze %dma_start3A_71 : memref<1x156x128xi32, #tpu.memory_space<hbm>> -> memref<156x128xi32, #tpu.memory_space<hbm>>
          %dma_start3A_73 = arith.constant 0 : i32
          %dma_start3A_74 = tpu.memref_slice %dma_start3A_72[%mul3A_47, %dma_start3A_73] : memref<156x128xi32, #tpu.memory_space<hbm>> -> memref<12x128xi32, #tpu.memory_space<hbm>>
          %dma_start3A_75 = arith.constant 0 : i32
          %dma_start3A_76 = arith.constant 0 : i32
          %dma_start3A_77 = tpu.memref_slice %arg4[%arg1, %dma_start3A_75, %dma_start3A_76] : memref<16x156x128xi32, #tpu.memory_space<hbm>> -> memref<1x156x128xi32, #tpu.memory_space<hbm>>
          %dma_start3A_78 = tpu.memref_squeeze %dma_start3A_77 : memref<1x156x128xi32, #tpu.memory_space<hbm>> -> memref<156x128xi32, #tpu.memory_space<hbm>>
          %dma_start3A_79 = arith.constant 0 : i32
          %dma_start3A_80 = tpu.memref_slice %dma_start3A_78[%mul3A_47, %dma_start3A_79] : memref<156x128xi32, #tpu.memory_space<hbm>> -> memref<12x128xi32, #tpu.memory_space<hbm>>
          tpu.enqueue_dma source(%dma_start3A_80 : memref<12x128xi32, #tpu.memory_space<hbm>>) target(%arg15 : memref<12x128xi32, #tpu.memory_space<vmem>>) target_semaphore(%run_scoped3A : memref<!tpu.dma_semaphore, #tpu.memory_space<semaphore_mem>>)
          %dma_wait3A_81 = arith.constant 0 : i32
          %dma_wait3A_82 = arith.constant 0 : i32
          %dma_wait3A_83 = tpu.memref_slice %arg4[%arg1, %dma_wait3A_81, %dma_wait3A_82] : memref<16x156x128xi32, #tpu.memory_space<hbm>> -> memref<1x156x128xi32, #tpu.memory_space<hbm>>
          %dma_wait3A_84 = tpu.memref_squeeze %dma_wait3A_83 : memref<1x156x128xi32, #tpu.memory_space<hbm>> -> memref<156x128xi32, #tpu.memory_space<hbm>>
          %dma_wait3A_85 = arith.constant 0 : i32
          %dma_wait3A_86 = tpu.memref_slice %dma_wait3A_84[%mul3A_47, %dma_wait3A_85] : memref<156x128xi32, #tpu.memory_space<hbm>> -> memref<12x128xi32, #tpu.memory_space<hbm>>
          %dma_wait3A_87 = arith.constant 0 : i32
          %dma_wait3A_88 = arith.constant 0 : i32
          %dma_wait3A_89 = tpu.memref_slice %arg4[%arg1, %dma_wait3A_87, %dma_wait3A_88] : memref<16x156x128xi32, #tpu.memory_space<hbm>> -> memref<1x156x128xi32, #tpu.memory_space<hbm>>
          %dma_wait3A_90 = tpu.memref_squeeze %dma_wait3A_89 : memref<1x156x128xi32, #tpu.memory_space<hbm>> -> memref<156x128xi32, #tpu.memory_space<hbm>>
          %dma_wait3A_91 = arith.constant 0 : i32
          %dma_wait3A_92 = tpu.memref_slice %dma_wait3A_90[%mul3A_47, %dma_wait3A_91] : memref<156x128xi32, #tpu.memory_space<hbm>> -> memref<12x128xi32, #tpu.memory_space<hbm>>
          tpu.wait_dma2 semaphore(%run_scoped3A : memref<!tpu.dma_semaphore, #tpu.memory_space<semaphore_mem>>) src(%dma_wait3A_92 : memref<12x128xi32, #tpu.memory_space<hbm>>) dst(%arg15 : memref<12x128xi32, #tpu.memory_space<vmem>>)
          tpu.yield
        }) : () -> ()
        %mul3A_48 = arith.constant 12 : i32
        %mul3A_49 = arith.muli %add3A_45, %mul3A_48 : i32
        "tpu.region"() ({
          %run_scoped3A = tpu.sem_alloc : memref<!tpu.dma_semaphore, #tpu.memory_space<semaphore_mem>>
          %dma_start3A_69 = arith.constant 0 : i32
          %dma_start3A_70 = arith.constant 0 : i32
          %dma_start3A_71 = tpu.memref_slice %arg5[%arg1, %dma_start3A_69, %dma_start3A_70] : memref<16x156x128xi32, #tpu.memory_space<hbm>> -> memref<1x156x128xi32, #tpu.memory_space<hbm>>
          %dma_start3A_72 = tpu.memref_squeeze %dma_start3A_71 : memref<1x156x128xi32, #tpu.memory_space<hbm>> -> memref<156x128xi32, #tpu.memory_space<hbm>>
          %dma_start3A_73 = arith.constant 0 : i32
          %dma_start3A_74 = tpu.memref_slice %dma_start3A_72[%mul3A_49, %dma_start3A_73] : memref<156x128xi32, #tpu.memory_space<hbm>> -> memref<12x128xi32, #tpu.memory_space<hbm>>
          %dma_start3A_75 = arith.constant 0 : i32
          %dma_start3A_76 = arith.constant 0 : i32
          %dma_start3A_77 = tpu.memref_slice %arg5[%arg1, %dma_start3A_75, %dma_start3A_76] : memref<16x156x128xi32, #tpu.memory_space<hbm>> -> memref<1x156x128xi32, #tpu.memory_space<hbm>>
          %dma_start3A_78 = tpu.memref_squeeze %dma_start3A_77 : memref<1x156x128xi32, #tpu.memory_space<hbm>> -> memref<156x128xi32, #tpu.memory_space<hbm>>
          %dma_start3A_79 = arith.constant 0 : i32
          %dma_start3A_80 = tpu.memref_slice %dma_start3A_78[%mul3A_49, %dma_start3A_79] : memref<156x128xi32, #tpu.memory_space<hbm>> -> memref<12x128xi32, #tpu.memory_space<hbm>>
          tpu.enqueue_dma source(%dma_start3A_80 : memref<12x128xi32, #tpu.memory_space<hbm>>) target(%arg16 : memref<12x128xi32, #tpu.memory_space<vmem>>) target_semaphore(%run_scoped3A : memref<!tpu.dma_semaphore, #tpu.memory_space<semaphore_mem>>)
          %dma_wait3A_81 = arith.constant 0 : i32
          %dma_wait3A_82 = arith.constant 0 : i32
          %dma_wait3A_83 = tpu.memref_slice %arg5[%arg1, %dma_wait3A_81, %dma_wait3A_82] : memref<16x156x128xi32, #tpu.memory_space<hbm>> -> memref<1x156x128xi32, #tpu.memory_space<hbm>>
          %dma_wait3A_84 = tpu.memref_squeeze %dma_wait3A_83 : memref<1x156x128xi32, #tpu.memory_space<hbm>> -> memref<156x128xi32, #tpu.memory_space<hbm>>
          %dma_wait3A_85 = arith.constant 0 : i32
          %dma_wait3A_86 = tpu.memref_slice %dma_wait3A_84[%mul3A_49, %dma_wait3A_85] : memref<156x128xi32, #tpu.memory_space<hbm>> -> memref<12x128xi32, #tpu.memory_space<hbm>>
          %dma_wait3A_87 = arith.constant 0 : i32
          %dma_wait3A_88 = arith.constant 0 : i32
          %dma_wait3A_89 = tpu.memref_slice %arg5[%arg1, %dma_wait3A_87, %dma_wait3A_88] : memref<16x156x128xi32, #tpu.memory_space<hbm>> -> memref<1x156x128xi32, #tpu.memory_space<hbm>>
          %dma_wait3A_90 = tpu.memref_squeeze %dma_wait3A_89 : memref<1x156x128xi32, #tpu.memory_space<hbm>> -> memref<156x128xi32, #tpu.memory_space<hbm>>
          %dma_wait3A_91 = arith.constant 0 : i32
          %dma_wait3A_92 = tpu.memref_slice %dma_wait3A_90[%mul3A_49, %dma_wait3A_91] : memref<156x128xi32, #tpu.memory_space<hbm>> -> memref<12x128xi32, #tpu.memory_space<hbm>>
          tpu.wait_dma2 semaphore(%run_scoped3A : memref<!tpu.dma_semaphore, #tpu.memory_space<semaphore_mem>>) src(%dma_wait3A_92 : memref<12x128xi32, #tpu.memory_space<hbm>>) dst(%arg16 : memref<12x128xi32, #tpu.memory_space<vmem>>)
          tpu.yield
        }) : () -> ()
        %dma_start3A_50 = arith.constant 0 : i32
        %dma_start3A_51 = arith.constant 0 : i32
        %dma_start3A_52 = tpu.memref_slice %arg15[%dma_start3A_50, %dma_start3A_51] : memref<12x128xi32, #tpu.memory_space<vmem>> -> memref<1x128xi32, #tpu.memory_space<vmem>>
        %dma_start3A_53 = tpu.memref_squeeze %dma_start3A_52 : memref<1x128xi32, #tpu.memory_space<vmem>> -> memref<128xi32, #tpu.memory_space<vmem>>
        %dma_start3A_54 = arith.constant 0 : i32
        %dma_start3A_55 = arith.constant 0 : i32
        %dma_start3A_56 = tpu.memref_slice %arg2[%dma_start3A_54, %dma_start3A_55] : memref<10000x144xf32, #tpu.memory_space<hbm>> -> memref<10000x144xf32, #tpu.memory_space<hbm>>
        tpu.enqueue_indirect_dma source(%dma_start3A_56 : memref<10000x144xf32, #tpu.memory_space<hbm>>) target(%arg19 : memref<128x144xf32, #tpu.memory_space<vmem>>) offsets(%dma_start3A_53 : memref<128xi32, #tpu.memory_space<vmem>>) semaphore(%arg22 : memref<!tpu.dma_semaphore, #tpu.memory_space<semaphore_mem>>)
        %dma_start3A_57 = arith.constant 1 : i32
        %dma_start3A_58 = arith.constant 0 : i32
        %dma_start3A_59 = tpu.memref_slice %arg15[%dma_start3A_57, %dma_start3A_58] : memref<12x128xi32, #tpu.memory_space<vmem>> -> memref<1x128xi32, #tpu.memory_space<vmem>>
        %dma_start3A_60 = tpu.memref_squeeze %dma_start3A_59 : memref<1x128xi32, #tpu.memory_space<vmem>> -> memref<128xi32, #tpu.memory_space<vmem>>
        %dma_start3A_61 = arith.constant 0 : i32
        %dma_start3A_62 = arith.constant 0 : i32
        %dma_start3A_63 = tpu.memref_slice %arg2[%dma_start3A_61, %dma_start3A_62] : memref<10000x144xf32, #tpu.memory_space<hbm>> -> memref<10000x144xf32, #tpu.memory_space<hbm>>
        tpu.enqueue_indirect_dma source(%dma_start3A_63 : memref<10000x144xf32, #tpu.memory_space<hbm>>) target(%arg20 : memref<128x144xf32, #tpu.memory_space<vmem>>) offsets(%dma_start3A_60 : memref<128xi32, #tpu.memory_space<vmem>>) semaphore(%arg23 : memref<!tpu.dma_semaphore, #tpu.memory_space<semaphore_mem>>)
        %scan3A_64 = arith.constant 0 : i32
        %scan3A_65 = arith.constant 6 : i32
        %scan3A_66 = arith.addi %scan3A_64, %scan3A_65 : i32
        %scan3A_67 = arith.constant 1 : i32
        scf.for %scan3A_69 = %scan3A_64 to %scan3A_66 step %scan3A_67  : i32 {
          %mul3A_70 = arith.constant 2 : i32
          %mul3A_71 = arith.muli %scan3A_69, %mul3A_70 : i32
          %add3A_72 = arith.constant 0 : i32
          %add3A_73 = arith.addi %add3A_72, %mul3A_71 : i32
          %dma_wait3A_74 = arith.constant 0 : i32
          %dma_wait3A_75 = tpu.memref_slice %arg15[%add3A_73, %dma_wait3A_74] : memref<12x128xi32, #tpu.memory_space<vmem>> -> memref<1x128xi32, #tpu.memory_space<vmem>>
          %dma_wait3A_76 = tpu.memref_squeeze %dma_wait3A_75 : memref<1x128xi32, #tpu.memory_space<vmem>> -> memref<128xi32, #tpu.memory_space<vmem>>
          %dma_wait3A_77 = arith.constant 0 : i32
          %dma_wait3A_78 = arith.constant 0 : i32
          %dma_wait3A_79 = tpu.memref_slice %arg2[%dma_wait3A_77, %dma_wait3A_78] : memref<10000x144xf32, #tpu.memory_space<hbm>> -> memref<10000x144xf32, #tpu.memory_space<hbm>>
          tpu.wait_indirect_dma semaphore(%arg22 : memref<!tpu.dma_semaphore, #tpu.memory_space<semaphore_mem>>) src(%dma_wait3A_79 : memref<10000x144xf32, #tpu.memory_space<hbm>>) dst(%arg19 : memref<128x144xf32, #tpu.memory_space<vmem>>)
          %dma_start3A_80 = arith.constant 0 : i32
          %dma_start3A_81 = tpu.memref_slice %arg16[%add3A_73, %dma_start3A_80] : memref<12x128xi32, #tpu.memory_space<vmem>> -> memref<1x128xi32, #tpu.memory_space<vmem>>
          %dma_start3A_82 = tpu.memref_squeeze %dma_start3A_81 : memref<1x128xi32, #tpu.memory_space<vmem>> -> memref<128xi32, #tpu.memory_space<vmem>>
          %dma_start3A_83 = arith.constant 0 : i32
          %dma_start3A_84 = arith.constant 0 : i32
          %dma_start3A_85 = tpu.memref_slice %arg21[%dma_start3A_83, %dma_start3A_84] : memref<10000x144xf32, #tpu.memory_space<vmem_shared>> -> memref<10000x144xf32, #tpu.memory_space<vmem_shared>>
          tpu.enqueue_indirect_dma source(%arg19 : memref<128x144xf32, #tpu.memory_space<vmem>>) target(%dma_start3A_85 : memref<10000x144xf32, #tpu.memory_space<vmem_shared>>) offsets(%dma_start3A_82 : memref<128xi32, #tpu.memory_space<vmem>>) semaphore(%arg24 : memref<!tpu.dma_semaphore, #tpu.memory_space<semaphore_mem>>) {add = true}
          %add3A_86 = arith.constant 1 : i32
          %add3A_87 = arith.addi %add3A_73, %add3A_86 : i32
          %dma_wait3A_88 = arith.constant 0 : i32
          %dma_wait3A_89 = tpu.memref_slice %arg15[%add3A_87, %dma_wait3A_88] : memref<12x128xi32, #tpu.memory_space<vmem>> -> memref<1x128xi32, #tpu.memory_space<vmem>>
          %dma_wait3A_90 = tpu.memref_squeeze %dma_wait3A_89 : memref<1x128xi32, #tpu.memory_space<vmem>> -> memref<128xi32, #tpu.memory_space<vmem>>
          %dma_wait3A_91 = arith.constant 0 : i32
          %dma_wait3A_92 = arith.constant 0 : i32
          %dma_wait3A_93 = tpu.memref_slice %arg2[%dma_wait3A_91, %dma_wait3A_92] : memref<10000x144xf32, #tpu.memory_space<hbm>> -> memref<10000x144xf32, #tpu.memory_space<hbm>>
          tpu.wait_indirect_dma semaphore(%arg23 : memref<!tpu.dma_semaphore, #tpu.memory_space<semaphore_mem>>) src(%dma_wait3A_93 : memref<10000x144xf32, #tpu.memory_space<hbm>>) dst(%arg20 : memref<128x144xf32, #tpu.memory_space<vmem>>)
          %add3A_94 = arith.constant 1 : i32
          %add3A_95 = arith.addi %add3A_73, %add3A_94 : i32
          %dma_start3A_96 = arith.constant 0 : i32
          %dma_start3A_97 = tpu.memref_slice %arg16[%add3A_95, %dma_start3A_96] : memref<12x128xi32, #tpu.memory_space<vmem>> -> memref<1x128xi32, #tpu.memory_space<vmem>>
          %dma_start3A_98 = tpu.memref_squeeze %dma_start3A_97 : memref<1x128xi32, #tpu.memory_space<vmem>> -> memref<128xi32, #tpu.memory_space<vmem>>
          %dma_start3A_99 = arith.constant 0 : i32
          %dma_start3A_100 = arith.constant 0 : i32
          %dma_start3A_101 = tpu.memref_slice %arg21[%dma_start3A_99, %dma_start3A_100] : memref<10000x144xf32, #tpu.memory_space<vmem_shared>> -> memref<10000x144xf32, #tpu.memory_space<vmem_shared>>
          tpu.enqueue_indirect_dma source(%arg20 : memref<128x144xf32, #tpu.memory_space<vmem>>) target(%dma_start3A_101 : memref<10000x144xf32, #tpu.memory_space<vmem_shared>>) offsets(%dma_start3A_98 : memref<128xi32, #tpu.memory_space<vmem>>) semaphore(%arg25 : memref<!tpu.dma_semaphore, #tpu.memory_space<semaphore_mem>>) {add = true}
          %dma_wait3A_102 = arith.constant 0 : i32
          %dma_wait3A_103 = tpu.memref_slice %arg16[%add3A_73, %dma_wait3A_102] : memref<12x128xi32, #tpu.memory_space<vmem>> -> memref<1x128xi32, #tpu.memory_space<vmem>>
          %dma_wait3A_104 = tpu.memref_squeeze %dma_wait3A_103 : memref<1x128xi32, #tpu.memory_space<vmem>> -> memref<128xi32, #tpu.memory_space<vmem>>
          %dma_wait3A_105 = arith.constant 0 : i32
          %dma_wait3A_106 = arith.constant 0 : i32
          %dma_wait3A_107 = tpu.memref_slice %arg21[%dma_wait3A_105, %dma_wait3A_106] : memref<10000x144xf32, #tpu.memory_space<vmem_shared>> -> memref<10000x144xf32, #tpu.memory_space<vmem_shared>>
          tpu.wait_indirect_dma semaphore(%arg24 : memref<!tpu.dma_semaphore, #tpu.memory_space<semaphore_mem>>) src(%arg19 : memref<128x144xf32, #tpu.memory_space<vmem>>) dst(%dma_wait3A_107 : memref<10000x144xf32, #tpu.memory_space<vmem_shared>>)
          %add3A_108 = arith.constant 2 : i32
          %add3A_109 = arith.addi %add3A_73, %add3A_108 : i32
          %lt3A_110 = arith.constant 12 : i32
          %lt3A_111 = arith.cmpi slt, %add3A_109, %lt3A_110 : i32
          %convert_element_type3A_112 = arith.extui %lt3A_111 : i1 to i32
          %cond3A_113 = arith.constant 0 : i32
          %cond3A_114 = arith.cmpi ne, %convert_element_type3A_112, %cond3A_113 : i32
          scf.if %cond3A_114 {
            %add3A_130 = arith.constant 2 : i32
            %add3A_131 = arith.addi %add3A_73, %add3A_130 : i32
            %dma_start3A_132 = arith.constant 0 : i32
            %dma_start3A_133 = tpu.memref_slice %arg15[%add3A_131, %dma_start3A_132] : memref<12x128xi32, #tpu.memory_space<vmem>> -> memref<1x128xi32, #tpu.memory_space<vmem>>
            %dma_start3A_134 = tpu.memref_squeeze %dma_start3A_133 : memref<1x128xi32, #tpu.memory_space<vmem>> -> memref<128xi32, #tpu.memory_space<vmem>>
            %dma_start3A_135 = arith.constant 0 : i32
            %dma_start3A_136 = arith.constant 0 : i32
            %dma_start3A_137 = tpu.memref_slice %arg2[%dma_start3A_135, %dma_start3A_136] : memref<10000x144xf32, #tpu.memory_space<hbm>> -> memref<10000x144xf32, #tpu.memory_space<hbm>>
            tpu.enqueue_indirect_dma source(%dma_start3A_137 : memref<10000x144xf32, #tpu.memory_space<hbm>>) target(%arg19 : memref<128x144xf32, #tpu.memory_space<vmem>>) offsets(%dma_start3A_134 : memref<128xi32, #tpu.memory_space<vmem>>) semaphore(%arg22 : memref<!tpu.dma_semaphore, #tpu.memory_space<semaphore_mem>>)
          } else {
          }
          %add3A_115 = arith.constant 1 : i32
          %add3A_116 = arith.addi %add3A_73, %add3A_115 : i32
          %dma_wait3A_117 = arith.constant 0 : i32
          %dma_wait3A_118 = tpu.memref_slice %arg16[%add3A_116, %dma_wait3A_117] : memref<12x128xi32, #tpu.memory_space<vmem>> -> memref<1x128xi32, #tpu.memory_space<vmem>>
          %dma_wait3A_119 = tpu.memref_squeeze %dma_wait3A_118 : memref<1x128xi32, #tpu.memory_space<vmem>> -> memref<128xi32, #tpu.memory_space<vmem>>
          %dma_wait3A_120 = arith.constant 0 : i32
          %dma_wait3A_121 = arith.constant 0 : i32
          %dma_wait3A_122 = tpu.memref_slice %arg21[%dma_wait3A_120, %dma_wait3A_121] : memref<10000x144xf32, #tpu.memory_space<vmem_shared>> -> memref<10000x144xf32, #tpu.memory_space<vmem_shared>>
          tpu.wait_indirect_dma semaphore(%arg25 : memref<!tpu.dma_semaphore, #tpu.memory_space<semaphore_mem>>) src(%arg20 : memref<128x144xf32, #tpu.memory_space<vmem>>) dst(%dma_wait3A_122 : memref<10000x144xf32, #tpu.memory_space<vmem_shared>>)
          %add3A_123 = arith.constant 3 : i32
          %add3A_124 = arith.addi %add3A_73, %add3A_123 : i32
          %lt3A_125 = arith.constant 12 : i32
          %lt3A_126 = arith.cmpi slt, %add3A_124, %lt3A_125 : i32
          %convert_element_type3A_127 = arith.extui %lt3A_126 : i1 to i32
          %cond3A_128 = arith.constant 0 : i32
          %cond3A_129 = arith.cmpi ne, %convert_element_type3A_127, %cond3A_128 : i32
          scf.if %cond3A_129 {
            %add3A_130 = arith.constant 3 : i32
            %add3A_131 = arith.addi %add3A_73, %add3A_130 : i32
            %dma_start3A_132 = arith.constant 0 : i32
            %dma_start3A_133 = tpu.memref_slice %arg15[%add3A_131, %dma_start3A_132] : memref<12x128xi32, #tpu.memory_space<vmem>> -> memref<1x128xi32, #tpu.memory_space<vmem>>
            %dma_start3A_134 = tpu.memref_squeeze %dma_start3A_133 : memref<1x128xi32, #tpu.memory_space<vmem>> -> memref<128xi32, #tpu.memory_space<vmem>>
            %dma_start3A_135 = arith.constant 0 : i32
            %dma_start3A_136 = arith.constant 0 : i32
            %dma_start3A_137 = tpu.memref_slice %arg2[%dma_start3A_135, %dma_start3A_136] : memref<10000x144xf32, #tpu.memory_space<hbm>> -> memref<10000x144xf32, #tpu.memory_space<hbm>>
            tpu.enqueue_indirect_dma source(%dma_start3A_137 : memref<10000x144xf32, #tpu.memory_space<hbm>>) target(%arg20 : memref<128x144xf32, #tpu.memory_space<vmem>>) offsets(%dma_start3A_134 : memref<128xi32, #tpu.memory_space<vmem>>) semaphore(%arg23 : memref<!tpu.dma_semaphore, #tpu.memory_space<semaphore_mem>>)
          } else {
          }
        }
        %scan3A_68 = arith.constant 6 : i32
      }
      %scan3A_31 = arith.constant 13 : i32
      "tpu.region"() ({
        %run_scoped3A = tpu.sem_alloc : memref<!tpu.dma_semaphore, #tpu.memory_space<semaphore_mem>>
        %dma_start3A_42 = arith.constant 0 : i32
        %dma_start3A_43 = tpu.memref_slice %arg8[%arg1, %dma_start3A_42] : memref<16x32xi32, #tpu.memory_space<hbm>> -> memref<1x32xi32, #tpu.memory_space<hbm>>
        %dma_start3A_44 = tpu.memref_squeeze %dma_start3A_43 : memref<1x32xi32, #tpu.memory_space<hbm>> -> memref<32xi32, #tpu.memory_space<hbm>>
        %dma_start3A_45 = arith.constant 0 : i32
        %dma_start3A_46 = tpu.memref_slice %arg8[%arg1, %dma_start3A_45] : memref<16x32xi32, #tpu.memory_space<hbm>> -> memref<1x32xi32, #tpu.memory_space<hbm>>
        %dma_start3A_47 = tpu.memref_squeeze %dma_start3A_46 : memref<1x32xi32, #tpu.memory_space<hbm>> -> memref<32xi32, #tpu.memory_space<hbm>>
        tpu.enqueue_dma source(%dma_start3A_47 : memref<32xi32, #tpu.memory_space<hbm>>) target(%arg17 : memref<32xi32, #tpu.memory_space<vmem>>) target_semaphore(%run_scoped3A : memref<!tpu.dma_semaphore, #tpu.memory_space<semaphore_mem>>)
        %dma_wait3A_48 = arith.constant 0 : i32
        %dma_wait3A_49 = tpu.memref_slice %arg8[%arg1, %dma_wait3A_48] : memref<16x32xi32, #tpu.memory_space<hbm>> -> memref<1x32xi32, #tpu.memory_space<hbm>>
        %dma_wait3A_50 = tpu.memref_squeeze %dma_wait3A_49 : memref<1x32xi32, #tpu.memory_space<hbm>> -> memref<32xi32, #tpu.memory_space<hbm>>
        %dma_wait3A_51 = arith.constant 0 : i32
        %dma_wait3A_52 = tpu.memref_slice %arg8[%arg1, %dma_wait3A_51] : memref<16x32xi32, #tpu.memory_space<hbm>> -> memref<1x32xi32, #tpu.memory_space<hbm>>
        %dma_wait3A_53 = tpu.memref_squeeze %dma_wait3A_52 : memref<1x32xi32, #tpu.memory_space<hbm>> -> memref<32xi32, #tpu.memory_space<hbm>>
        tpu.wait_dma2 semaphore(%run_scoped3A : memref<!tpu.dma_semaphore, #tpu.memory_space<semaphore_mem>>) src(%dma_wait3A_53 : memref<32xi32, #tpu.memory_space<hbm>>) dst(%arg17 : memref<32xi32, #tpu.memory_space<vmem>>)
        tpu.yield
      }) : () -> ()
      "tpu.region"() ({
        %run_scoped3A = tpu.sem_alloc : memref<!tpu.dma_semaphore, #tpu.memory_space<semaphore_mem>>
        %dma_start3A_42 = arith.constant 0 : i32
        %dma_start3A_43 = tpu.memref_slice %arg9[%arg1, %dma_start3A_42] : memref<16x32xi32, #tpu.memory_space<hbm>> -> memref<1x32xi32, #tpu.memory_space<hbm>>
        %dma_start3A_44 = tpu.memref_squeeze %dma_start3A_43 : memref<1x32xi32, #tpu.memory_space<hbm>> -> memref<32xi32, #tpu.memory_space<hbm>>
        %dma_start3A_45 = arith.constant 0 : i32
        %dma_start3A_46 = tpu.memref_slice %arg9[%arg1, %dma_start3A_45] : memref<16x32xi32, #tpu.memory_space<hbm>> -> memref<1x32xi32, #tpu.memory_space<hbm>>
        %dma_start3A_47 = tpu.memref_squeeze %dma_start3A_46 : memref<1x32xi32, #tpu.memory_space<hbm>> -> memref<32xi32, #tpu.memory_space<hbm>>
        tpu.enqueue_dma source(%dma_start3A_47 : memref<32xi32, #tpu.memory_space<hbm>>) target(%arg18 : memref<32xi32, #tpu.memory_space<vmem>>) target_semaphore(%run_scoped3A : memref<!tpu.dma_semaphore, #tpu.memory_space<semaphore_mem>>)
        %dma_wait3A_48 = arith.constant 0 : i32
        %dma_wait3A_49 = tpu.memref_slice %arg9[%arg1, %dma_wait3A_48] : memref<16x32xi32, #tpu.memory_space<hbm>> -> memref<1x32xi32, #tpu.memory_space<hbm>>
        %dma_wait3A_50 = tpu.memref_squeeze %dma_wait3A_49 : memref<1x32xi32, #tpu.memory_space<hbm>> -> memref<32xi32, #tpu.memory_space<hbm>>
        %dma_wait3A_51 = arith.constant 0 : i32
        %dma_wait3A_52 = tpu.memref_slice %arg9[%arg1, %dma_wait3A_51] : memref<16x32xi32, #tpu.memory_space<hbm>> -> memref<1x32xi32, #tpu.memory_space<hbm>>
        %dma_wait3A_53 = tpu.memref_squeeze %dma_wait3A_52 : memref<1x32xi32, #tpu.memory_space<hbm>> -> memref<32xi32, #tpu.memory_space<hbm>>
        tpu.wait_dma2 semaphore(%run_scoped3A : memref<!tpu.dma_semaphore, #tpu.memory_space<semaphore_mem>>) src(%dma_wait3A_53 : memref<32xi32, #tpu.memory_space<hbm>>) dst(%arg18 : memref<32xi32, #tpu.memory_space<vmem>>)
        tpu.yield
      }) : () -> ()
      %dma_start3A = arith.constant 0 : i32
      %dma_start3A_32 = arith.constant 0 : i32
      %dma_start3A_33 = tpu.memref_slice %arg19[%dma_start3A, %dma_start3A_32] : memref<128x144xf32, #tpu.memory_space<vmem>> -> memref<32x144xf32, #tpu.memory_space<vmem>>
      %dma_start3A_34 = arith.constant 0 : i32
      %dma_start3A_35 = arith.constant 0 : i32
      %dma_start3A_36 = tpu.memref_slice %arg2[%dma_start3A_34, %dma_start3A_35] : memref<10000x144xf32, #tpu.memory_space<hbm>> -> memref<10000x144xf32, #tpu.memory_space<hbm>>
      tpu.enqueue_indirect_dma source(%dma_start3A_36 : memref<10000x144xf32, #tpu.memory_space<hbm>>) target(%dma_start3A_33 : memref<32x144xf32, #tpu.memory_space<vmem>>) offsets(%arg17 : memref<32xi32, #tpu.memory_space<vmem>>) semaphore(%arg22 : memref<!tpu.dma_semaphore, #tpu.memory_space<semaphore_mem>>)
      %dma_wait3A = arith.constant 0 : i32
      %dma_wait3A_37 = arith.constant 0 : i32
      %dma_wait3A_38 = tpu.memref_slice %arg19[%dma_wait3A, %dma_wait3A_37] : memref<128x144xf32, #tpu.memory_space<vmem>> -> memref<32x144xf32, #tpu.memory_space<vmem>>
      %dma_wait3A_39 = arith.constant 0 : i32
      %dma_wait3A_40 = arith.constant 0 : i32
      %dma_wait3A_41 = tpu.memref_slice %arg2[%dma_wait3A_39, %dma_wait3A_40] : memref<10000x144xf32, #tpu.memory_space<hbm>> -> memref<10000x144xf32, #tpu.memory_space<hbm>>
      tpu.wait_indirect_dma semaphore(%arg22 : memref<!tpu.dma_semaphore, #tpu.memory_space<semaphore_mem>>) src(%dma_wait3A_41 : memref<10000x144xf32, #tpu.memory_space<hbm>>) dst(%dma_wait3A_38 : memref<32x144xf32, #tpu.memory_space<vmem>>)
      "tpu.region"() ({
        %run_scoped3A = tpu.sem_alloc : memref<!tpu.dma_semaphore, #tpu.memory_space<semaphore_mem>>
        %dma_start3A_42 = arith.constant 0 : i32
        %dma_start3A_43 = arith.constant 0 : i32
        %dma_start3A_44 = tpu.memref_slice %arg19[%dma_start3A_42, %dma_start3A_43] : memref<128x144xf32, #tpu.memory_space<vmem>> -> memref<32x144xf32, #tpu.memory_space<vmem>>
        %dma_start3A_45 = arith.constant 0 : i32
        %dma_start3A_46 = arith.constant 0 : i32
        %dma_start3A_47 = tpu.memref_slice %arg21[%dma_start3A_45, %dma_start3A_46] : memref<10000x144xf32, #tpu.memory_space<vmem_shared>> -> memref<10000x144xf32, #tpu.memory_space<vmem_shared>>
        tpu.enqueue_indirect_dma source(%dma_start3A_44 : memref<32x144xf32, #tpu.memory_space<vmem>>) target(%dma_start3A_47 : memref<10000x144xf32, #tpu.memory_space<vmem_shared>>) offsets(%arg18 : memref<32xi32, #tpu.memory_space<vmem>>) semaphore(%run_scoped3A : memref<!tpu.dma_semaphore, #tpu.memory_space<semaphore_mem>>) {add = true}
        %dma_wait3A_48 = arith.constant 0 : i32
        %dma_wait3A_49 = arith.constant 0 : i32
        %dma_wait3A_50 = tpu.memref_slice %arg19[%dma_wait3A_48, %dma_wait3A_49] : memref<128x144xf32, #tpu.memory_space<vmem>> -> memref<32x144xf32, #tpu.memory_space<vmem>>
        %dma_wait3A_51 = arith.constant 0 : i32
        %dma_wait3A_52 = arith.constant 0 : i32
        %dma_wait3A_53 = tpu.memref_slice %arg21[%dma_wait3A_51, %dma_wait3A_52] : memref<10000x144xf32, #tpu.memory_space<vmem_shared>> -> memref<10000x144xf32, #tpu.memory_space<vmem_shared>>
        tpu.wait_indirect_dma semaphore(%run_scoped3A : memref<!tpu.dma_semaphore, #tpu.memory_space<semaphore_mem>>) src(%dma_wait3A_50 : memref<32x144xf32, #tpu.memory_space<vmem>>) dst(%dma_wait3A_53 : memref<10000x144xf32, #tpu.memory_space<vmem_shared>>)
        tpu.yield
      }) : () -> ()
    } else {
    }
    %eq3A_12 = arith.constant 1 : i32
    %eq3A_13 = arith.cmpi eq, %arg0, %eq3A_12 : i32
    %convert_element_type3A_14 = arith.extui %eq3A_13 : i1 to i32
    %cond3A_15 = arith.constant 0 : i32
    %cond3A_16 = arith.cmpi ne, %convert_element_type3A_14, %cond3A_15 : i32
    scf.if %cond3A_16 {
      %scan3A = arith.constant 0 : i32
      %scan3A_28 = arith.constant 13 : i32
      %scan3A_29 = arith.addi %scan3A, %scan3A_28 : i32
      %scan3A_30 = arith.constant 1 : i32
      scf.for %scan3A_42 = %scan3A to %scan3A_29 step %scan3A_30  : i32 {
        %mul3A_43 = arith.constant 1 : i32
        %mul3A_44 = arith.muli %scan3A_42, %mul3A_43 : i32
        %add3A = arith.constant 0 : i32
        %add3A_45 = arith.addi %add3A, %mul3A_44 : i32
        %mul3A_46 = arith.constant 12 : i32
        %mul3A_47 = arith.muli %add3A_45, %mul3A_46 : i32
        "tpu.region"() ({
          %run_scoped3A = tpu.sem_alloc : memref<!tpu.dma_semaphore, #tpu.memory_space<semaphore_mem>>
          %dma_start3A_69 = arith.constant 0 : i32
          %dma_start3A_70 = arith.constant 0 : i32
          %dma_start3A_71 = tpu.memref_slice %arg6[%arg1, %dma_start3A_69, %dma_start3A_70] : memref<16x156x128xi32, #tpu.memory_space<hbm>> -> memref<1x156x128xi32, #tpu.memory_space<hbm>>
          %dma_start3A_72 = tpu.memref_squeeze %dma_start3A_71 : memref<1x156x128xi32, #tpu.memory_space<hbm>> -> memref<156x128xi32, #tpu.memory_space<hbm>>
          %dma_start3A_73 = arith.constant 0 : i32
          %dma_start3A_74 = tpu.memref_slice %dma_start3A_72[%mul3A_47, %dma_start3A_73] : memref<156x128xi32, #tpu.memory_space<hbm>> -> memref<12x128xi32, #tpu.memory_space<hbm>>
          %dma_start3A_75 = arith.constant 0 : i32
          %dma_start3A_76 = arith.constant 0 : i32
          %dma_start3A_77 = tpu.memref_slice %arg6[%arg1, %dma_start3A_75, %dma_start3A_76] : memref<16x156x128xi32, #tpu.memory_space<hbm>> -> memref<1x156x128xi32, #tpu.memory_space<hbm>>
          %dma_start3A_78 = tpu.memref_squeeze %dma_start3A_77 : memref<1x156x128xi32, #tpu.memory_space<hbm>> -> memref<156x128xi32, #tpu.memory_space<hbm>>
          %dma_start3A_79 = arith.constant 0 : i32
          %dma_start3A_80 = tpu.memref_slice %dma_start3A_78[%mul3A_47, %dma_start3A_79] : memref<156x128xi32, #tpu.memory_space<hbm>> -> memref<12x128xi32, #tpu.memory_space<hbm>>
          tpu.enqueue_dma source(%dma_start3A_80 : memref<12x128xi32, #tpu.memory_space<hbm>>) target(%arg15 : memref<12x128xi32, #tpu.memory_space<vmem>>) target_semaphore(%run_scoped3A : memref<!tpu.dma_semaphore, #tpu.memory_space<semaphore_mem>>)
          %dma_wait3A_81 = arith.constant 0 : i32
          %dma_wait3A_82 = arith.constant 0 : i32
          %dma_wait3A_83 = tpu.memref_slice %arg6[%arg1, %dma_wait3A_81, %dma_wait3A_82] : memref<16x156x128xi32, #tpu.memory_space<hbm>> -> memref<1x156x128xi32, #tpu.memory_space<hbm>>
          %dma_wait3A_84 = tpu.memref_squeeze %dma_wait3A_83 : memref<1x156x128xi32, #tpu.memory_space<hbm>> -> memref<156x128xi32, #tpu.memory_space<hbm>>
          %dma_wait3A_85 = arith.constant 0 : i32
          %dma_wait3A_86 = tpu.memref_slice %dma_wait3A_84[%mul3A_47, %dma_wait3A_85] : memref<156x128xi32, #tpu.memory_space<hbm>> -> memref<12x128xi32, #tpu.memory_space<hbm>>
          %dma_wait3A_87 = arith.constant 0 : i32
          %dma_wait3A_88 = arith.constant 0 : i32
          %dma_wait3A_89 = tpu.memref_slice %arg6[%arg1, %dma_wait3A_87, %dma_wait3A_88] : memref<16x156x128xi32, #tpu.memory_space<hbm>> -> memref<1x156x128xi32, #tpu.memory_space<hbm>>
          %dma_wait3A_90 = tpu.memref_squeeze %dma_wait3A_89 : memref<1x156x128xi32, #tpu.memory_space<hbm>> -> memref<156x128xi32, #tpu.memory_space<hbm>>
          %dma_wait3A_91 = arith.constant 0 : i32
          %dma_wait3A_92 = tpu.memref_slice %dma_wait3A_90[%mul3A_47, %dma_wait3A_91] : memref<156x128xi32, #tpu.memory_space<hbm>> -> memref<12x128xi32, #tpu.memory_space<hbm>>
          tpu.wait_dma2 semaphore(%run_scoped3A : memref<!tpu.dma_semaphore, #tpu.memory_space<semaphore_mem>>) src(%dma_wait3A_92 : memref<12x128xi32, #tpu.memory_space<hbm>>) dst(%arg15 : memref<12x128xi32, #tpu.memory_space<vmem>>)
          tpu.yield
        }) : () -> ()
        %mul3A_48 = arith.constant 12 : i32
        %mul3A_49 = arith.muli %add3A_45, %mul3A_48 : i32
        "tpu.region"() ({
          %run_scoped3A = tpu.sem_alloc : memref<!tpu.dma_semaphore, #tpu.memory_space<semaphore_mem>>
          %dma_start3A_69 = arith.constant 0 : i32
          %dma_start3A_70 = arith.constant 0 : i32
          %dma_start3A_71 = tpu.memref_slice %arg7[%arg1, %dma_start3A_69, %dma_start3A_70] : memref<16x156x128xi32, #tpu.memory_space<hbm>> -> memref<1x156x128xi32, #tpu.memory_space<hbm>>
          %dma_start3A_72 = tpu.memref_squeeze %dma_start3A_71 : memref<1x156x128xi32, #tpu.memory_space<hbm>> -> memref<156x128xi32, #tpu.memory_space<hbm>>
          %dma_start3A_73 = arith.constant 0 : i32
          %dma_start3A_74 = tpu.memref_slice %dma_start3A_72[%mul3A_49, %dma_start3A_73] : memref<156x128xi32, #tpu.memory_space<hbm>> -> memref<12x128xi32, #tpu.memory_space<hbm>>
          %dma_start3A_75 = arith.constant 0 : i32
          %dma_start3A_76 = arith.constant 0 : i32
          %dma_start3A_77 = tpu.memref_slice %arg7[%arg1, %dma_start3A_75, %dma_start3A_76] : memref<16x156x128xi32, #tpu.memory_space<hbm>> -> memref<1x156x128xi32, #tpu.memory_space<hbm>>
          %dma_start3A_78 = tpu.memref_squeeze %dma_start3A_77 : memref<1x156x128xi32, #tpu.memory_space<hbm>> -> memref<156x128xi32, #tpu.memory_space<hbm>>
          %dma_start3A_79 = arith.constant 0 : i32
          %dma_start3A_80 = tpu.memref_slice %dma_start3A_78[%mul3A_49, %dma_start3A_79] : memref<156x128xi32, #tpu.memory_space<hbm>> -> memref<12x128xi32, #tpu.memory_space<hbm>>
          tpu.enqueue_dma source(%dma_start3A_80 : memref<12x128xi32, #tpu.memory_space<hbm>>) target(%arg16 : memref<12x128xi32, #tpu.memory_space<vmem>>) target_semaphore(%run_scoped3A : memref<!tpu.dma_semaphore, #tpu.memory_space<semaphore_mem>>)
          %dma_wait3A_81 = arith.constant 0 : i32
          %dma_wait3A_82 = arith.constant 0 : i32
          %dma_wait3A_83 = tpu.memref_slice %arg7[%arg1, %dma_wait3A_81, %dma_wait3A_82] : memref<16x156x128xi32, #tpu.memory_space<hbm>> -> memref<1x156x128xi32, #tpu.memory_space<hbm>>
          %dma_wait3A_84 = tpu.memref_squeeze %dma_wait3A_83 : memref<1x156x128xi32, #tpu.memory_space<hbm>> -> memref<156x128xi32, #tpu.memory_space<hbm>>
          %dma_wait3A_85 = arith.constant 0 : i32
          %dma_wait3A_86 = tpu.memref_slice %dma_wait3A_84[%mul3A_49, %dma_wait3A_85] : memref<156x128xi32, #tpu.memory_space<hbm>> -> memref<12x128xi32, #tpu.memory_space<hbm>>
          %dma_wait3A_87 = arith.constant 0 : i32
          %dma_wait3A_88 = arith.constant 0 : i32
          %dma_wait3A_89 = tpu.memref_slice %arg7[%arg1, %dma_wait3A_87, %dma_wait3A_88] : memref<16x156x128xi32, #tpu.memory_space<hbm>> -> memref<1x156x128xi32, #tpu.memory_space<hbm>>
          %dma_wait3A_90 = tpu.memref_squeeze %dma_wait3A_89 : memref<1x156x128xi32, #tpu.memory_space<hbm>> -> memref<156x128xi32, #tpu.memory_space<hbm>>
          %dma_wait3A_91 = arith.constant 0 : i32
          %dma_wait3A_92 = tpu.memref_slice %dma_wait3A_90[%mul3A_49, %dma_wait3A_91] : memref<156x128xi32, #tpu.memory_space<hbm>> -> memref<12x128xi32, #tpu.memory_space<hbm>>
          tpu.wait_dma2 semaphore(%run_scoped3A : memref<!tpu.dma_semaphore, #tpu.memory_space<semaphore_mem>>) src(%dma_wait3A_92 : memref<12x128xi32, #tpu.memory_space<hbm>>) dst(%arg16 : memref<12x128xi32, #tpu.memory_space<vmem>>)
          tpu.yield
        }) : () -> ()
        %dma_start3A_50 = arith.constant 0 : i32
        %dma_start3A_51 = arith.constant 0 : i32
        %dma_start3A_52 = tpu.memref_slice %arg15[%dma_start3A_50, %dma_start3A_51] : memref<12x128xi32, #tpu.memory_space<vmem>> -> memref<1x128xi32, #tpu.memory_space<vmem>>
        %dma_start3A_53 = tpu.memref_squeeze %dma_start3A_52 : memref<1x128xi32, #tpu.memory_space<vmem>> -> memref<128xi32, #tpu.memory_space<vmem>>
        %dma_start3A_54 = arith.constant 0 : i32
        %dma_start3A_55 = arith.constant 0 : i32
        %dma_start3A_56 = tpu.memref_slice %arg3[%dma_start3A_54, %dma_start3A_55] : memref<10000x144xf32, #tpu.memory_space<hbm>> -> memref<10000x144xf32, #tpu.memory_space<hbm>>
        tpu.enqueue_indirect_dma source(%dma_start3A_56 : memref<10000x144xf32, #tpu.memory_space<hbm>>) target(%arg19 : memref<128x144xf32, #tpu.memory_space<vmem>>) offsets(%dma_start3A_53 : memref<128xi32, #tpu.memory_space<vmem>>) semaphore(%arg22 : memref<!tpu.dma_semaphore, #tpu.memory_space<semaphore_mem>>)
        %dma_start3A_57 = arith.constant 1 : i32
        %dma_start3A_58 = arith.constant 0 : i32
        %dma_start3A_59 = tpu.memref_slice %arg15[%dma_start3A_57, %dma_start3A_58] : memref<12x128xi32, #tpu.memory_space<vmem>> -> memref<1x128xi32, #tpu.memory_space<vmem>>
        %dma_start3A_60 = tpu.memref_squeeze %dma_start3A_59 : memref<1x128xi32, #tpu.memory_space<vmem>> -> memref<128xi32, #tpu.memory_space<vmem>>
        %dma_start3A_61 = arith.constant 0 : i32
        %dma_start3A_62 = arith.constant 0 : i32
        %dma_start3A_63 = tpu.memref_slice %arg3[%dma_start3A_61, %dma_start3A_62] : memref<10000x144xf32, #tpu.memory_space<hbm>> -> memref<10000x144xf32, #tpu.memory_space<hbm>>
        tpu.enqueue_indirect_dma source(%dma_start3A_63 : memref<10000x144xf32, #tpu.memory_space<hbm>>) target(%arg20 : memref<128x144xf32, #tpu.memory_space<vmem>>) offsets(%dma_start3A_60 : memref<128xi32, #tpu.memory_space<vmem>>) semaphore(%arg23 : memref<!tpu.dma_semaphore, #tpu.memory_space<semaphore_mem>>)
        %scan3A_64 = arith.constant 0 : i32
        %scan3A_65 = arith.constant 6 : i32
        %scan3A_66 = arith.addi %scan3A_64, %scan3A_65 : i32
        %scan3A_67 = arith.constant 1 : i32
        scf.for %scan3A_69 = %scan3A_64 to %scan3A_66 step %scan3A_67  : i32 {
          %mul3A_70 = arith.constant 2 : i32
          %mul3A_71 = arith.muli %scan3A_69, %mul3A_70 : i32
          %add3A_72 = arith.constant 0 : i32
          %add3A_73 = arith.addi %add3A_72, %mul3A_71 : i32
          %dma_wait3A_74 = arith.constant 0 : i32
          %dma_wait3A_75 = tpu.memref_slice %arg15[%add3A_73, %dma_wait3A_74] : memref<12x128xi32, #tpu.memory_space<vmem>> -> memref<1x128xi32, #tpu.memory_space<vmem>>
          %dma_wait3A_76 = tpu.memref_squeeze %dma_wait3A_75 : memref<1x128xi32, #tpu.memory_space<vmem>> -> memref<128xi32, #tpu.memory_space<vmem>>
          %dma_wait3A_77 = arith.constant 0 : i32
          %dma_wait3A_78 = arith.constant 0 : i32
          %dma_wait3A_79 = tpu.memref_slice %arg3[%dma_wait3A_77, %dma_wait3A_78] : memref<10000x144xf32, #tpu.memory_space<hbm>> -> memref<10000x144xf32, #tpu.memory_space<hbm>>
          tpu.wait_indirect_dma semaphore(%arg22 : memref<!tpu.dma_semaphore, #tpu.memory_space<semaphore_mem>>) src(%dma_wait3A_79 : memref<10000x144xf32, #tpu.memory_space<hbm>>) dst(%arg19 : memref<128x144xf32, #tpu.memory_space<vmem>>)
          %dma_start3A_80 = arith.constant 0 : i32
          %dma_start3A_81 = tpu.memref_slice %arg16[%add3A_73, %dma_start3A_80] : memref<12x128xi32, #tpu.memory_space<vmem>> -> memref<1x128xi32, #tpu.memory_space<vmem>>
          %dma_start3A_82 = tpu.memref_squeeze %dma_start3A_81 : memref<1x128xi32, #tpu.memory_space<vmem>> -> memref<128xi32, #tpu.memory_space<vmem>>
          %dma_start3A_83 = arith.constant 0 : i32
          %dma_start3A_84 = arith.constant 0 : i32
          %dma_start3A_85 = tpu.memref_slice %arg21[%dma_start3A_83, %dma_start3A_84] : memref<10000x144xf32, #tpu.memory_space<vmem_shared>> -> memref<10000x144xf32, #tpu.memory_space<vmem_shared>>
          tpu.enqueue_indirect_dma source(%arg19 : memref<128x144xf32, #tpu.memory_space<vmem>>) target(%dma_start3A_85 : memref<10000x144xf32, #tpu.memory_space<vmem_shared>>) offsets(%dma_start3A_82 : memref<128xi32, #tpu.memory_space<vmem>>) semaphore(%arg24 : memref<!tpu.dma_semaphore, #tpu.memory_space<semaphore_mem>>) {add = true}
          %add3A_86 = arith.constant 1 : i32
          %add3A_87 = arith.addi %add3A_73, %add3A_86 : i32
          %dma_wait3A_88 = arith.constant 0 : i32
          %dma_wait3A_89 = tpu.memref_slice %arg15[%add3A_87, %dma_wait3A_88] : memref<12x128xi32, #tpu.memory_space<vmem>> -> memref<1x128xi32, #tpu.memory_space<vmem>>
          %dma_wait3A_90 = tpu.memref_squeeze %dma_wait3A_89 : memref<1x128xi32, #tpu.memory_space<vmem>> -> memref<128xi32, #tpu.memory_space<vmem>>
          %dma_wait3A_91 = arith.constant 0 : i32
          %dma_wait3A_92 = arith.constant 0 : i32
          %dma_wait3A_93 = tpu.memref_slice %arg3[%dma_wait3A_91, %dma_wait3A_92] : memref<10000x144xf32, #tpu.memory_space<hbm>> -> memref<10000x144xf32, #tpu.memory_space<hbm>>
          tpu.wait_indirect_dma semaphore(%arg23 : memref<!tpu.dma_semaphore, #tpu.memory_space<semaphore_mem>>) src(%dma_wait3A_93 : memref<10000x144xf32, #tpu.memory_space<hbm>>) dst(%arg20 : memref<128x144xf32, #tpu.memory_space<vmem>>)
          %add3A_94 = arith.constant 1 : i32
          %add3A_95 = arith.addi %add3A_73, %add3A_94 : i32
          %dma_start3A_96 = arith.constant 0 : i32
          %dma_start3A_97 = tpu.memref_slice %arg16[%add3A_95, %dma_start3A_96] : memref<12x128xi32, #tpu.memory_space<vmem>> -> memref<1x128xi32, #tpu.memory_space<vmem>>
          %dma_start3A_98 = tpu.memref_squeeze %dma_start3A_97 : memref<1x128xi32, #tpu.memory_space<vmem>> -> memref<128xi32, #tpu.memory_space<vmem>>
          %dma_start3A_99 = arith.constant 0 : i32
          %dma_start3A_100 = arith.constant 0 : i32
          %dma_start3A_101 = tpu.memref_slice %arg21[%dma_start3A_99, %dma_start3A_100] : memref<10000x144xf32, #tpu.memory_space<vmem_shared>> -> memref<10000x144xf32, #tpu.memory_space<vmem_shared>>
          tpu.enqueue_indirect_dma source(%arg20 : memref<128x144xf32, #tpu.memory_space<vmem>>) target(%dma_start3A_101 : memref<10000x144xf32, #tpu.memory_space<vmem_shared>>) offsets(%dma_start3A_98 : memref<128xi32, #tpu.memory_space<vmem>>) semaphore(%arg25 : memref<!tpu.dma_semaphore, #tpu.memory_space<semaphore_mem>>) {add = true}
          %dma_wait3A_102 = arith.constant 0 : i32
          %dma_wait3A_103 = tpu.memref_slice %arg16[%add3A_73, %dma_wait3A_102] : memref<12x128xi32, #tpu.memory_space<vmem>> -> memref<1x128xi32, #tpu.memory_space<vmem>>
          %dma_wait3A_104 = tpu.memref_squeeze %dma_wait3A_103 : memref<1x128xi32, #tpu.memory_space<vmem>> -> memref<128xi32, #tpu.memory_space<vmem>>
          %dma_wait3A_105 = arith.constant 0 : i32
          %dma_wait3A_106 = arith.constant 0 : i32
          %dma_wait3A_107 = tpu.memref_slice %arg21[%dma_wait3A_105, %dma_wait3A_106] : memref<10000x144xf32, #tpu.memory_space<vmem_shared>> -> memref<10000x144xf32, #tpu.memory_space<vmem_shared>>
          tpu.wait_indirect_dma semaphore(%arg24 : memref<!tpu.dma_semaphore, #tpu.memory_space<semaphore_mem>>) src(%arg19 : memref<128x144xf32, #tpu.memory_space<vmem>>) dst(%dma_wait3A_107 : memref<10000x144xf32, #tpu.memory_space<vmem_shared>>)
          %add3A_108 = arith.constant 2 : i32
          %add3A_109 = arith.addi %add3A_73, %add3A_108 : i32
          %lt3A_110 = arith.constant 12 : i32
          %lt3A_111 = arith.cmpi slt, %add3A_109, %lt3A_110 : i32
          %convert_element_type3A_112 = arith.extui %lt3A_111 : i1 to i32
          %cond3A_113 = arith.constant 0 : i32
          %cond3A_114 = arith.cmpi ne, %convert_element_type3A_112, %cond3A_113 : i32
          scf.if %cond3A_114 {
            %add3A_130 = arith.constant 2 : i32
            %add3A_131 = arith.addi %add3A_73, %add3A_130 : i32
            %dma_start3A_132 = arith.constant 0 : i32
            %dma_start3A_133 = tpu.memref_slice %arg15[%add3A_131, %dma_start3A_132] : memref<12x128xi32, #tpu.memory_space<vmem>> -> memref<1x128xi32, #tpu.memory_space<vmem>>
            %dma_start3A_134 = tpu.memref_squeeze %dma_start3A_133 : memref<1x128xi32, #tpu.memory_space<vmem>> -> memref<128xi32, #tpu.memory_space<vmem>>
            %dma_start3A_135 = arith.constant 0 : i32
            %dma_start3A_136 = arith.constant 0 : i32
            %dma_start3A_137 = tpu.memref_slice %arg3[%dma_start3A_135, %dma_start3A_136] : memref<10000x144xf32, #tpu.memory_space<hbm>> -> memref<10000x144xf32, #tpu.memory_space<hbm>>
            tpu.enqueue_indirect_dma source(%dma_start3A_137 : memref<10000x144xf32, #tpu.memory_space<hbm>>) target(%arg19 : memref<128x144xf32, #tpu.memory_space<vmem>>) offsets(%dma_start3A_134 : memref<128xi32, #tpu.memory_space<vmem>>) semaphore(%arg22 : memref<!tpu.dma_semaphore, #tpu.memory_space<semaphore_mem>>)
          } else {
          }
          %add3A_115 = arith.constant 1 : i32
          %add3A_116 = arith.addi %add3A_73, %add3A_115 : i32
          %dma_wait3A_117 = arith.constant 0 : i32
          %dma_wait3A_118 = tpu.memref_slice %arg16[%add3A_116, %dma_wait3A_117] : memref<12x128xi32, #tpu.memory_space<vmem>> -> memref<1x128xi32, #tpu.memory_space<vmem>>
          %dma_wait3A_119 = tpu.memref_squeeze %dma_wait3A_118 : memref<1x128xi32, #tpu.memory_space<vmem>> -> memref<128xi32, #tpu.memory_space<vmem>>
          %dma_wait3A_120 = arith.constant 0 : i32
          %dma_wait3A_121 = arith.constant 0 : i32
          %dma_wait3A_122 = tpu.memref_slice %arg21[%dma_wait3A_120, %dma_wait3A_121] : memref<10000x144xf32, #tpu.memory_space<vmem_shared>> -> memref<10000x144xf32, #tpu.memory_space<vmem_shared>>
          tpu.wait_indirect_dma semaphore(%arg25 : memref<!tpu.dma_semaphore, #tpu.memory_space<semaphore_mem>>) src(%arg20 : memref<128x144xf32, #tpu.memory_space<vmem>>) dst(%dma_wait3A_122 : memref<10000x144xf32, #tpu.memory_space<vmem_shared>>)
          %add3A_123 = arith.constant 3 : i32
          %add3A_124 = arith.addi %add3A_73, %add3A_123 : i32
          %lt3A_125 = arith.constant 12 : i32
          %lt3A_126 = arith.cmpi slt, %add3A_124, %lt3A_125 : i32
          %convert_element_type3A_127 = arith.extui %lt3A_126 : i1 to i32
          %cond3A_128 = arith.constant 0 : i32
          %cond3A_129 = arith.cmpi ne, %convert_element_type3A_127, %cond3A_128 : i32
          scf.if %cond3A_129 {
            %add3A_130 = arith.constant 3 : i32
            %add3A_131 = arith.addi %add3A_73, %add3A_130 : i32
            %dma_start3A_132 = arith.constant 0 : i32
            %dma_start3A_133 = tpu.memref_slice %arg15[%add3A_131, %dma_start3A_132] : memref<12x128xi32, #tpu.memory_space<vmem>> -> memref<1x128xi32, #tpu.memory_space<vmem>>
            %dma_start3A_134 = tpu.memref_squeeze %dma_start3A_133 : memref<1x128xi32, #tpu.memory_space<vmem>> -> memref<128xi32, #tpu.memory_space<vmem>>
            %dma_start3A_135 = arith.constant 0 : i32
            %dma_start3A_136 = arith.constant 0 : i32
            %dma_start3A_137 = tpu.memref_slice %arg3[%dma_start3A_135, %dma_start3A_136] : memref<10000x144xf32, #tpu.memory_space<hbm>> -> memref<10000x144xf32, #tpu.memory_space<hbm>>
            tpu.enqueue_indirect_dma source(%dma_start3A_137 : memref<10000x144xf32, #tpu.memory_space<hbm>>) target(%arg20 : memref<128x144xf32, #tpu.memory_space<vmem>>) offsets(%dma_start3A_134 : memref<128xi32, #tpu.memory_space<vmem>>) semaphore(%arg23 : memref<!tpu.dma_semaphore, #tpu.memory_space<semaphore_mem>>)
          } else {
          }
        }
        %scan3A_68 = arith.constant 6 : i32
      }
      %scan3A_31 = arith.constant 13 : i32
      "tpu.region"() ({
        %run_scoped3A = tpu.sem_alloc : memref<!tpu.dma_semaphore, #tpu.memory_space<semaphore_mem>>
        %dma_start3A_42 = arith.constant 0 : i32
        %dma_start3A_43 = tpu.memref_slice %arg10[%arg1, %dma_start3A_42] : memref<16x32xi32, #tpu.memory_space<hbm>> -> memref<1x32xi32, #tpu.memory_space<hbm>>
        %dma_start3A_44 = tpu.memref_squeeze %dma_start3A_43 : memref<1x32xi32, #tpu.memory_space<hbm>> -> memref<32xi32, #tpu.memory_space<hbm>>
        %dma_start3A_45 = arith.constant 0 : i32
        %dma_start3A_46 = tpu.memref_slice %arg10[%arg1, %dma_start3A_45] : memref<16x32xi32, #tpu.memory_space<hbm>> -> memref<1x32xi32, #tpu.memory_space<hbm>>
        %dma_start3A_47 = tpu.memref_squeeze %dma_start3A_46 : memref<1x32xi32, #tpu.memory_space<hbm>> -> memref<32xi32, #tpu.memory_space<hbm>>
        tpu.enqueue_dma source(%dma_start3A_47 : memref<32xi32, #tpu.memory_space<hbm>>) target(%arg17 : memref<32xi32, #tpu.memory_space<vmem>>) target_semaphore(%run_scoped3A : memref<!tpu.dma_semaphore, #tpu.memory_space<semaphore_mem>>)
        %dma_wait3A_48 = arith.constant 0 : i32
        %dma_wait3A_49 = tpu.memref_slice %arg10[%arg1, %dma_wait3A_48] : memref<16x32xi32, #tpu.memory_space<hbm>> -> memref<1x32xi32, #tpu.memory_space<hbm>>
        %dma_wait3A_50 = tpu.memref_squeeze %dma_wait3A_49 : memref<1x32xi32, #tpu.memory_space<hbm>> -> memref<32xi32, #tpu.memory_space<hbm>>
        %dma_wait3A_51 = arith.constant 0 : i32
        %dma_wait3A_52 = tpu.memref_slice %arg10[%arg1, %dma_wait3A_51] : memref<16x32xi32, #tpu.memory_space<hbm>> -> memref<1x32xi32, #tpu.memory_space<hbm>>
        %dma_wait3A_53 = tpu.memref_squeeze %dma_wait3A_52 : memref<1x32xi32, #tpu.memory_space<hbm>> -> memref<32xi32, #tpu.memory_space<hbm>>
        tpu.wait_dma2 semaphore(%run_scoped3A : memref<!tpu.dma_semaphore, #tpu.memory_space<semaphore_mem>>) src(%dma_wait3A_53 : memref<32xi32, #tpu.memory_space<hbm>>) dst(%arg17 : memref<32xi32, #tpu.memory_space<vmem>>)
        tpu.yield
      }) : () -> ()
      "tpu.region"() ({
        %run_scoped3A = tpu.sem_alloc : memref<!tpu.dma_semaphore, #tpu.memory_space<semaphore_mem>>
        %dma_start3A_42 = arith.constant 0 : i32
        %dma_start3A_43 = tpu.memref_slice %arg11[%arg1, %dma_start3A_42] : memref<16x32xi32, #tpu.memory_space<hbm>> -> memref<1x32xi32, #tpu.memory_space<hbm>>
        %dma_start3A_44 = tpu.memref_squeeze %dma_start3A_43 : memref<1x32xi32, #tpu.memory_space<hbm>> -> memref<32xi32, #tpu.memory_space<hbm>>
        %dma_start3A_45 = arith.constant 0 : i32
        %dma_start3A_46 = tpu.memref_slice %arg11[%arg1, %dma_start3A_45] : memref<16x32xi32, #tpu.memory_space<hbm>> -> memref<1x32xi32, #tpu.memory_space<hbm>>
        %dma_start3A_47 = tpu.memref_squeeze %dma_start3A_46 : memref<1x32xi32, #tpu.memory_space<hbm>> -> memref<32xi32, #tpu.memory_space<hbm>>
        tpu.enqueue_dma source(%dma_start3A_47 : memref<32xi32, #tpu.memory_space<hbm>>) target(%arg18 : memref<32xi32, #tpu.memory_space<vmem>>) target_semaphore(%run_scoped3A : memref<!tpu.dma_semaphore, #tpu.memory_space<semaphore_mem>>)
        %dma_wait3A_48 = arith.constant 0 : i32
        %dma_wait3A_49 = tpu.memref_slice %arg11[%arg1, %dma_wait3A_48] : memref<16x32xi32, #tpu.memory_space<hbm>> -> memref<1x32xi32, #tpu.memory_space<hbm>>
        %dma_wait3A_50 = tpu.memref_squeeze %dma_wait3A_49 : memref<1x32xi32, #tpu.memory_space<hbm>> -> memref<32xi32, #tpu.memory_space<hbm>>
        %dma_wait3A_51 = arith.constant 0 : i32
        %dma_wait3A_52 = tpu.memref_slice %arg11[%arg1, %dma_wait3A_51] : memref<16x32xi32, #tpu.memory_space<hbm>> -> memref<1x32xi32, #tpu.memory_space<hbm>>
        %dma_wait3A_53 = tpu.memref_squeeze %dma_wait3A_52 : memref<1x32xi32, #tpu.memory_space<hbm>> -> memref<32xi32, #tpu.memory_space<hbm>>
        tpu.wait_dma2 semaphore(%run_scoped3A : memref<!tpu.dma_semaphore, #tpu.memory_space<semaphore_mem>>) src(%dma_wait3A_53 : memref<32xi32, #tpu.memory_space<hbm>>) dst(%arg18 : memref<32xi32, #tpu.memory_space<vmem>>)
        tpu.yield
      }) : () -> ()
      %dma_start3A = arith.constant 0 : i32
      %dma_start3A_32 = arith.constant 0 : i32
      %dma_start3A_33 = tpu.memref_slice %arg19[%dma_start3A, %dma_start3A_32] : memref<128x144xf32, #tpu.memory_space<vmem>> -> memref<32x144xf32, #tpu.memory_space<vmem>>
      %dma_start3A_34 = arith.constant 0 : i32
      %dma_start3A_35 = arith.constant 0 : i32
      %dma_start3A_36 = tpu.memref_slice %arg3[%dma_start3A_34, %dma_start3A_35] : memref<10000x144xf32, #tpu.memory_space<hbm>> -> memref<10000x144xf32, #tpu.memory_space<hbm>>
      tpu.enqueue_indirect_dma source(%dma_start3A_36 : memref<10000x144xf32, #tpu.memory_space<hbm>>) target(%dma_start3A_33 : memref<32x144xf32, #tpu.memory_space<vmem>>) offsets(%arg17 : memref<32xi32, #tpu.memory_space<vmem>>) semaphore(%arg22 : memref<!tpu.dma_semaphore, #tpu.memory_space<semaphore_mem>>)
      %dma_wait3A = arith.constant 0 : i32
      %dma_wait3A_37 = arith.constant 0 : i32
      %dma_wait3A_38 = tpu.memref_slice %arg19[%dma_wait3A, %dma_wait3A_37] : memref<128x144xf32, #tpu.memory_space<vmem>> -> memref<32x144xf32, #tpu.memory_space<vmem>>
      %dma_wait3A_39 = arith.constant 0 : i32
      %dma_wait3A_40 = arith.constant 0 : i32
      %dma_wait3A_41 = tpu.memref_slice %arg3[%dma_wait3A_39, %dma_wait3A_40] : memref<10000x144xf32, #tpu.memory_space<hbm>> -> memref<10000x144xf32, #tpu.memory_space<hbm>>
      tpu.wait_indirect_dma semaphore(%arg22 : memref<!tpu.dma_semaphore, #tpu.memory_space<semaphore_mem>>) src(%dma_wait3A_41 : memref<10000x144xf32, #tpu.memory_space<hbm>>) dst(%dma_wait3A_38 : memref<32x144xf32, #tpu.memory_space<vmem>>)
      "tpu.region"() ({
        %run_scoped3A = tpu.sem_alloc : memref<!tpu.dma_semaphore, #tpu.memory_space<semaphore_mem>>
        %dma_start3A_42 = arith.constant 0 : i32
        %dma_start3A_43 = arith.constant 0 : i32
        %dma_start3A_44 = tpu.memref_slice %arg19[%dma_start3A_42, %dma_start3A_43] : memref<128x144xf32, #tpu.memory_space<vmem>> -> memref<32x144xf32, #tpu.memory_space<vmem>>
        %dma_start3A_45 = arith.constant 0 : i32
        %dma_start3A_46 = arith.constant 0 : i32
        %dma_start3A_47 = tpu.memref_slice %arg21[%dma_start3A_45, %dma_start3A_46] : memref<10000x144xf32, #tpu.memory_space<vmem_shared>> -> memref<10000x144xf32, #tpu.memory_space<vmem_shared>>
        tpu.enqueue_indirect_dma source(%dma_start3A_44 : memref<32x144xf32, #tpu.memory_space<vmem>>) target(%dma_start3A_47 : memref<10000x144xf32, #tpu.memory_space<vmem_shared>>) offsets(%arg18 : memref<32xi32, #tpu.memory_space<vmem>>) semaphore(%run_scoped3A : memref<!tpu.dma_semaphore, #tpu.memory_space<semaphore_mem>>) {add = true}
        %dma_wait3A_48 = arith.constant 0 : i32
        %dma_wait3A_49 = arith.constant 0 : i32
        %dma_wait3A_50 = tpu.memref_slice %arg19[%dma_wait3A_48, %dma_wait3A_49] : memref<128x144xf32, #tpu.memory_space<vmem>> -> memref<32x144xf32, #tpu.memory_space<vmem>>
        %dma_wait3A_51 = arith.constant 0 : i32
        %dma_wait3A_52 = arith.constant 0 : i32
        %dma_wait3A_53 = tpu.memref_slice %arg21[%dma_wait3A_51, %dma_wait3A_52] : memref<10000x144xf32, #tpu.memory_space<vmem_shared>> -> memref<10000x144xf32, #tpu.memory_space<vmem_shared>>
        tpu.wait_indirect_dma semaphore(%run_scoped3A : memref<!tpu.dma_semaphore, #tpu.memory_space<semaphore_mem>>) src(%dma_wait3A_50 : memref<32x144xf32, #tpu.memory_space<vmem>>) dst(%dma_wait3A_53 : memref<10000x144xf32, #tpu.memory_space<vmem_shared>>)
        tpu.yield
      }) : () -> ()
    } else {
    }
    %barrier3A_17 = arith.constant 0 : index
    tpu.barrier barrier_id(%barrier3A_17)
    %eq3A_18 = arith.constant 0 : i32
    %eq3A_19 = arith.cmpi eq, %arg0, %eq3A_18 : i32
    %convert_element_type3A_20 = arith.extui %eq3A_19 : i1 to i32
    %cond3A_21 = arith.constant 0 : i32
    %cond3A_22 = arith.cmpi ne, %convert_element_type3A_20, %cond3A_21 : i32
    scf.if %cond3A_22 {
      %lt3A_28 = arith.constant 15 : i32
      %lt3A_29 = arith.cmpi slt, %arg1, %lt3A_28 : i32
      %convert_element_type3A_30 = arith.extui %lt3A_29 : i1 to i32
      %cond3A_31 = arith.constant 0 : i32
      %cond3A_32 = arith.cmpi ne, %convert_element_type3A_30, %cond3A_31 : i32
      scf.if %cond3A_32 {
        "tpu.region"() ({
          %run_scoped3A = tpu.sem_alloc : memref<!tpu.dma_semaphore, #tpu.memory_space<semaphore_mem>>
          %dma_start3A = arith.constant 0 : i32
          %dma_start3A_38 = tpu.memref_slice %arg13[%mul3A_0, %dma_start3A] : memref<10000x144xf32, #tpu.memory_space<hbm>> -> memref<624x144xf32, #tpu.memory_space<hbm>>
          %dma_start3A_39 = arith.constant 0 : i32
          %dma_start3A_40 = tpu.memref_slice %arg21[%mul3A_0, %dma_start3A_39] : memref<10000x144xf32, #tpu.memory_space<vmem_shared>> -> memref<624x144xf32, #tpu.memory_space<vmem_shared>>
          tpu.enqueue_dma source(%dma_start3A_40 : memref<624x144xf32, #tpu.memory_space<vmem_shared>>) target(%dma_start3A_38 : memref<624x144xf32, #tpu.memory_space<hbm>>) target_semaphore(%run_scoped3A : memref<!tpu.dma_semaphore, #tpu.memory_space<semaphore_mem>>)
          %dma_wait3A = arith.constant 0 : i32
          %dma_wait3A_41 = tpu.memref_slice %arg13[%mul3A_0, %dma_wait3A] : memref<10000x144xf32, #tpu.memory_space<hbm>> -> memref<624x144xf32, #tpu.memory_space<hbm>>
          %dma_wait3A_42 = arith.constant 0 : i32
          %dma_wait3A_43 = tpu.memref_slice %arg21[%mul3A_0, %dma_wait3A_42] : memref<10000x144xf32, #tpu.memory_space<vmem_shared>> -> memref<624x144xf32, #tpu.memory_space<vmem_shared>>
          tpu.wait_dma2 semaphore(%run_scoped3A : memref<!tpu.dma_semaphore, #tpu.memory_space<semaphore_mem>>) src(%dma_wait3A_43 : memref<624x144xf32, #tpu.memory_space<vmem_shared>>) dst(%dma_wait3A_41 : memref<624x144xf32, #tpu.memory_space<hbm>>)
          tpu.yield
        }) : () -> ()
      } else {
      }
      %eq3A_33 = arith.constant 15 : i32
      %eq3A_34 = arith.cmpi eq, %arg1, %eq3A_33 : i32
      %convert_element_type3A_35 = arith.extui %eq3A_34 : i1 to i32
      %cond3A_36 = arith.constant 0 : i32
      %cond3A_37 = arith.cmpi ne, %convert_element_type3A_35, %cond3A_36 : i32
      scf.if %cond3A_37 {
        "tpu.region"() ({
          %run_scoped3A = tpu.sem_alloc : memref<!tpu.dma_semaphore, #tpu.memory_space<semaphore_mem>>
          %dma_start3A = arith.constant 9360 : i32
          %dma_start3A_38 = arith.constant 0 : i32
          %dma_start3A_39 = tpu.memref_slice %arg13[%dma_start3A, %dma_start3A_38] : memref<10000x144xf32, #tpu.memory_space<hbm>> -> memref<640x144xf32, #tpu.memory_space<hbm>>
          %dma_start3A_40 = arith.constant 9360 : i32
          %dma_start3A_41 = arith.constant 0 : i32
          %dma_start3A_42 = tpu.memref_slice %arg21[%dma_start3A_40, %dma_start3A_41] : memref<10000x144xf32, #tpu.memory_space<vmem_shared>> -> memref<640x144xf32, #tpu.memory_space<vmem_shared>>
          tpu.enqueue_dma source(%dma_start3A_42 : memref<640x144xf32, #tpu.memory_space<vmem_shared>>) target(%dma_start3A_39 : memref<640x144xf32, #tpu.memory_space<hbm>>) target_semaphore(%run_scoped3A : memref<!tpu.dma_semaphore, #tpu.memory_space<semaphore_mem>>)
          %dma_wait3A = arith.constant 9360 : i32
          %dma_wait3A_43 = arith.constant 0 : i32
          %dma_wait3A_44 = tpu.memref_slice %arg13[%dma_wait3A, %dma_wait3A_43] : memref<10000x144xf32, #tpu.memory_space<hbm>> -> memref<640x144xf32, #tpu.memory_space<hbm>>
          %dma_wait3A_45 = arith.constant 9360 : i32
          %dma_wait3A_46 = arith.constant 0 : i32
          %dma_wait3A_47 = tpu.memref_slice %arg21[%dma_wait3A_45, %dma_wait3A_46] : memref<10000x144xf32, #tpu.memory_space<vmem_shared>> -> memref<640x144xf32, #tpu.memory_space<vmem_shared>>
          tpu.wait_dma2 semaphore(%run_scoped3A : memref<!tpu.dma_semaphore, #tpu.memory_space<semaphore_mem>>) src(%dma_wait3A_47 : memref<640x144xf32, #tpu.memory_space<vmem_shared>>) dst(%dma_wait3A_44 : memref<640x144xf32, #tpu.memory_space<hbm>>)
          tpu.yield
        }) : () -> ()
      } else {
      }
    } else {
    }
    %eq3A_23 = arith.constant 1 : i32
    %eq3A_24 = arith.cmpi eq, %arg0, %eq3A_23 : i32
    %convert_element_type3A_25 = arith.extui %eq3A_24 : i1 to i32
    %cond3A_26 = arith.constant 0 : i32
    %cond3A_27 = arith.cmpi ne, %convert_element_type3A_25, %cond3A_26 : i32
    scf.if %cond3A_27 {
      %lt3A_28 = arith.constant 15 : i32
      %lt3A_29 = arith.cmpi slt, %arg1, %lt3A_28 : i32
      %convert_element_type3A_30 = arith.extui %lt3A_29 : i1 to i32
      %cond3A_31 = arith.constant 0 : i32
      %cond3A_32 = arith.cmpi ne, %convert_element_type3A_30, %cond3A_31 : i32
      scf.if %cond3A_32 {
        "tpu.region"() ({
          %run_scoped3A = tpu.sem_alloc : memref<!tpu.dma_semaphore, #tpu.memory_space<semaphore_mem>>
          %dma_start3A = arith.constant 0 : i32
          %dma_start3A_38 = tpu.memref_slice %arg14[%mul3A_0, %dma_start3A] : memref<10000x144xf32, #tpu.memory_space<hbm>> -> memref<624x144xf32, #tpu.memory_space<hbm>>
          %dma_start3A_39 = arith.constant 0 : i32
          %dma_start3A_40 = tpu.memref_slice %arg21[%mul3A_0, %dma_start3A_39] : memref<10000x144xf32, #tpu.memory_space<vmem_shared>> -> memref<624x144xf32, #tpu.memory_space<vmem_shared>>
          tpu.enqueue_dma source(%dma_start3A_40 : memref<624x144xf32, #tpu.memory_space<vmem_shared>>) target(%dma_start3A_38 : memref<624x144xf32, #tpu.memory_space<hbm>>) target_semaphore(%run_scoped3A : memref<!tpu.dma_semaphore, #tpu.memory_space<semaphore_mem>>)
          %dma_wait3A = arith.constant 0 : i32
          %dma_wait3A_41 = tpu.memref_slice %arg14[%mul3A_0, %dma_wait3A] : memref<10000x144xf32, #tpu.memory_space<hbm>> -> memref<624x144xf32, #tpu.memory_space<hbm>>
          %dma_wait3A_42 = arith.constant 0 : i32
          %dma_wait3A_43 = tpu.memref_slice %arg21[%mul3A_0, %dma_wait3A_42] : memref<10000x144xf32, #tpu.memory_space<vmem_shared>> -> memref<624x144xf32, #tpu.memory_space<vmem_shared>>
          tpu.wait_dma2 semaphore(%run_scoped3A : memref<!tpu.dma_semaphore, #tpu.memory_space<semaphore_mem>>) src(%dma_wait3A_43 : memref<624x144xf32, #tpu.memory_space<vmem_shared>>) dst(%dma_wait3A_41 : memref<624x144xf32, #tpu.memory_space<hbm>>)
          tpu.yield
        }) : () -> ()
      } else {
      }
      %eq3A_33 = arith.constant 15 : i32
      %eq3A_34 = arith.cmpi eq, %arg1, %eq3A_33 : i32
      %convert_element_type3A_35 = arith.extui %eq3A_34 : i1 to i32
      %cond3A_36 = arith.constant 0 : i32
      %cond3A_37 = arith.cmpi ne, %convert_element_type3A_35, %cond3A_36 : i32
      scf.if %cond3A_37 {
        "tpu.region"() ({
          %run_scoped3A = tpu.sem_alloc : memref<!tpu.dma_semaphore, #tpu.memory_space<semaphore_mem>>
          %dma_start3A = arith.constant 9360 : i32
          %dma_start3A_38 = arith.constant 0 : i32
          %dma_start3A_39 = tpu.memref_slice %arg14[%dma_start3A, %dma_start3A_38] : memref<10000x144xf32, #tpu.memory_space<hbm>> -> memref<640x144xf32, #tpu.memory_space<hbm>>
          %dma_start3A_40 = arith.constant 9360 : i32
          %dma_start3A_41 = arith.constant 0 : i32
          %dma_start3A_42 = tpu.memref_slice %arg21[%dma_start3A_40, %dma_start3A_41] : memref<10000x144xf32, #tpu.memory_space<vmem_shared>> -> memref<640x144xf32, #tpu.memory_space<vmem_shared>>
          tpu.enqueue_dma source(%dma_start3A_42 : memref<640x144xf32, #tpu.memory_space<vmem_shared>>) target(%dma_start3A_39 : memref<640x144xf32, #tpu.memory_space<hbm>>) target_semaphore(%run_scoped3A : memref<!tpu.dma_semaphore, #tpu.memory_space<semaphore_mem>>)
          %dma_wait3A = arith.constant 9360 : i32
          %dma_wait3A_43 = arith.constant 0 : i32
          %dma_wait3A_44 = tpu.memref_slice %arg14[%dma_wait3A, %dma_wait3A_43] : memref<10000x144xf32, #tpu.memory_space<hbm>> -> memref<640x144xf32, #tpu.memory_space<hbm>>
          %dma_wait3A_45 = arith.constant 9360 : i32
          %dma_wait3A_46 = arith.constant 0 : i32
          %dma_wait3A_47 = tpu.memref_slice %arg21[%dma_wait3A_45, %dma_wait3A_46] : memref<10000x144xf32, #tpu.memory_space<vmem_shared>> -> memref<640x144xf32, #tpu.memory_space<vmem_shared>>
          tpu.wait_dma2 semaphore(%run_scoped3A : memref<!tpu.dma_semaphore, #tpu.memory_space<semaphore_mem>>) src(%dma_wait3A_47 : memref<640x144xf32, #tpu.memory_space<vmem_shared>>) dst(%dma_wait3A_44 : memref<640x144xf32, #tpu.memory_space<hbm>>)
          tpu.yield
        }) : () -> ()
      } else {
      }
    } else {
    }
    return
  }
}

#map = affine_map<(d0, d1) -> (0, 0)>
#map1 = affine_map<(d0, d1) -> (0, 0, 0)>
module attributes {stable_mosaic.version = 14 : i64} {
  func.func @k(%arg0: i32, %arg1: i32, %arg2: memref<10000x144xf32, #tpu.memory_space<hbm>>, %arg3: memref<10000x144xf32, #tpu.memory_space<hbm>>, %arg4: memref<16x156x128xi32, #tpu.memory_space<hbm>>, %arg5: memref<16x156x128xi32, #tpu.memory_space<hbm>>, %arg6: memref<16x156x128xi32, #tpu.memory_space<hbm>>, %arg7: memref<16x156x128xi32, #tpu.memory_space<hbm>>, %arg8: memref<16x32xi32, #tpu.memory_space<hbm>>, %arg9: memref<16x32xi32, #tpu.memory_space<hbm>>, %arg10: memref<16x32xi32, #tpu.memory_space<hbm>>, %arg11: memref<16x32xi32, #tpu.memory_space<hbm>>, %arg12: memref<10000x144xf32, #tpu.memory_space<hbm>>, %arg13: memref<10000x144xf32, #tpu.memory_space<hbm>>, %arg14: memref<10000x144xf32, #tpu.memory_space<hbm>>, %arg15: memref<12x128xi32, #tpu.memory_space<vmem>>, %arg16: memref<12x128xi32, #tpu.memory_space<vmem>>, %arg17: memref<32xi32, #tpu.memory_space<vmem>>, %arg18: memref<32xi32, #tpu.memory_space<vmem>>, %arg19: memref<128x144xf32, #tpu.memory_space<vmem>>, %arg20: memref<128x144xf32, #tpu.memory_space<vmem>>, %arg21: memref<10000x144xf32, #tpu.memory_space<vmem_shared>>, %arg22: memref<!tpu.dma_semaphore, #tpu.memory_space<semaphore_mem>>, %arg23: memref<!tpu.dma_semaphore, #tpu.memory_space<semaphore_mem>>, %arg24: memref<!tpu.dma_semaphore, #tpu.memory_space<semaphore_mem>>, %arg25: memref<!tpu.dma_semaphore, #tpu.memory_space<semaphore_mem>>) attributes {dimension_semantics = [#tpu.dimension_semantics<core_parallel>, #tpu.dimension_semantics<subcore_parallel>], iteration_bounds = array<i64: 2, 16>, scalar_prefetch = 0 : i64, scratch_operands = 11 : i64, tpu.core_type = #tpu.core_type<sc_vector_subcore>, window_params = [{transform_indices = #map}, {transform_indices = #map}, {transform_indices = #map1}, {transform_indices = #map1}, {transform_indices = #map1}, {transform_indices = #map1}, {transform_indices = #map}, {transform_indices = #map}, {transform_indices = #map}, {transform_indices = #map}, {transform_indices = #map}, {transform_indices = #map}, {transform_indices = #map}]} {
    %mul3A = arith.constant 624 : i32
    %mul3A_0 = arith.muli %arg1, %mul3A : i32
    %lt3A = arith.constant 15 : i32
    %lt3A_1 = arith.cmpi slt, %arg1, %lt3A : i32
    %convert_element_type3A = arith.extui %lt3A_1 : i1 to i32
    %cond3A = arith.constant 0 : i32
    %cond3A_2 = arith.cmpi ne, %convert_element_type3A, %cond3A : i32
    scf.if %cond3A_2 {
      "tpu.region"() ({
        %run_scoped3A = tpu.sem_alloc : memref<!tpu.dma_semaphore, #tpu.memory_space<semaphore_mem>>
        %dma_start3A = arith.constant 0 : i32
        %dma_start3A_28 = tpu.memref_slice %arg21[%mul3A_0, %dma_start3A] : memref<10000x144xf32, #tpu.memory_space<vmem_shared>> -> memref<624x144xf32, #tpu.memory_space<vmem_shared>>
        %dma_start3A_29 = arith.constant 0 : i32
        %dma_start3A_30 = tpu.memref_slice %arg12[%mul3A_0, %dma_start3A_29] : memref<10000x144xf32, #tpu.memory_space<hbm>> -> memref<624x144xf32, #tpu.memory_space<hbm>>
        tpu.enqueue_dma source(%dma_start3A_30 : memref<624x144xf32, #tpu.memory_space<hbm>>) target(%dma_start3A_28 : memref<624x144xf32, #tpu.memory_space<vmem_shared>>) target_semaphore(%run_scoped3A : memref<!tpu.dma_semaphore, #tpu.memory_space<semaphore_mem>>)
        %dma_wait3A = arith.constant 0 : i32
        %dma_wait3A_31 = tpu.memref_slice %arg21[%mul3A_0, %dma_wait3A] : memref<10000x144xf32, #tpu.memory_space<vmem_shared>> -> memref<624x144xf32, #tpu.memory_space<vmem_shared>>
        %dma_wait3A_32 = arith.constant 0 : i32
        %dma_wait3A_33 = tpu.memref_slice %arg12[%mul3A_0, %dma_wait3A_32] : memref<10000x144xf32, #tpu.memory_space<hbm>> -> memref<624x144xf32, #tpu.memory_space<hbm>>
        tpu.wait_dma2 semaphore(%run_scoped3A : memref<!tpu.dma_semaphore, #tpu.memory_space<semaphore_mem>>) src(%dma_wait3A_33 : memref<624x144xf32, #tpu.memory_space<hbm>>) dst(%dma_wait3A_31 : memref<624x144xf32, #tpu.memory_space<vmem_shared>>)
        tpu.yield
      }) : () -> ()
    } else {
    }
    %eq3A = arith.constant 15 : i32
    %eq3A_3 = arith.cmpi eq, %arg1, %eq3A : i32
    %convert_element_type3A_4 = arith.extui %eq3A_3 : i1 to i32
    %cond3A_5 = arith.constant 0 : i32
    %cond3A_6 = arith.cmpi ne, %convert_element_type3A_4, %cond3A_5 : i32
    scf.if %cond3A_6 {
      "tpu.region"() ({
        %run_scoped3A = tpu.sem_alloc : memref<!tpu.dma_semaphore, #tpu.memory_space<semaphore_mem>>
        %dma_start3A = arith.constant 9360 : i32
        %dma_start3A_28 = arith.constant 0 : i32
        %dma_start3A_29 = tpu.memref_slice %arg21[%dma_start3A, %dma_start3A_28] : memref<10000x144xf32, #tpu.memory_space<vmem_shared>> -> memref<640x144xf32, #tpu.memory_space<vmem_shared>>
        %dma_start3A_30 = arith.constant 9360 : i32
        %dma_start3A_31 = arith.constant 0 : i32
        %dma_start3A_32 = tpu.memref_slice %arg12[%dma_start3A_30, %dma_start3A_31] : memref<10000x144xf32, #tpu.memory_space<hbm>> -> memref<640x144xf32, #tpu.memory_space<hbm>>
        tpu.enqueue_dma source(%dma_start3A_32 : memref<640x144xf32, #tpu.memory_space<hbm>>) target(%dma_start3A_29 : memref<640x144xf32, #tpu.memory_space<vmem_shared>>) target_semaphore(%run_scoped3A : memref<!tpu.dma_semaphore, #tpu.memory_space<semaphore_mem>>)
        %dma_wait3A = arith.constant 9360 : i32
        %dma_wait3A_33 = arith.constant 0 : i32
        %dma_wait3A_34 = tpu.memref_slice %arg21[%dma_wait3A, %dma_wait3A_33] : memref<10000x144xf32, #tpu.memory_space<vmem_shared>> -> memref<640x144xf32, #tpu.memory_space<vmem_shared>>
        %dma_wait3A_35 = arith.constant 9360 : i32
        %dma_wait3A_36 = arith.constant 0 : i32
        %dma_wait3A_37 = tpu.memref_slice %arg12[%dma_wait3A_35, %dma_wait3A_36] : memref<10000x144xf32, #tpu.memory_space<hbm>> -> memref<640x144xf32, #tpu.memory_space<hbm>>
        tpu.wait_dma2 semaphore(%run_scoped3A : memref<!tpu.dma_semaphore, #tpu.memory_space<semaphore_mem>>) src(%dma_wait3A_37 : memref<640x144xf32, #tpu.memory_space<hbm>>) dst(%dma_wait3A_34 : memref<640x144xf32, #tpu.memory_space<vmem_shared>>)
        tpu.yield
      }) : () -> ()
    } else {
    }
    %barrier3A = arith.constant 0 : index
    tpu.barrier barrier_id(%barrier3A)
    %eq3A_7 = arith.constant 0 : i32
    %eq3A_8 = arith.cmpi eq, %arg0, %eq3A_7 : i32
    %convert_element_type3A_9 = arith.extui %eq3A_8 : i1 to i32
    %cond3A_10 = arith.constant 0 : i32
    %cond3A_11 = arith.cmpi ne, %convert_element_type3A_9, %cond3A_10 : i32
    scf.if %cond3A_11 {
      %scan3A = arith.constant 0 : i32
      %scan3A_28 = arith.constant 13 : i32
      %scan3A_29 = arith.addi %scan3A, %scan3A_28 : i32
      %scan3A_30 = arith.constant 1 : i32
      scf.for %scan3A_42 = %scan3A to %scan3A_29 step %scan3A_30  : i32 {
        %mul3A_43 = arith.constant 1 : i32
        %mul3A_44 = arith.muli %scan3A_42, %mul3A_43 : i32
        %add3A = arith.constant 0 : i32
        %add3A_45 = arith.addi %add3A, %mul3A_44 : i32
        %mul3A_46 = arith.constant 12 : i32
        %mul3A_47 = arith.muli %add3A_45, %mul3A_46 : i32
        "tpu.region"() ({
          %run_scoped3A = tpu.sem_alloc : memref<!tpu.dma_semaphore, #tpu.memory_space<semaphore_mem>>
          %dma_start3A_69 = arith.constant 0 : i32
          %dma_start3A_70 = arith.constant 0 : i32
          %dma_start3A_71 = tpu.memref_slice %arg4[%arg1, %dma_start3A_69, %dma_start3A_70] : memref<16x156x128xi32, #tpu.memory_space<hbm>> -> memref<1x156x128xi32, #tpu.memory_space<hbm>>
          %dma_start3A_72 = tpu.memref_squeeze %dma_start3A_71 : memref<1x156x128xi32, #tpu.memory_space<hbm>> -> memref<156x128xi32, #tpu.memory_space<hbm>>
          %dma_start3A_73 = arith.constant 0 : i32
          %dma_start3A_74 = tpu.memref_slice %dma_start3A_72[%mul3A_47, %dma_start3A_73] : memref<156x128xi32, #tpu.memory_space<hbm>> -> memref<12x128xi32, #tpu.memory_space<hbm>>
          %dma_start3A_75 = arith.constant 0 : i32
          %dma_start3A_76 = arith.constant 0 : i32
          %dma_start3A_77 = tpu.memref_slice %arg4[%arg1, %dma_start3A_75, %dma_start3A_76] : memref<16x156x128xi32, #tpu.memory_space<hbm>> -> memref<1x156x128xi32, #tpu.memory_space<hbm>>
          %dma_start3A_78 = tpu.memref_squeeze %dma_start3A_77 : memref<1x156x128xi32, #tpu.memory_space<hbm>> -> memref<156x128xi32, #tpu.memory_space<hbm>>
          %dma_start3A_79 = arith.constant 0 : i32
          %dma_start3A_80 = tpu.memref_slice %dma_start3A_78[%mul3A_47, %dma_start3A_79] : memref<156x128xi32, #tpu.memory_space<hbm>> -> memref<12x128xi32, #tpu.memory_space<hbm>>
          tpu.enqueue_dma source(%dma_start3A_80 : memref<12x128xi32, #tpu.memory_space<hbm>>) target(%arg15 : memref<12x128xi32, #tpu.memory_space<vmem>>) target_semaphore(%run_scoped3A : memref<!tpu.dma_semaphore, #tpu.memory_space<semaphore_mem>>)
          %dma_wait3A_81 = arith.constant 0 : i32
          %dma_wait3A_82 = arith.constant 0 : i32
          %dma_wait3A_83 = tpu.memref_slice %arg4[%arg1, %dma_wait3A_81, %dma_wait3A_82] : memref<16x156x128xi32, #tpu.memory_space<hbm>> -> memref<1x156x128xi32, #tpu.memory_space<hbm>>
          %dma_wait3A_84 = tpu.memref_squeeze %dma_wait3A_83 : memref<1x156x128xi32, #tpu.memory_space<hbm>> -> memref<156x128xi32, #tpu.memory_space<hbm>>
          %dma_wait3A_85 = arith.constant 0 : i32
          %dma_wait3A_86 = tpu.memref_slice %dma_wait3A_84[%mul3A_47, %dma_wait3A_85] : memref<156x128xi32, #tpu.memory_space<hbm>> -> memref<12x128xi32, #tpu.memory_space<hbm>>
          %dma_wait3A_87 = arith.constant 0 : i32
          %dma_wait3A_88 = arith.constant 0 : i32
          %dma_wait3A_89 = tpu.memref_slice %arg4[%arg1, %dma_wait3A_87, %dma_wait3A_88] : memref<16x156x128xi32, #tpu.memory_space<hbm>> -> memref<1x156x128xi32, #tpu.memory_space<hbm>>
          %dma_wait3A_90 = tpu.memref_squeeze %dma_wait3A_89 : memref<1x156x128xi32, #tpu.memory_space<hbm>> -> memref<156x128xi32, #tpu.memory_space<hbm>>
          %dma_wait3A_91 = arith.constant 0 : i32
          %dma_wait3A_92 = tpu.memref_slice %dma_wait3A_90[%mul3A_47, %dma_wait3A_91] : memref<156x128xi32, #tpu.memory_space<hbm>> -> memref<12x128xi32, #tpu.memory_space<hbm>>
          tpu.wait_dma2 semaphore(%run_scoped3A : memref<!tpu.dma_semaphore, #tpu.memory_space<semaphore_mem>>) src(%dma_wait3A_92 : memref<12x128xi32, #tpu.memory_space<hbm>>) dst(%arg15 : memref<12x128xi32, #tpu.memory_space<vmem>>)
          tpu.yield
        }) : () -> ()
        %mul3A_48 = arith.constant 12 : i32
        %mul3A_49 = arith.muli %add3A_45, %mul3A_48 : i32
        "tpu.region"() ({
          %run_scoped3A = tpu.sem_alloc : memref<!tpu.dma_semaphore, #tpu.memory_space<semaphore_mem>>
          %dma_start3A_69 = arith.constant 0 : i32
          %dma_start3A_70 = arith.constant 0 : i32
          %dma_start3A_71 = tpu.memref_slice %arg5[%arg1, %dma_start3A_69, %dma_start3A_70] : memref<16x156x128xi32, #tpu.memory_space<hbm>> -> memref<1x156x128xi32, #tpu.memory_space<hbm>>
          %dma_start3A_72 = tpu.memref_squeeze %dma_start3A_71 : memref<1x156x128xi32, #tpu.memory_space<hbm>> -> memref<156x128xi32, #tpu.memory_space<hbm>>
          %dma_start3A_73 = arith.constant 0 : i32
          %dma_start3A_74 = tpu.memref_slice %dma_start3A_72[%mul3A_49, %dma_start3A_73] : memref<156x128xi32, #tpu.memory_space<hbm>> -> memref<12x128xi32, #tpu.memory_space<hbm>>
          %dma_start3A_75 = arith.constant 0 : i32
          %dma_start3A_76 = arith.constant 0 : i32
          %dma_start3A_77 = tpu.memref_slice %arg5[%arg1, %dma_start3A_75, %dma_start3A_76] : memref<16x156x128xi32, #tpu.memory_space<hbm>> -> memref<1x156x128xi32, #tpu.memory_space<hbm>>
          %dma_start3A_78 = tpu.memref_squeeze %dma_start3A_77 : memref<1x156x128xi32, #tpu.memory_space<hbm>> -> memref<156x128xi32, #tpu.memory_space<hbm>>
          %dma_start3A_79 = arith.constant 0 : i32
          %dma_start3A_80 = tpu.memref_slice %dma_start3A_78[%mul3A_49, %dma_start3A_79] : memref<156x128xi32, #tpu.memory_space<hbm>> -> memref<12x128xi32, #tpu.memory_space<hbm>>
          tpu.enqueue_dma source(%dma_start3A_80 : memref<12x128xi32, #tpu.memory_space<hbm>>) target(%arg16 : memref<12x128xi32, #tpu.memory_space<vmem>>) target_semaphore(%run_scoped3A : memref<!tpu.dma_semaphore, #tpu.memory_space<semaphore_mem>>)
          %dma_wait3A_81 = arith.constant 0 : i32
          %dma_wait3A_82 = arith.constant 0 : i32
          %dma_wait3A_83 = tpu.memref_slice %arg5[%arg1, %dma_wait3A_81, %dma_wait3A_82] : memref<16x156x128xi32, #tpu.memory_space<hbm>> -> memref<1x156x128xi32, #tpu.memory_space<hbm>>
          %dma_wait3A_84 = tpu.memref_squeeze %dma_wait3A_83 : memref<1x156x128xi32, #tpu.memory_space<hbm>> -> memref<156x128xi32, #tpu.memory_space<hbm>>
          %dma_wait3A_85 = arith.constant 0 : i32
          %dma_wait3A_86 = tpu.memref_slice %dma_wait3A_84[%mul3A_49, %dma_wait3A_85] : memref<156x128xi32, #tpu.memory_space<hbm>> -> memref<12x128xi32, #tpu.memory_space<hbm>>
          %dma_wait3A_87 = arith.constant 0 : i32
          %dma_wait3A_88 = arith.constant 0 : i32
          %dma_wait3A_89 = tpu.memref_slice %arg5[%arg1, %dma_wait3A_87, %dma_wait3A_88] : memref<16x156x128xi32, #tpu.memory_space<hbm>> -> memref<1x156x128xi32, #tpu.memory_space<hbm>>
          %dma_wait3A_90 = tpu.memref_squeeze %dma_wait3A_89 : memref<1x156x128xi32, #tpu.memory_space<hbm>> -> memref<156x128xi32, #tpu.memory_space<hbm>>
          %dma_wait3A_91 = arith.constant 0 : i32
          %dma_wait3A_92 = tpu.memref_slice %dma_wait3A_90[%mul3A_49, %dma_wait3A_91] : memref<156x128xi32, #tpu.memory_space<hbm>> -> memref<12x128xi32, #tpu.memory_space<hbm>>
          tpu.wait_dma2 semaphore(%run_scoped3A : memref<!tpu.dma_semaphore, #tpu.memory_space<semaphore_mem>>) src(%dma_wait3A_92 : memref<12x128xi32, #tpu.memory_space<hbm>>) dst(%arg16 : memref<12x128xi32, #tpu.memory_space<vmem>>)
          tpu.yield
        }) : () -> ()
        %dma_start3A_50 = arith.constant 0 : i32
        %dma_start3A_51 = arith.constant 0 : i32
        %dma_start3A_52 = tpu.memref_slice %arg15[%dma_start3A_50, %dma_start3A_51] : memref<12x128xi32, #tpu.memory_space<vmem>> -> memref<1x128xi32, #tpu.memory_space<vmem>>
        %dma_start3A_53 = tpu.memref_squeeze %dma_start3A_52 : memref<1x128xi32, #tpu.memory_space<vmem>> -> memref<128xi32, #tpu.memory_space<vmem>>
        %dma_start3A_54 = arith.constant 0 : i32
        %dma_start3A_55 = arith.constant 0 : i32
        %dma_start3A_56 = tpu.memref_slice %arg2[%dma_start3A_54, %dma_start3A_55] : memref<10000x144xf32, #tpu.memory_space<hbm>> -> memref<10000x144xf32, #tpu.memory_space<hbm>>
        tpu.enqueue_indirect_dma source(%dma_start3A_56 : memref<10000x144xf32, #tpu.memory_space<hbm>>) target(%arg19 : memref<128x144xf32, #tpu.memory_space<vmem>>) offsets(%dma_start3A_53 : memref<128xi32, #tpu.memory_space<vmem>>) semaphore(%arg22 : memref<!tpu.dma_semaphore, #tpu.memory_space<semaphore_mem>>)
        %dma_start3A_57 = arith.constant 1 : i32
        %dma_start3A_58 = arith.constant 0 : i32
        %dma_start3A_59 = tpu.memref_slice %arg15[%dma_start3A_57, %dma_start3A_58] : memref<12x128xi32, #tpu.memory_space<vmem>> -> memref<1x128xi32, #tpu.memory_space<vmem>>
        %dma_start3A_60 = tpu.memref_squeeze %dma_start3A_59 : memref<1x128xi32, #tpu.memory_space<vmem>> -> memref<128xi32, #tpu.memory_space<vmem>>
        %dma_start3A_61 = arith.constant 0 : i32
        %dma_start3A_62 = arith.constant 0 : i32
        %dma_start3A_63 = tpu.memref_slice %arg2[%dma_start3A_61, %dma_start3A_62] : memref<10000x144xf32, #tpu.memory_space<hbm>> -> memref<10000x144xf32, #tpu.memory_space<hbm>>
        tpu.enqueue_indirect_dma source(%dma_start3A_63 : memref<10000x144xf32, #tpu.memory_space<hbm>>) target(%arg20 : memref<128x144xf32, #tpu.memory_space<vmem>>) offsets(%dma_start3A_60 : memref<128xi32, #tpu.memory_space<vmem>>) semaphore(%arg23 : memref<!tpu.dma_semaphore, #tpu.memory_space<semaphore_mem>>)
        %scan3A_64 = arith.constant 0 : i32
        %scan3A_65 = arith.constant 6 : i32
        %scan3A_66 = arith.addi %scan3A_64, %scan3A_65 : i32
        %scan3A_67 = arith.constant 1 : i32
        scf.for %scan3A_69 = %scan3A_64 to %scan3A_66 step %scan3A_67  : i32 {
          %mul3A_70 = arith.constant 2 : i32
          %mul3A_71 = arith.muli %scan3A_69, %mul3A_70 : i32
          %add3A_72 = arith.constant 0 : i32
          %add3A_73 = arith.addi %add3A_72, %mul3A_71 : i32
          %dma_wait3A_74 = arith.constant 0 : i32
          %dma_wait3A_75 = tpu.memref_slice %arg15[%add3A_73, %dma_wait3A_74] : memref<12x128xi32, #tpu.memory_space<vmem>> -> memref<1x128xi32, #tpu.memory_space<vmem>>
          %dma_wait3A_76 = tpu.memref_squeeze %dma_wait3A_75 : memref<1x128xi32, #tpu.memory_space<vmem>> -> memref<128xi32, #tpu.memory_space<vmem>>
          %dma_wait3A_77 = arith.constant 0 : i32
          %dma_wait3A_78 = arith.constant 0 : i32
          %dma_wait3A_79 = tpu.memref_slice %arg2[%dma_wait3A_77, %dma_wait3A_78] : memref<10000x144xf32, #tpu.memory_space<hbm>> -> memref<10000x144xf32, #tpu.memory_space<hbm>>
          tpu.wait_indirect_dma semaphore(%arg22 : memref<!tpu.dma_semaphore, #tpu.memory_space<semaphore_mem>>) src(%dma_wait3A_79 : memref<10000x144xf32, #tpu.memory_space<hbm>>) dst(%arg19 : memref<128x144xf32, #tpu.memory_space<vmem>>)
          %dma_start3A_80 = arith.constant 0 : i32
          %dma_start3A_81 = tpu.memref_slice %arg16[%add3A_73, %dma_start3A_80] : memref<12x128xi32, #tpu.memory_space<vmem>> -> memref<1x128xi32, #tpu.memory_space<vmem>>
          %dma_start3A_82 = tpu.memref_squeeze %dma_start3A_81 : memref<1x128xi32, #tpu.memory_space<vmem>> -> memref<128xi32, #tpu.memory_space<vmem>>
          %dma_start3A_83 = arith.constant 0 : i32
          %dma_start3A_84 = arith.constant 0 : i32
          %dma_start3A_85 = tpu.memref_slice %arg21[%dma_start3A_83, %dma_start3A_84] : memref<10000x144xf32, #tpu.memory_space<vmem_shared>> -> memref<10000x144xf32, #tpu.memory_space<vmem_shared>>
          tpu.enqueue_indirect_dma source(%arg19 : memref<128x144xf32, #tpu.memory_space<vmem>>) target(%dma_start3A_85 : memref<10000x144xf32, #tpu.memory_space<vmem_shared>>) offsets(%dma_start3A_82 : memref<128xi32, #tpu.memory_space<vmem>>) semaphore(%arg24 : memref<!tpu.dma_semaphore, #tpu.memory_space<semaphore_mem>>) {add = true}
          %add3A_86 = arith.constant 1 : i32
          %add3A_87 = arith.addi %add3A_73, %add3A_86 : i32
          %dma_wait3A_88 = arith.constant 0 : i32
          %dma_wait3A_89 = tpu.memref_slice %arg15[%add3A_87, %dma_wait3A_88] : memref<12x128xi32, #tpu.memory_space<vmem>> -> memref<1x128xi32, #tpu.memory_space<vmem>>
          %dma_wait3A_90 = tpu.memref_squeeze %dma_wait3A_89 : memref<1x128xi32, #tpu.memory_space<vmem>> -> memref<128xi32, #tpu.memory_space<vmem>>
          %dma_wait3A_91 = arith.constant 0 : i32
          %dma_wait3A_92 = arith.constant 0 : i32
          %dma_wait3A_93 = tpu.memref_slice %arg2[%dma_wait3A_91, %dma_wait3A_92] : memref<10000x144xf32, #tpu.memory_space<hbm>> -> memref<10000x144xf32, #tpu.memory_space<hbm>>
          tpu.wait_indirect_dma semaphore(%arg23 : memref<!tpu.dma_semaphore, #tpu.memory_space<semaphore_mem>>) src(%dma_wait3A_93 : memref<10000x144xf32, #tpu.memory_space<hbm>>) dst(%arg20 : memref<128x144xf32, #tpu.memory_space<vmem>>)
          %add3A_94 = arith.constant 1 : i32
          %add3A_95 = arith.addi %add3A_73, %add3A_94 : i32
          %dma_start3A_96 = arith.constant 0 : i32
          %dma_start3A_97 = tpu.memref_slice %arg16[%add3A_95, %dma_start3A_96] : memref<12x128xi32, #tpu.memory_space<vmem>> -> memref<1x128xi32, #tpu.memory_space<vmem>>
          %dma_start3A_98 = tpu.memref_squeeze %dma_start3A_97 : memref<1x128xi32, #tpu.memory_space<vmem>> -> memref<128xi32, #tpu.memory_space<vmem>>
          %dma_start3A_99 = arith.constant 0 : i32
          %dma_start3A_100 = arith.constant 0 : i32
          %dma_start3A_101 = tpu.memref_slice %arg21[%dma_start3A_99, %dma_start3A_100] : memref<10000x144xf32, #tpu.memory_space<vmem_shared>> -> memref<10000x144xf32, #tpu.memory_space<vmem_shared>>
          tpu.enqueue_indirect_dma source(%arg20 : memref<128x144xf32, #tpu.memory_space<vmem>>) target(%dma_start3A_101 : memref<10000x144xf32, #tpu.memory_space<vmem_shared>>) offsets(%dma_start3A_98 : memref<128xi32, #tpu.memory_space<vmem>>) semaphore(%arg25 : memref<!tpu.dma_semaphore, #tpu.memory_space<semaphore_mem>>) {add = true}
          %dma_wait3A_102 = arith.constant 0 : i32
          %dma_wait3A_103 = tpu.memref_slice %arg16[%add3A_73, %dma_wait3A_102] : memref<12x128xi32, #tpu.memory_space<vmem>> -> memref<1x128xi32, #tpu.memory_space<vmem>>
          %dma_wait3A_104 = tpu.memref_squeeze %dma_wait3A_103 : memref<1x128xi32, #tpu.memory_space<vmem>> -> memref<128xi32, #tpu.memory_space<vmem>>
          %dma_wait3A_105 = arith.constant 0 : i32
          %dma_wait3A_106 = arith.constant 0 : i32
          %dma_wait3A_107 = tpu.memref_slice %arg21[%dma_wait3A_105, %dma_wait3A_106] : memref<10000x144xf32, #tpu.memory_space<vmem_shared>> -> memref<10000x144xf32, #tpu.memory_space<vmem_shared>>
          tpu.wait_indirect_dma semaphore(%arg24 : memref<!tpu.dma_semaphore, #tpu.memory_space<semaphore_mem>>) src(%arg19 : memref<128x144xf32, #tpu.memory_space<vmem>>) dst(%dma_wait3A_107 : memref<10000x144xf32, #tpu.memory_space<vmem_shared>>)
          %add3A_108 = arith.constant 2 : i32
          %add3A_109 = arith.addi %add3A_73, %add3A_108 : i32
          %lt3A_110 = arith.constant 12 : i32
          %lt3A_111 = arith.cmpi slt, %add3A_109, %lt3A_110 : i32
          %convert_element_type3A_112 = arith.extui %lt3A_111 : i1 to i32
          %cond3A_113 = arith.constant 0 : i32
          %cond3A_114 = arith.cmpi ne, %convert_element_type3A_112, %cond3A_113 : i32
          scf.if %cond3A_114 {
            %add3A_130 = arith.constant 2 : i32
            %add3A_131 = arith.addi %add3A_73, %add3A_130 : i32
            %dma_start3A_132 = arith.constant 0 : i32
            %dma_start3A_133 = tpu.memref_slice %arg15[%add3A_131, %dma_start3A_132] : memref<12x128xi32, #tpu.memory_space<vmem>> -> memref<1x128xi32, #tpu.memory_space<vmem>>
            %dma_start3A_134 = tpu.memref_squeeze %dma_start3A_133 : memref<1x128xi32, #tpu.memory_space<vmem>> -> memref<128xi32, #tpu.memory_space<vmem>>
            %dma_start3A_135 = arith.constant 0 : i32
            %dma_start3A_136 = arith.constant 0 : i32
            %dma_start3A_137 = tpu.memref_slice %arg2[%dma_start3A_135, %dma_start3A_136] : memref<10000x144xf32, #tpu.memory_space<hbm>> -> memref<10000x144xf32, #tpu.memory_space<hbm>>
            tpu.enqueue_indirect_dma source(%dma_start3A_137 : memref<10000x144xf32, #tpu.memory_space<hbm>>) target(%arg19 : memref<128x144xf32, #tpu.memory_space<vmem>>) offsets(%dma_start3A_134 : memref<128xi32, #tpu.memory_space<vmem>>) semaphore(%arg22 : memref<!tpu.dma_semaphore, #tpu.memory_space<semaphore_mem>>)
          } else {
          }
          %add3A_115 = arith.constant 1 : i32
          %add3A_116 = arith.addi %add3A_73, %add3A_115 : i32
          %dma_wait3A_117 = arith.constant 0 : i32
          %dma_wait3A_118 = tpu.memref_slice %arg16[%add3A_116, %dma_wait3A_117] : memref<12x128xi32, #tpu.memory_space<vmem>> -> memref<1x128xi32, #tpu.memory_space<vmem>>
          %dma_wait3A_119 = tpu.memref_squeeze %dma_wait3A_118 : memref<1x128xi32, #tpu.memory_space<vmem>> -> memref<128xi32, #tpu.memory_space<vmem>>
          %dma_wait3A_120 = arith.constant 0 : i32
          %dma_wait3A_121 = arith.constant 0 : i32
          %dma_wait3A_122 = tpu.memref_slice %arg21[%dma_wait3A_120, %dma_wait3A_121] : memref<10000x144xf32, #tpu.memory_space<vmem_shared>> -> memref<10000x144xf32, #tpu.memory_space<vmem_shared>>
          tpu.wait_indirect_dma semaphore(%arg25 : memref<!tpu.dma_semaphore, #tpu.memory_space<semaphore_mem>>) src(%arg20 : memref<128x144xf32, #tpu.memory_space<vmem>>) dst(%dma_wait3A_122 : memref<10000x144xf32, #tpu.memory_space<vmem_shared>>)
          %add3A_123 = arith.constant 3 : i32
          %add3A_124 = arith.addi %add3A_73, %add3A_123 : i32
          %lt3A_125 = arith.constant 12 : i32
          %lt3A_126 = arith.cmpi slt, %add3A_124, %lt3A_125 : i32
          %convert_element_type3A_127 = arith.extui %lt3A_126 : i1 to i32
          %cond3A_128 = arith.constant 0 : i32
          %cond3A_129 = arith.cmpi ne, %convert_element_type3A_127, %cond3A_128 : i32
          scf.if %cond3A_129 {
            %add3A_130 = arith.constant 3 : i32
            %add3A_131 = arith.addi %add3A_73, %add3A_130 : i32
            %dma_start3A_132 = arith.constant 0 : i32
            %dma_start3A_133 = tpu.memref_slice %arg15[%add3A_131, %dma_start3A_132] : memref<12x128xi32, #tpu.memory_space<vmem>> -> memref<1x128xi32, #tpu.memory_space<vmem>>
            %dma_start3A_134 = tpu.memref_squeeze %dma_start3A_133 : memref<1x128xi32, #tpu.memory_space<vmem>> -> memref<128xi32, #tpu.memory_space<vmem>>
            %dma_start3A_135 = arith.constant 0 : i32
            %dma_start3A_136 = arith.constant 0 : i32
            %dma_start3A_137 = tpu.memref_slice %arg2[%dma_start3A_135, %dma_start3A_136] : memref<10000x144xf32, #tpu.memory_space<hbm>> -> memref<10000x144xf32, #tpu.memory_space<hbm>>
            tpu.enqueue_indirect_dma source(%dma_start3A_137 : memref<10000x144xf32, #tpu.memory_space<hbm>>) target(%arg20 : memref<128x144xf32, #tpu.memory_space<vmem>>) offsets(%dma_start3A_134 : memref<128xi32, #tpu.memory_space<vmem>>) semaphore(%arg23 : memref<!tpu.dma_semaphore, #tpu.memory_space<semaphore_mem>>)
          } else {
          }
        }
        %scan3A_68 = arith.constant 6 : i32
      }
      %scan3A_31 = arith.constant 13 : i32
      "tpu.region"() ({
        %run_scoped3A = tpu.sem_alloc : memref<!tpu.dma_semaphore, #tpu.memory_space<semaphore_mem>>
        %dma_start3A_42 = arith.constant 0 : i32
        %dma_start3A_43 = tpu.memref_slice %arg8[%arg1, %dma_start3A_42] : memref<16x32xi32, #tpu.memory_space<hbm>> -> memref<1x32xi32, #tpu.memory_space<hbm>>
        %dma_start3A_44 = tpu.memref_squeeze %dma_start3A_43 : memref<1x32xi32, #tpu.memory_space<hbm>> -> memref<32xi32, #tpu.memory_space<hbm>>
        %dma_start3A_45 = arith.constant 0 : i32
        %dma_start3A_46 = tpu.memref_slice %arg8[%arg1, %dma_start3A_45] : memref<16x32xi32, #tpu.memory_space<hbm>> -> memref<1x32xi32, #tpu.memory_space<hbm>>
        %dma_start3A_47 = tpu.memref_squeeze %dma_start3A_46 : memref<1x32xi32, #tpu.memory_space<hbm>> -> memref<32xi32, #tpu.memory_space<hbm>>
        tpu.enqueue_dma source(%dma_start3A_47 : memref<32xi32, #tpu.memory_space<hbm>>) target(%arg17 : memref<32xi32, #tpu.memory_space<vmem>>) target_semaphore(%run_scoped3A : memref<!tpu.dma_semaphore, #tpu.memory_space<semaphore_mem>>)
        %dma_wait3A_48 = arith.constant 0 : i32
        %dma_wait3A_49 = tpu.memref_slice %arg8[%arg1, %dma_wait3A_48] : memref<16x32xi32, #tpu.memory_space<hbm>> -> memref<1x32xi32, #tpu.memory_space<hbm>>
        %dma_wait3A_50 = tpu.memref_squeeze %dma_wait3A_49 : memref<1x32xi32, #tpu.memory_space<hbm>> -> memref<32xi32, #tpu.memory_space<hbm>>
        %dma_wait3A_51 = arith.constant 0 : i32
        %dma_wait3A_52 = tpu.memref_slice %arg8[%arg1, %dma_wait3A_51] : memref<16x32xi32, #tpu.memory_space<hbm>> -> memref<1x32xi32, #tpu.memory_space<hbm>>
        %dma_wait3A_53 = tpu.memref_squeeze %dma_wait3A_52 : memref<1x32xi32, #tpu.memory_space<hbm>> -> memref<32xi32, #tpu.memory_space<hbm>>
        tpu.wait_dma2 semaphore(%run_scoped3A : memref<!tpu.dma_semaphore, #tpu.memory_space<semaphore_mem>>) src(%dma_wait3A_53 : memref<32xi32, #tpu.memory_space<hbm>>) dst(%arg17 : memref<32xi32, #tpu.memory_space<vmem>>)
        tpu.yield
      }) : () -> ()
      "tpu.region"() ({
        %run_scoped3A = tpu.sem_alloc : memref<!tpu.dma_semaphore, #tpu.memory_space<semaphore_mem>>
        %dma_start3A_42 = arith.constant 0 : i32
        %dma_start3A_43 = tpu.memref_slice %arg9[%arg1, %dma_start3A_42] : memref<16x32xi32, #tpu.memory_space<hbm>> -> memref<1x32xi32, #tpu.memory_space<hbm>>
        %dma_start3A_44 = tpu.memref_squeeze %dma_start3A_43 : memref<1x32xi32, #tpu.memory_space<hbm>> -> memref<32xi32, #tpu.memory_space<hbm>>
        %dma_start3A_45 = arith.constant 0 : i32
        %dma_start3A_46 = tpu.memref_slice %arg9[%arg1, %dma_start3A_45] : memref<16x32xi32, #tpu.memory_space<hbm>> -> memref<1x32xi32, #tpu.memory_space<hbm>>
        %dma_start3A_47 = tpu.memref_squeeze %dma_start3A_46 : memref<1x32xi32, #tpu.memory_space<hbm>> -> memref<32xi32, #tpu.memory_space<hbm>>
        tpu.enqueue_dma source(%dma_start3A_47 : memref<32xi32, #tpu.memory_space<hbm>>) target(%arg18 : memref<32xi32, #tpu.memory_space<vmem>>) target_semaphore(%run_scoped3A : memref<!tpu.dma_semaphore, #tpu.memory_space<semaphore_mem>>)
        %dma_wait3A_48 = arith.constant 0 : i32
        %dma_wait3A_49 = tpu.memref_slice %arg9[%arg1, %dma_wait3A_48] : memref<16x32xi32, #tpu.memory_space<hbm>> -> memref<1x32xi32, #tpu.memory_space<hbm>>
        %dma_wait3A_50 = tpu.memref_squeeze %dma_wait3A_49 : memref<1x32xi32, #tpu.memory_space<hbm>> -> memref<32xi32, #tpu.memory_space<hbm>>
        %dma_wait3A_51 = arith.constant 0 : i32
        %dma_wait3A_52 = tpu.memref_slice %arg9[%arg1, %dma_wait3A_51] : memref<16x32xi32, #tpu.memory_space<hbm>> -> memref<1x32xi32, #tpu.memory_space<hbm>>
        %dma_wait3A_53 = tpu.memref_squeeze %dma_wait3A_52 : memref<1x32xi32, #tpu.memory_space<hbm>> -> memref<32xi32, #tpu.memory_space<hbm>>
        tpu.wait_dma2 semaphore(%run_scoped3A : memref<!tpu.dma_semaphore, #tpu.memory_space<semaphore_mem>>) src(%dma_wait3A_53 : memref<32xi32, #tpu.memory_space<hbm>>) dst(%arg18 : memref<32xi32, #tpu.memory_space<vmem>>)
        tpu.yield
      }) : () -> ()
      %dma_start3A = arith.constant 0 : i32
      %dma_start3A_32 = arith.constant 0 : i32
      %dma_start3A_33 = tpu.memref_slice %arg19[%dma_start3A, %dma_start3A_32] : memref<128x144xf32, #tpu.memory_space<vmem>> -> memref<32x144xf32, #tpu.memory_space<vmem>>
      %dma_start3A_34 = arith.constant 0 : i32
      %dma_start3A_35 = arith.constant 0 : i32
      %dma_start3A_36 = tpu.memref_slice %arg2[%dma_start3A_34, %dma_start3A_35] : memref<10000x144xf32, #tpu.memory_space<hbm>> -> memref<10000x144xf32, #tpu.memory_space<hbm>>
      tpu.enqueue_indirect_dma source(%dma_start3A_36 : memref<10000x144xf32, #tpu.memory_space<hbm>>) target(%dma_start3A_33 : memref<32x144xf32, #tpu.memory_space<vmem>>) offsets(%arg17 : memref<32xi32, #tpu.memory_space<vmem>>) semaphore(%arg22 : memref<!tpu.dma_semaphore, #tpu.memory_space<semaphore_mem>>)
      %dma_wait3A = arith.constant 0 : i32
      %dma_wait3A_37 = arith.constant 0 : i32
      %dma_wait3A_38 = tpu.memref_slice %arg19[%dma_wait3A, %dma_wait3A_37] : memref<128x144xf32, #tpu.memory_space<vmem>> -> memref<32x144xf32, #tpu.memory_space<vmem>>
      %dma_wait3A_39 = arith.constant 0 : i32
      %dma_wait3A_40 = arith.constant 0 : i32
      %dma_wait3A_41 = tpu.memref_slice %arg2[%dma_wait3A_39, %dma_wait3A_40] : memref<10000x144xf32, #tpu.memory_space<hbm>> -> memref<10000x144xf32, #tpu.memory_space<hbm>>
      tpu.wait_indirect_dma semaphore(%arg22 : memref<!tpu.dma_semaphore, #tpu.memory_space<semaphore_mem>>) src(%dma_wait3A_41 : memref<10000x144xf32, #tpu.memory_space<hbm>>) dst(%dma_wait3A_38 : memref<32x144xf32, #tpu.memory_space<vmem>>)
      "tpu.region"() ({
        %run_scoped3A = tpu.sem_alloc : memref<!tpu.dma_semaphore, #tpu.memory_space<semaphore_mem>>
        %dma_start3A_42 = arith.constant 0 : i32
        %dma_start3A_43 = arith.constant 0 : i32
        %dma_start3A_44 = tpu.memref_slice %arg19[%dma_start3A_42, %dma_start3A_43] : memref<128x144xf32, #tpu.memory_space<vmem>> -> memref<32x144xf32, #tpu.memory_space<vmem>>
        %dma_start3A_45 = arith.constant 0 : i32
        %dma_start3A_46 = arith.constant 0 : i32
        %dma_start3A_47 = tpu.memref_slice %arg21[%dma_start3A_45, %dma_start3A_46] : memref<10000x144xf32, #tpu.memory_space<vmem_shared>> -> memref<10000x144xf32, #tpu.memory_space<vmem_shared>>
        tpu.enqueue_indirect_dma source(%dma_start3A_44 : memref<32x144xf32, #tpu.memory_space<vmem>>) target(%dma_start3A_47 : memref<10000x144xf32, #tpu.memory_space<vmem_shared>>) offsets(%arg18 : memref<32xi32, #tpu.memory_space<vmem>>) semaphore(%run_scoped3A : memref<!tpu.dma_semaphore, #tpu.memory_space<semaphore_mem>>) {add = true}
        %dma_wait3A_48 = arith.constant 0 : i32
        %dma_wait3A_49 = arith.constant 0 : i32
        %dma_wait3A_50 = tpu.memref_slice %arg19[%dma_wait3A_48, %dma_wait3A_49] : memref<128x144xf32, #tpu.memory_space<vmem>> -> memref<32x144xf32, #tpu.memory_space<vmem>>
        %dma_wait3A_51 = arith.constant 0 : i32
        %dma_wait3A_52 = arith.constant 0 : i32
        %dma_wait3A_53 = tpu.memref_slice %arg21[%dma_wait3A_51, %dma_wait3A_52] : memref<10000x144xf32, #tpu.memory_space<vmem_shared>> -> memref<10000x144xf32, #tpu.memory_space<vmem_shared>>
        tpu.wait_indirect_dma semaphore(%run_scoped3A : memref<!tpu.dma_semaphore, #tpu.memory_space<semaphore_mem>>) src(%dma_wait3A_50 : memref<32x144xf32, #tpu.memory_space<vmem>>) dst(%dma_wait3A_53 : memref<10000x144xf32, #tpu.memory_space<vmem_shared>>)
        tpu.yield
      }) : () -> ()
    } else {
    }
    %eq3A_12 = arith.constant 1 : i32
    %eq3A_13 = arith.cmpi eq, %arg0, %eq3A_12 : i32
    %convert_element_type3A_14 = arith.extui %eq3A_13 : i1 to i32
    %cond3A_15 = arith.constant 0 : i32
    %cond3A_16 = arith.cmpi ne, %convert_element_type3A_14, %cond3A_15 : i32
    scf.if %cond3A_16 {
      %scan3A = arith.constant 0 : i32
      %scan3A_28 = arith.constant 13 : i32
      %scan3A_29 = arith.addi %scan3A, %scan3A_28 : i32
      %scan3A_30 = arith.constant 1 : i32
      scf.for %scan3A_42 = %scan3A to %scan3A_29 step %scan3A_30  : i32 {
        %mul3A_43 = arith.constant 1 : i32
        %mul3A_44 = arith.muli %scan3A_42, %mul3A_43 : i32
        %add3A = arith.constant 0 : i32
        %add3A_45 = arith.addi %add3A, %mul3A_44 : i32
        %mul3A_46 = arith.constant 12 : i32
        %mul3A_47 = arith.muli %add3A_45, %mul3A_46 : i32
        "tpu.region"() ({
          %run_scoped3A = tpu.sem_alloc : memref<!tpu.dma_semaphore, #tpu.memory_space<semaphore_mem>>
          %dma_start3A_69 = arith.constant 0 : i32
          %dma_start3A_70 = arith.constant 0 : i32
          %dma_start3A_71 = tpu.memref_slice %arg6[%arg1, %dma_start3A_69, %dma_start3A_70] : memref<16x156x128xi32, #tpu.memory_space<hbm>> -> memref<1x156x128xi32, #tpu.memory_space<hbm>>
          %dma_start3A_72 = tpu.memref_squeeze %dma_start3A_71 : memref<1x156x128xi32, #tpu.memory_space<hbm>> -> memref<156x128xi32, #tpu.memory_space<hbm>>
          %dma_start3A_73 = arith.constant 0 : i32
          %dma_start3A_74 = tpu.memref_slice %dma_start3A_72[%mul3A_47, %dma_start3A_73] : memref<156x128xi32, #tpu.memory_space<hbm>> -> memref<12x128xi32, #tpu.memory_space<hbm>>
          %dma_start3A_75 = arith.constant 0 : i32
          %dma_start3A_76 = arith.constant 0 : i32
          %dma_start3A_77 = tpu.memref_slice %arg6[%arg1, %dma_start3A_75, %dma_start3A_76] : memref<16x156x128xi32, #tpu.memory_space<hbm>> -> memref<1x156x128xi32, #tpu.memory_space<hbm>>
          %dma_start3A_78 = tpu.memref_squeeze %dma_start3A_77 : memref<1x156x128xi32, #tpu.memory_space<hbm>> -> memref<156x128xi32, #tpu.memory_space<hbm>>
          %dma_start3A_79 = arith.constant 0 : i32
          %dma_start3A_80 = tpu.memref_slice %dma_start3A_78[%mul3A_47, %dma_start3A_79] : memref<156x128xi32, #tpu.memory_space<hbm>> -> memref<12x128xi32, #tpu.memory_space<hbm>>
          tpu.enqueue_dma source(%dma_start3A_80 : memref<12x128xi32, #tpu.memory_space<hbm>>) target(%arg15 : memref<12x128xi32, #tpu.memory_space<vmem>>) target_semaphore(%run_scoped3A : memref<!tpu.dma_semaphore, #tpu.memory_space<semaphore_mem>>)
          %dma_wait3A_81 = arith.constant 0 : i32
          %dma_wait3A_82 = arith.constant 0 : i32
          %dma_wait3A_83 = tpu.memref_slice %arg6[%arg1, %dma_wait3A_81, %dma_wait3A_82] : memref<16x156x128xi32, #tpu.memory_space<hbm>> -> memref<1x156x128xi32, #tpu.memory_space<hbm>>
          %dma_wait3A_84 = tpu.memref_squeeze %dma_wait3A_83 : memref<1x156x128xi32, #tpu.memory_space<hbm>> -> memref<156x128xi32, #tpu.memory_space<hbm>>
          %dma_wait3A_85 = arith.constant 0 : i32
          %dma_wait3A_86 = tpu.memref_slice %dma_wait3A_84[%mul3A_47, %dma_wait3A_85] : memref<156x128xi32, #tpu.memory_space<hbm>> -> memref<12x128xi32, #tpu.memory_space<hbm>>
          %dma_wait3A_87 = arith.constant 0 : i32
          %dma_wait3A_88 = arith.constant 0 : i32
          %dma_wait3A_89 = tpu.memref_slice %arg6[%arg1, %dma_wait3A_87, %dma_wait3A_88] : memref<16x156x128xi32, #tpu.memory_space<hbm>> -> memref<1x156x128xi32, #tpu.memory_space<hbm>>
          %dma_wait3A_90 = tpu.memref_squeeze %dma_wait3A_89 : memref<1x156x128xi32, #tpu.memory_space<hbm>> -> memref<156x128xi32, #tpu.memory_space<hbm>>
          %dma_wait3A_91 = arith.constant 0 : i32
          %dma_wait3A_92 = tpu.memref_slice %dma_wait3A_90[%mul3A_47, %dma_wait3A_91] : memref<156x128xi32, #tpu.memory_space<hbm>> -> memref<12x128xi32, #tpu.memory_space<hbm>>
          tpu.wait_dma2 semaphore(%run_scoped3A : memref<!tpu.dma_semaphore, #tpu.memory_space<semaphore_mem>>) src(%dma_wait3A_92 : memref<12x128xi32, #tpu.memory_space<hbm>>) dst(%arg15 : memref<12x128xi32, #tpu.memory_space<vmem>>)
          tpu.yield
        }) : () -> ()
        %mul3A_48 = arith.constant 12 : i32
        %mul3A_49 = arith.muli %add3A_45, %mul3A_48 : i32
        "tpu.region"() ({
          %run_scoped3A = tpu.sem_alloc : memref<!tpu.dma_semaphore, #tpu.memory_space<semaphore_mem>>
          %dma_start3A_69 = arith.constant 0 : i32
          %dma_start3A_70 = arith.constant 0 : i32
          %dma_start3A_71 = tpu.memref_slice %arg7[%arg1, %dma_start3A_69, %dma_start3A_70] : memref<16x156x128xi32, #tpu.memory_space<hbm>> -> memref<1x156x128xi32, #tpu.memory_space<hbm>>
          %dma_start3A_72 = tpu.memref_squeeze %dma_start3A_71 : memref<1x156x128xi32, #tpu.memory_space<hbm>> -> memref<156x128xi32, #tpu.memory_space<hbm>>
          %dma_start3A_73 = arith.constant 0 : i32
          %dma_start3A_74 = tpu.memref_slice %dma_start3A_72[%mul3A_49, %dma_start3A_73] : memref<156x128xi32, #tpu.memory_space<hbm>> -> memref<12x128xi32, #tpu.memory_space<hbm>>
          %dma_start3A_75 = arith.constant 0 : i32
          %dma_start3A_76 = arith.constant 0 : i32
          %dma_start3A_77 = tpu.memref_slice %arg7[%arg1, %dma_start3A_75, %dma_start3A_76] : memref<16x156x128xi32, #tpu.memory_space<hbm>> -> memref<1x156x128xi32, #tpu.memory_space<hbm>>
          %dma_start3A_78 = tpu.memref_squeeze %dma_start3A_77 : memref<1x156x128xi32, #tpu.memory_space<hbm>> -> memref<156x128xi32, #tpu.memory_space<hbm>>
          %dma_start3A_79 = arith.constant 0 : i32
          %dma_start3A_80 = tpu.memref_slice %dma_start3A_78[%mul3A_49, %dma_start3A_79] : memref<156x128xi32, #tpu.memory_space<hbm>> -> memref<12x128xi32, #tpu.memory_space<hbm>>
          tpu.enqueue_dma source(%dma_start3A_80 : memref<12x128xi32, #tpu.memory_space<hbm>>) target(%arg16 : memref<12x128xi32, #tpu.memory_space<vmem>>) target_semaphore(%run_scoped3A : memref<!tpu.dma_semaphore, #tpu.memory_space<semaphore_mem>>)
          %dma_wait3A_81 = arith.constant 0 : i32
          %dma_wait3A_82 = arith.constant 0 : i32
          %dma_wait3A_83 = tpu.memref_slice %arg7[%arg1, %dma_wait3A_81, %dma_wait3A_82] : memref<16x156x128xi32, #tpu.memory_space<hbm>> -> memref<1x156x128xi32, #tpu.memory_space<hbm>>
          %dma_wait3A_84 = tpu.memref_squeeze %dma_wait3A_83 : memref<1x156x128xi32, #tpu.memory_space<hbm>> -> memref<156x128xi32, #tpu.memory_space<hbm>>
          %dma_wait3A_85 = arith.constant 0 : i32
          %dma_wait3A_86 = tpu.memref_slice %dma_wait3A_84[%mul3A_49, %dma_wait3A_85] : memref<156x128xi32, #tpu.memory_space<hbm>> -> memref<12x128xi32, #tpu.memory_space<hbm>>
          %dma_wait3A_87 = arith.constant 0 : i32
          %dma_wait3A_88 = arith.constant 0 : i32
          %dma_wait3A_89 = tpu.memref_slice %arg7[%arg1, %dma_wait3A_87, %dma_wait3A_88] : memref<16x156x128xi32, #tpu.memory_space<hbm>> -> memref<1x156x128xi32, #tpu.memory_space<hbm>>
          %dma_wait3A_90 = tpu.memref_squeeze %dma_wait3A_89 : memref<1x156x128xi32, #tpu.memory_space<hbm>> -> memref<156x128xi32, #tpu.memory_space<hbm>>
          %dma_wait3A_91 = arith.constant 0 : i32
          %dma_wait3A_92 = tpu.memref_slice %dma_wait3A_90[%mul3A_49, %dma_wait3A_91] : memref<156x128xi32, #tpu.memory_space<hbm>> -> memref<12x128xi32, #tpu.memory_space<hbm>>
          tpu.wait_dma2 semaphore(%run_scoped3A : memref<!tpu.dma_semaphore, #tpu.memory_space<semaphore_mem>>) src(%dma_wait3A_92 : memref<12x128xi32, #tpu.memory_space<hbm>>) dst(%arg16 : memref<12x128xi32, #tpu.memory_space<vmem>>)
          tpu.yield
        }) : () -> ()
        %dma_start3A_50 = arith.constant 0 : i32
        %dma_start3A_51 = arith.constant 0 : i32
        %dma_start3A_52 = tpu.memref_slice %arg15[%dma_start3A_50, %dma_start3A_51] : memref<12x128xi32, #tpu.memory_space<vmem>> -> memref<1x128xi32, #tpu.memory_space<vmem>>
        %dma_start3A_53 = tpu.memref_squeeze %dma_start3A_52 : memref<1x128xi32, #tpu.memory_space<vmem>> -> memref<128xi32, #tpu.memory_space<vmem>>
        %dma_start3A_54 = arith.constant 0 : i32
        %dma_start3A_55 = arith.constant 0 : i32
        %dma_start3A_56 = tpu.memref_slice %arg3[%dma_start3A_54, %dma_start3A_55] : memref<10000x144xf32, #tpu.memory_space<hbm>> -> memref<10000x144xf32, #tpu.memory_space<hbm>>
        tpu.enqueue_indirect_dma source(%dma_start3A_56 : memref<10000x144xf32, #tpu.memory_space<hbm>>) target(%arg19 : memref<128x144xf32, #tpu.memory_space<vmem>>) offsets(%dma_start3A_53 : memref<128xi32, #tpu.memory_space<vmem>>) semaphore(%arg22 : memref<!tpu.dma_semaphore, #tpu.memory_space<semaphore_mem>>)
        %dma_start3A_57 = arith.constant 1 : i32
        %dma_start3A_58 = arith.constant 0 : i32
        %dma_start3A_59 = tpu.memref_slice %arg15[%dma_start3A_57, %dma_start3A_58] : memref<12x128xi32, #tpu.memory_space<vmem>> -> memref<1x128xi32, #tpu.memory_space<vmem>>
        %dma_start3A_60 = tpu.memref_squeeze %dma_start3A_59 : memref<1x128xi32, #tpu.memory_space<vmem>> -> memref<128xi32, #tpu.memory_space<vmem>>
        %dma_start3A_61 = arith.constant 0 : i32
        %dma_start3A_62 = arith.constant 0 : i32
        %dma_start3A_63 = tpu.memref_slice %arg3[%dma_start3A_61, %dma_start3A_62] : memref<10000x144xf32, #tpu.memory_space<hbm>> -> memref<10000x144xf32, #tpu.memory_space<hbm>>
        tpu.enqueue_indirect_dma source(%dma_start3A_63 : memref<10000x144xf32, #tpu.memory_space<hbm>>) target(%arg20 : memref<128x144xf32, #tpu.memory_space<vmem>>) offsets(%dma_start3A_60 : memref<128xi32, #tpu.memory_space<vmem>>) semaphore(%arg23 : memref<!tpu.dma_semaphore, #tpu.memory_space<semaphore_mem>>)
        %scan3A_64 = arith.constant 0 : i32
        %scan3A_65 = arith.constant 6 : i32
        %scan3A_66 = arith.addi %scan3A_64, %scan3A_65 : i32
        %scan3A_67 = arith.constant 1 : i32
        scf.for %scan3A_69 = %scan3A_64 to %scan3A_66 step %scan3A_67  : i32 {
          %mul3A_70 = arith.constant 2 : i32
          %mul3A_71 = arith.muli %scan3A_69, %mul3A_70 : i32
          %add3A_72 = arith.constant 0 : i32
          %add3A_73 = arith.addi %add3A_72, %mul3A_71 : i32
          %dma_wait3A_74 = arith.constant 0 : i32
          %dma_wait3A_75 = tpu.memref_slice %arg15[%add3A_73, %dma_wait3A_74] : memref<12x128xi32, #tpu.memory_space<vmem>> -> memref<1x128xi32, #tpu.memory_space<vmem>>
          %dma_wait3A_76 = tpu.memref_squeeze %dma_wait3A_75 : memref<1x128xi32, #tpu.memory_space<vmem>> -> memref<128xi32, #tpu.memory_space<vmem>>
          %dma_wait3A_77 = arith.constant 0 : i32
          %dma_wait3A_78 = arith.constant 0 : i32
          %dma_wait3A_79 = tpu.memref_slice %arg3[%dma_wait3A_77, %dma_wait3A_78] : memref<10000x144xf32, #tpu.memory_space<hbm>> -> memref<10000x144xf32, #tpu.memory_space<hbm>>
          tpu.wait_indirect_dma semaphore(%arg22 : memref<!tpu.dma_semaphore, #tpu.memory_space<semaphore_mem>>) src(%dma_wait3A_79 : memref<10000x144xf32, #tpu.memory_space<hbm>>) dst(%arg19 : memref<128x144xf32, #tpu.memory_space<vmem>>)
          %dma_start3A_80 = arith.constant 0 : i32
          %dma_start3A_81 = tpu.memref_slice %arg16[%add3A_73, %dma_start3A_80] : memref<12x128xi32, #tpu.memory_space<vmem>> -> memref<1x128xi32, #tpu.memory_space<vmem>>
          %dma_start3A_82 = tpu.memref_squeeze %dma_start3A_81 : memref<1x128xi32, #tpu.memory_space<vmem>> -> memref<128xi32, #tpu.memory_space<vmem>>
          %dma_start3A_83 = arith.constant 0 : i32
          %dma_start3A_84 = arith.constant 0 : i32
          %dma_start3A_85 = tpu.memref_slice %arg21[%dma_start3A_83, %dma_start3A_84] : memref<10000x144xf32, #tpu.memory_space<vmem_shared>> -> memref<10000x144xf32, #tpu.memory_space<vmem_shared>>
          tpu.enqueue_indirect_dma source(%arg19 : memref<128x144xf32, #tpu.memory_space<vmem>>) target(%dma_start3A_85 : memref<10000x144xf32, #tpu.memory_space<vmem_shared>>) offsets(%dma_start3A_82 : memref<128xi32, #tpu.memory_space<vmem>>) semaphore(%arg24 : memref<!tpu.dma_semaphore, #tpu.memory_space<semaphore_mem>>) {add = true}
          %add3A_86 = arith.constant 1 : i32
          %add3A_87 = arith.addi %add3A_73, %add3A_86 : i32
          %dma_wait3A_88 = arith.constant 0 : i32
          %dma_wait3A_89 = tpu.memref_slice %arg15[%add3A_87, %dma_wait3A_88] : memref<12x128xi32, #tpu.memory_space<vmem>> -> memref<1x128xi32, #tpu.memory_space<vmem>>
          %dma_wait3A_90 = tpu.memref_squeeze %dma_wait3A_89 : memref<1x128xi32, #tpu.memory_space<vmem>> -> memref<128xi32, #tpu.memory_space<vmem>>
          %dma_wait3A_91 = arith.constant 0 : i32
          %dma_wait3A_92 = arith.constant 0 : i32
          %dma_wait3A_93 = tpu.memref_slice %arg3[%dma_wait3A_91, %dma_wait3A_92] : memref<10000x144xf32, #tpu.memory_space<hbm>> -> memref<10000x144xf32, #tpu.memory_space<hbm>>
          tpu.wait_indirect_dma semaphore(%arg23 : memref<!tpu.dma_semaphore, #tpu.memory_space<semaphore_mem>>) src(%dma_wait3A_93 : memref<10000x144xf32, #tpu.memory_space<hbm>>) dst(%arg20 : memref<128x144xf32, #tpu.memory_space<vmem>>)
          %add3A_94 = arith.constant 1 : i32
          %add3A_95 = arith.addi %add3A_73, %add3A_94 : i32
          %dma_start3A_96 = arith.constant 0 : i32
          %dma_start3A_97 = tpu.memref_slice %arg16[%add3A_95, %dma_start3A_96] : memref<12x128xi32, #tpu.memory_space<vmem>> -> memref<1x128xi32, #tpu.memory_space<vmem>>
          %dma_start3A_98 = tpu.memref_squeeze %dma_start3A_97 : memref<1x128xi32, #tpu.memory_space<vmem>> -> memref<128xi32, #tpu.memory_space<vmem>>
          %dma_start3A_99 = arith.constant 0 : i32
          %dma_start3A_100 = arith.constant 0 : i32
          %dma_start3A_101 = tpu.memref_slice %arg21[%dma_start3A_99, %dma_start3A_100] : memref<10000x144xf32, #tpu.memory_space<vmem_shared>> -> memref<10000x144xf32, #tpu.memory_space<vmem_shared>>
          tpu.enqueue_indirect_dma source(%arg20 : memref<128x144xf32, #tpu.memory_space<vmem>>) target(%dma_start3A_101 : memref<10000x144xf32, #tpu.memory_space<vmem_shared>>) offsets(%dma_start3A_98 : memref<128xi32, #tpu.memory_space<vmem>>) semaphore(%arg25 : memref<!tpu.dma_semaphore, #tpu.memory_space<semaphore_mem>>) {add = true}
          %dma_wait3A_102 = arith.constant 0 : i32
          %dma_wait3A_103 = tpu.memref_slice %arg16[%add3A_73, %dma_wait3A_102] : memref<12x128xi32, #tpu.memory_space<vmem>> -> memref<1x128xi32, #tpu.memory_space<vmem>>
          %dma_wait3A_104 = tpu.memref_squeeze %dma_wait3A_103 : memref<1x128xi32, #tpu.memory_space<vmem>> -> memref<128xi32, #tpu.memory_space<vmem>>
          %dma_wait3A_105 = arith.constant 0 : i32
          %dma_wait3A_106 = arith.constant 0 : i32
          %dma_wait3A_107 = tpu.memref_slice %arg21[%dma_wait3A_105, %dma_wait3A_106] : memref<10000x144xf32, #tpu.memory_space<vmem_shared>> -> memref<10000x144xf32, #tpu.memory_space<vmem_shared>>
          tpu.wait_indirect_dma semaphore(%arg24 : memref<!tpu.dma_semaphore, #tpu.memory_space<semaphore_mem>>) src(%arg19 : memref<128x144xf32, #tpu.memory_space<vmem>>) dst(%dma_wait3A_107 : memref<10000x144xf32, #tpu.memory_space<vmem_shared>>)
          %add3A_108 = arith.constant 2 : i32
          %add3A_109 = arith.addi %add3A_73, %add3A_108 : i32
          %lt3A_110 = arith.constant 12 : i32
          %lt3A_111 = arith.cmpi slt, %add3A_109, %lt3A_110 : i32
          %convert_element_type3A_112 = arith.extui %lt3A_111 : i1 to i32
          %cond3A_113 = arith.constant 0 : i32
          %cond3A_114 = arith.cmpi ne, %convert_element_type3A_112, %cond3A_113 : i32
          scf.if %cond3A_114 {
            %add3A_130 = arith.constant 2 : i32
            %add3A_131 = arith.addi %add3A_73, %add3A_130 : i32
            %dma_start3A_132 = arith.constant 0 : i32
            %dma_start3A_133 = tpu.memref_slice %arg15[%add3A_131, %dma_start3A_132] : memref<12x128xi32, #tpu.memory_space<vmem>> -> memref<1x128xi32, #tpu.memory_space<vmem>>
            %dma_start3A_134 = tpu.memref_squeeze %dma_start3A_133 : memref<1x128xi32, #tpu.memory_space<vmem>> -> memref<128xi32, #tpu.memory_space<vmem>>
            %dma_start3A_135 = arith.constant 0 : i32
            %dma_start3A_136 = arith.constant 0 : i32
            %dma_start3A_137 = tpu.memref_slice %arg3[%dma_start3A_135, %dma_start3A_136] : memref<10000x144xf32, #tpu.memory_space<hbm>> -> memref<10000x144xf32, #tpu.memory_space<hbm>>
            tpu.enqueue_indirect_dma source(%dma_start3A_137 : memref<10000x144xf32, #tpu.memory_space<hbm>>) target(%arg19 : memref<128x144xf32, #tpu.memory_space<vmem>>) offsets(%dma_start3A_134 : memref<128xi32, #tpu.memory_space<vmem>>) semaphore(%arg22 : memref<!tpu.dma_semaphore, #tpu.memory_space<semaphore_mem>>)
          } else {
          }
          %add3A_115 = arith.constant 1 : i32
          %add3A_116 = arith.addi %add3A_73, %add3A_115 : i32
          %dma_wait3A_117 = arith.constant 0 : i32
          %dma_wait3A_118 = tpu.memref_slice %arg16[%add3A_116, %dma_wait3A_117] : memref<12x128xi32, #tpu.memory_space<vmem>> -> memref<1x128xi32, #tpu.memory_space<vmem>>
          %dma_wait3A_119 = tpu.memref_squeeze %dma_wait3A_118 : memref<1x128xi32, #tpu.memory_space<vmem>> -> memref<128xi32, #tpu.memory_space<vmem>>
          %dma_wait3A_120 = arith.constant 0 : i32
          %dma_wait3A_121 = arith.constant 0 : i32
          %dma_wait3A_122 = tpu.memref_slice %arg21[%dma_wait3A_120, %dma_wait3A_121] : memref<10000x144xf32, #tpu.memory_space<vmem_shared>> -> memref<10000x144xf32, #tpu.memory_space<vmem_shared>>
          tpu.wait_indirect_dma semaphore(%arg25 : memref<!tpu.dma_semaphore, #tpu.memory_space<semaphore_mem>>) src(%arg20 : memref<128x144xf32, #tpu.memory_space<vmem>>) dst(%dma_wait3A_122 : memref<10000x144xf32, #tpu.memory_space<vmem_shared>>)
          %add3A_123 = arith.constant 3 : i32
          %add3A_124 = arith.addi %add3A_73, %add3A_123 : i32
          %lt3A_125 = arith.constant 12 : i32
          %lt3A_126 = arith.cmpi slt, %add3A_124, %lt3A_125 : i32
          %convert_element_type3A_127 = arith.extui %lt3A_126 : i1 to i32
          %cond3A_128 = arith.constant 0 : i32
          %cond3A_129 = arith.cmpi ne, %convert_element_type3A_127, %cond3A_128 : i32
          scf.if %cond3A_129 {
            %add3A_130 = arith.constant 3 : i32
            %add3A_131 = arith.addi %add3A_73, %add3A_130 : i32
            %dma_start3A_132 = arith.constant 0 : i32
            %dma_start3A_133 = tpu.memref_slice %arg15[%add3A_131, %dma_start3A_132] : memref<12x128xi32, #tpu.memory_space<vmem>> -> memref<1x128xi32, #tpu.memory_space<vmem>>
            %dma_start3A_134 = tpu.memref_squeeze %dma_start3A_133 : memref<1x128xi32, #tpu.memory_space<vmem>> -> memref<128xi32, #tpu.memory_space<vmem>>
            %dma_start3A_135 = arith.constant 0 : i32
            %dma_start3A_136 = arith.constant 0 : i32
            %dma_start3A_137 = tpu.memref_slice %arg3[%dma_start3A_135, %dma_start3A_136] : memref<10000x144xf32, #tpu.memory_space<hbm>> -> memref<10000x144xf32, #tpu.memory_space<hbm>>
            tpu.enqueue_indirect_dma source(%dma_start3A_137 : memref<10000x144xf32, #tpu.memory_space<hbm>>) target(%arg20 : memref<128x144xf32, #tpu.memory_space<vmem>>) offsets(%dma_start3A_134 : memref<128xi32, #tpu.memory_space<vmem>>) semaphore(%arg23 : memref<!tpu.dma_semaphore, #tpu.memory_space<semaphore_mem>>)
          } else {
          }
        }
        %scan3A_68 = arith.constant 6 : i32
      }
      %scan3A_31 = arith.constant 13 : i32
      "tpu.region"() ({
        %run_scoped3A = tpu.sem_alloc : memref<!tpu.dma_semaphore, #tpu.memory_space<semaphore_mem>>
        %dma_start3A_42 = arith.constant 0 : i32
        %dma_start3A_43 = tpu.memref_slice %arg10[%arg1, %dma_start3A_42] : memref<16x32xi32, #tpu.memory_space<hbm>> -> memref<1x32xi32, #tpu.memory_space<hbm>>
        %dma_start3A_44 = tpu.memref_squeeze %dma_start3A_43 : memref<1x32xi32, #tpu.memory_space<hbm>> -> memref<32xi32, #tpu.memory_space<hbm>>
        %dma_start3A_45 = arith.constant 0 : i32
        %dma_start3A_46 = tpu.memref_slice %arg10[%arg1, %dma_start3A_45] : memref<16x32xi32, #tpu.memory_space<hbm>> -> memref<1x32xi32, #tpu.memory_space<hbm>>
        %dma_start3A_47 = tpu.memref_squeeze %dma_start3A_46 : memref<1x32xi32, #tpu.memory_space<hbm>> -> memref<32xi32, #tpu.memory_space<hbm>>
        tpu.enqueue_dma source(%dma_start3A_47 : memref<32xi32, #tpu.memory_space<hbm>>) target(%arg17 : memref<32xi32, #tpu.memory_space<vmem>>) target_semaphore(%run_scoped3A : memref<!tpu.dma_semaphore, #tpu.memory_space<semaphore_mem>>)
        %dma_wait3A_48 = arith.constant 0 : i32
        %dma_wait3A_49 = tpu.memref_slice %arg10[%arg1, %dma_wait3A_48] : memref<16x32xi32, #tpu.memory_space<hbm>> -> memref<1x32xi32, #tpu.memory_space<hbm>>
        %dma_wait3A_50 = tpu.memref_squeeze %dma_wait3A_49 : memref<1x32xi32, #tpu.memory_space<hbm>> -> memref<32xi32, #tpu.memory_space<hbm>>
        %dma_wait3A_51 = arith.constant 0 : i32
        %dma_wait3A_52 = tpu.memref_slice %arg10[%arg1, %dma_wait3A_51] : memref<16x32xi32, #tpu.memory_space<hbm>> -> memref<1x32xi32, #tpu.memory_space<hbm>>
        %dma_wait3A_53 = tpu.memref_squeeze %dma_wait3A_52 : memref<1x32xi32, #tpu.memory_space<hbm>> -> memref<32xi32, #tpu.memory_space<hbm>>
        tpu.wait_dma2 semaphore(%run_scoped3A : memref<!tpu.dma_semaphore, #tpu.memory_space<semaphore_mem>>) src(%dma_wait3A_53 : memref<32xi32, #tpu.memory_space<hbm>>) dst(%arg17 : memref<32xi32, #tpu.memory_space<vmem>>)
        tpu.yield
      }) : () -> ()
      "tpu.region"() ({
        %run_scoped3A = tpu.sem_alloc : memref<!tpu.dma_semaphore, #tpu.memory_space<semaphore_mem>>
        %dma_start3A_42 = arith.constant 0 : i32
        %dma_start3A_43 = tpu.memref_slice %arg11[%arg1, %dma_start3A_42] : memref<16x32xi32, #tpu.memory_space<hbm>> -> memref<1x32xi32, #tpu.memory_space<hbm>>
        %dma_start3A_44 = tpu.memref_squeeze %dma_start3A_43 : memref<1x32xi32, #tpu.memory_space<hbm>> -> memref<32xi32, #tpu.memory_space<hbm>>
        %dma_start3A_45 = arith.constant 0 : i32
        %dma_start3A_46 = tpu.memref_slice %arg11[%arg1, %dma_start3A_45] : memref<16x32xi32, #tpu.memory_space<hbm>> -> memref<1x32xi32, #tpu.memory_space<hbm>>
        %dma_start3A_47 = tpu.memref_squeeze %dma_start3A_46 : memref<1x32xi32, #tpu.memory_space<hbm>> -> memref<32xi32, #tpu.memory_space<hbm>>
        tpu.enqueue_dma source(%dma_start3A_47 : memref<32xi32, #tpu.memory_space<hbm>>) target(%arg18 : memref<32xi32, #tpu.memory_space<vmem>>) target_semaphore(%run_scoped3A : memref<!tpu.dma_semaphore, #tpu.memory_space<semaphore_mem>>)
        %dma_wait3A_48 = arith.constant 0 : i32
        %dma_wait3A_49 = tpu.memref_slice %arg11[%arg1, %dma_wait3A_48] : memref<16x32xi32, #tpu.memory_space<hbm>> -> memref<1x32xi32, #tpu.memory_space<hbm>>
        %dma_wait3A_50 = tpu.memref_squeeze %dma_wait3A_49 : memref<1x32xi32, #tpu.memory_space<hbm>> -> memref<32xi32, #tpu.memory_space<hbm>>
        %dma_wait3A_51 = arith.constant 0 : i32
        %dma_wait3A_52 = tpu.memref_slice %arg11[%arg1, %dma_wait3A_51] : memref<16x32xi32, #tpu.memory_space<hbm>> -> memref<1x32xi32, #tpu.memory_space<hbm>>
        %dma_wait3A_53 = tpu.memref_squeeze %dma_wait3A_52 : memref<1x32xi32, #tpu.memory_space<hbm>> -> memref<32xi32, #tpu.memory_space<hbm>>
        tpu.wait_dma2 semaphore(%run_scoped3A : memref<!tpu.dma_semaphore, #tpu.memory_space<semaphore_mem>>) src(%dma_wait3A_53 : memref<32xi32, #tpu.memory_space<hbm>>) dst(%arg18 : memref<32xi32, #tpu.memory_space<vmem>>)
        tpu.yield
      }) : () -> ()
      %dma_start3A = arith.constant 0 : i32
      %dma_start3A_32 = arith.constant 0 : i32
      %dma_start3A_33 = tpu.memref_slice %arg19[%dma_start3A, %dma_start3A_32] : memref<128x144xf32, #tpu.memory_space<vmem>> -> memref<32x144xf32, #tpu.memory_space<vmem>>
      %dma_start3A_34 = arith.constant 0 : i32
      %dma_start3A_35 = arith.constant 0 : i32
      %dma_start3A_36 = tpu.memref_slice %arg3[%dma_start3A_34, %dma_start3A_35] : memref<10000x144xf32, #tpu.memory_space<hbm>> -> memref<10000x144xf32, #tpu.memory_space<hbm>>
      tpu.enqueue_indirect_dma source(%dma_start3A_36 : memref<10000x144xf32, #tpu.memory_space<hbm>>) target(%dma_start3A_33 : memref<32x144xf32, #tpu.memory_space<vmem>>) offsets(%arg17 : memref<32xi32, #tpu.memory_space<vmem>>) semaphore(%arg22 : memref<!tpu.dma_semaphore, #tpu.memory_space<semaphore_mem>>)
      %dma_wait3A = arith.constant 0 : i32
      %dma_wait3A_37 = arith.constant 0 : i32
      %dma_wait3A_38 = tpu.memref_slice %arg19[%dma_wait3A, %dma_wait3A_37] : memref<128x144xf32, #tpu.memory_space<vmem>> -> memref<32x144xf32, #tpu.memory_space<vmem>>
      %dma_wait3A_39 = arith.constant 0 : i32
      %dma_wait3A_40 = arith.constant 0 : i32
      %dma_wait3A_41 = tpu.memref_slice %arg3[%dma_wait3A_39, %dma_wait3A_40] : memref<10000x144xf32, #tpu.memory_space<hbm>> -> memref<10000x144xf32, #tpu.memory_space<hbm>>
      tpu.wait_indirect_dma semaphore(%arg22 : memref<!tpu.dma_semaphore, #tpu.memory_space<semaphore_mem>>) src(%dma_wait3A_41 : memref<10000x144xf32, #tpu.memory_space<hbm>>) dst(%dma_wait3A_38 : memref<32x144xf32, #tpu.memory_space<vmem>>)
      "tpu.region"() ({
        %run_scoped3A = tpu.sem_alloc : memref<!tpu.dma_semaphore, #tpu.memory_space<semaphore_mem>>
        %dma_start3A_42 = arith.constant 0 : i32
        %dma_start3A_43 = arith.constant 0 : i32
        %dma_start3A_44 = tpu.memref_slice %arg19[%dma_start3A_42, %dma_start3A_43] : memref<128x144xf32, #tpu.memory_space<vmem>> -> memref<32x144xf32, #tpu.memory_space<vmem>>
        %dma_start3A_45 = arith.constant 0 : i32
        %dma_start3A_46 = arith.constant 0 : i32
        %dma_start3A_47 = tpu.memref_slice %arg21[%dma_start3A_45, %dma_start3A_46] : memref<10000x144xf32, #tpu.memory_space<vmem_shared>> -> memref<10000x144xf32, #tpu.memory_space<vmem_shared>>
        tpu.enqueue_indirect_dma source(%dma_start3A_44 : memref<32x144xf32, #tpu.memory_space<vmem>>) target(%dma_start3A_47 : memref<10000x144xf32, #tpu.memory_space<vmem_shared>>) offsets(%arg18 : memref<32xi32, #tpu.memory_space<vmem>>) semaphore(%run_scoped3A : memref<!tpu.dma_semaphore, #tpu.memory_space<semaphore_mem>>) {add = true}
        %dma_wait3A_48 = arith.constant 0 : i32
        %dma_wait3A_49 = arith.constant 0 : i32
        %dma_wait3A_50 = tpu.memref_slice %arg19[%dma_wait3A_48, %dma_wait3A_49] : memref<128x144xf32, #tpu.memory_space<vmem>> -> memref<32x144xf32, #tpu.memory_space<vmem>>
        %dma_wait3A_51 = arith.constant 0 : i32
        %dma_wait3A_52 = arith.constant 0 : i32
        %dma_wait3A_53 = tpu.memref_slice %arg21[%dma_wait3A_51, %dma_wait3A_52] : memref<10000x144xf32, #tpu.memory_space<vmem_shared>> -> memref<10000x144xf32, #tpu.memory_space<vmem_shared>>
        tpu.wait_indirect_dma semaphore(%run_scoped3A : memref<!tpu.dma_semaphore, #tpu.memory_space<semaphore_mem>>) src(%dma_wait3A_50 : memref<32x144xf32, #tpu.memory_space<vmem>>) dst(%dma_wait3A_53 : memref<10000x144xf32, #tpu.memory_space<vmem_shared>>)
        tpu.yield
      }) : () -> ()
    } else {
    }
    %barrier3A_17 = arith.constant 0 : index
    tpu.barrier barrier_id(%barrier3A_17)
    %eq3A_18 = arith.constant 0 : i32
    %eq3A_19 = arith.cmpi eq, %arg0, %eq3A_18 : i32
    %convert_element_type3A_20 = arith.extui %eq3A_19 : i1 to i32
    %cond3A_21 = arith.constant 0 : i32
    %cond3A_22 = arith.cmpi ne, %convert_element_type3A_20, %cond3A_21 : i32
    scf.if %cond3A_22 {
      %lt3A_28 = arith.constant 15 : i32
      %lt3A_29 = arith.cmpi slt, %arg1, %lt3A_28 : i32
      %convert_element_type3A_30 = arith.extui %lt3A_29 : i1 to i32
      %cond3A_31 = arith.constant 0 : i32
      %cond3A_32 = arith.cmpi ne, %convert_element_type3A_30, %cond3A_31 : i32
      scf.if %cond3A_32 {
        "tpu.region"() ({
          %run_scoped3A = tpu.sem_alloc : memref<!tpu.dma_semaphore, #tpu.memory_space<semaphore_mem>>
          %dma_start3A = arith.constant 0 : i32
          %dma_start3A_38 = tpu.memref_slice %arg13[%mul3A_0, %dma_start3A] : memref<10000x144xf32, #tpu.memory_space<hbm>> -> memref<624x144xf32, #tpu.memory_space<hbm>>
          %dma_start3A_39 = arith.constant 0 : i32
          %dma_start3A_40 = tpu.memref_slice %arg21[%mul3A_0, %dma_start3A_39] : memref<10000x144xf32, #tpu.memory_space<vmem_shared>> -> memref<624x144xf32, #tpu.memory_space<vmem_shared>>
          tpu.enqueue_dma source(%dma_start3A_40 : memref<624x144xf32, #tpu.memory_space<vmem_shared>>) target(%dma_start3A_38 : memref<624x144xf32, #tpu.memory_space<hbm>>) target_semaphore(%run_scoped3A : memref<!tpu.dma_semaphore, #tpu.memory_space<semaphore_mem>>)
          %dma_wait3A = arith.constant 0 : i32
          %dma_wait3A_41 = tpu.memref_slice %arg13[%mul3A_0, %dma_wait3A] : memref<10000x144xf32, #tpu.memory_space<hbm>> -> memref<624x144xf32, #tpu.memory_space<hbm>>
          %dma_wait3A_42 = arith.constant 0 : i32
          %dma_wait3A_43 = tpu.memref_slice %arg21[%mul3A_0, %dma_wait3A_42] : memref<10000x144xf32, #tpu.memory_space<vmem_shared>> -> memref<624x144xf32, #tpu.memory_space<vmem_shared>>
          tpu.wait_dma2 semaphore(%run_scoped3A : memref<!tpu.dma_semaphore, #tpu.memory_space<semaphore_mem>>) src(%dma_wait3A_43 : memref<624x144xf32, #tpu.memory_space<vmem_shared>>) dst(%dma_wait3A_41 : memref<624x144xf32, #tpu.memory_space<hbm>>)
          tpu.yield
        }) : () -> ()
      } else {
      }
      %eq3A_33 = arith.constant 15 : i32
      %eq3A_34 = arith.cmpi eq, %arg1, %eq3A_33 : i32
      %convert_element_type3A_35 = arith.extui %eq3A_34 : i1 to i32
      %cond3A_36 = arith.constant 0 : i32
      %cond3A_37 = arith.cmpi ne, %convert_element_type3A_35, %cond3A_36 : i32
      scf.if %cond3A_37 {
        "tpu.region"() ({
          %run_scoped3A = tpu.sem_alloc : memref<!tpu.dma_semaphore, #tpu.memory_space<semaphore_mem>>
          %dma_start3A = arith.constant 9360 : i32
          %dma_start3A_38 = arith.constant 0 : i32
          %dma_start3A_39 = tpu.memref_slice %arg13[%dma_start3A, %dma_start3A_38] : memref<10000x144xf32, #tpu.memory_space<hbm>> -> memref<640x144xf32, #tpu.memory_space<hbm>>
          %dma_start3A_40 = arith.constant 9360 : i32
          %dma_start3A_41 = arith.constant 0 : i32
          %dma_start3A_42 = tpu.memref_slice %arg21[%dma_start3A_40, %dma_start3A_41] : memref<10000x144xf32, #tpu.memory_space<vmem_shared>> -> memref<640x144xf32, #tpu.memory_space<vmem_shared>>
          tpu.enqueue_dma source(%dma_start3A_42 : memref<640x144xf32, #tpu.memory_space<vmem_shared>>) target(%dma_start3A_39 : memref<640x144xf32, #tpu.memory_space<hbm>>) target_semaphore(%run_scoped3A : memref<!tpu.dma_semaphore, #tpu.memory_space<semaphore_mem>>)
          %dma_wait3A = arith.constant 9360 : i32
          %dma_wait3A_43 = arith.constant 0 : i32
          %dma_wait3A_44 = tpu.memref_slice %arg13[%dma_wait3A, %dma_wait3A_43] : memref<10000x144xf32, #tpu.memory_space<hbm>> -> memref<640x144xf32, #tpu.memory_space<hbm>>
          %dma_wait3A_45 = arith.constant 9360 : i32
          %dma_wait3A_46 = arith.constant 0 : i32
          %dma_wait3A_47 = tpu.memref_slice %arg21[%dma_wait3A_45, %dma_wait3A_46] : memref<10000x144xf32, #tpu.memory_space<vmem_shared>> -> memref<640x144xf32, #tpu.memory_space<vmem_shared>>
          tpu.wait_dma2 semaphore(%run_scoped3A : memref<!tpu.dma_semaphore, #tpu.memory_space<semaphore_mem>>) src(%dma_wait3A_47 : memref<640x144xf32, #tpu.memory_space<vmem_shared>>) dst(%dma_wait3A_44 : memref<640x144xf32, #tpu.memory_space<hbm>>)
          tpu.yield
        }) : () -> ()
      } else {
      }
    } else {
    }
    %eq3A_23 = arith.constant 1 : i32
    %eq3A_24 = arith.cmpi eq, %arg0, %eq3A_23 : i32
    %convert_element_type3A_25 = arith.extui %eq3A_24 : i1 to i32
    %cond3A_26 = arith.constant 0 : i32
    %cond3A_27 = arith.cmpi ne, %convert_element_type3A_25, %cond3A_26 : i32
    scf.if %cond3A_27 {
      %lt3A_28 = arith.constant 15 : i32
      %lt3A_29 = arith.cmpi slt, %arg1, %lt3A_28 : i32
      %convert_element_type3A_30 = arith.extui %lt3A_29 : i1 to i32
      %cond3A_31 = arith.constant 0 : i32
      %cond3A_32 = arith.cmpi ne, %convert_element_type3A_30, %cond3A_31 : i32
      scf.if %cond3A_32 {
        "tpu.region"() ({
          %run_scoped3A = tpu.sem_alloc : memref<!tpu.dma_semaphore, #tpu.memory_space<semaphore_mem>>
          %dma_start3A = arith.constant 0 : i32
          %dma_start3A_38 = tpu.memref_slice %arg14[%mul3A_0, %dma_start3A] : memref<10000x144xf32, #tpu.memory_space<hbm>> -> memref<624x144xf32, #tpu.memory_space<hbm>>
          %dma_start3A_39 = arith.constant 0 : i32
          %dma_start3A_40 = tpu.memref_slice %arg21[%mul3A_0, %dma_start3A_39] : memref<10000x144xf32, #tpu.memory_space<vmem_shared>> -> memref<624x144xf32, #tpu.memory_space<vmem_shared>>
          tpu.enqueue_dma source(%dma_start3A_40 : memref<624x144xf32, #tpu.memory_space<vmem_shared>>) target(%dma_start3A_38 : memref<624x144xf32, #tpu.memory_space<hbm>>) target_semaphore(%run_scoped3A : memref<!tpu.dma_semaphore, #tpu.memory_space<semaphore_mem>>)
          %dma_wait3A = arith.constant 0 : i32
          %dma_wait3A_41 = tpu.memref_slice %arg14[%mul3A_0, %dma_wait3A] : memref<10000x144xf32, #tpu.memory_space<hbm>> -> memref<624x144xf32, #tpu.memory_space<hbm>>
          %dma_wait3A_42 = arith.constant 0 : i32
          %dma_wait3A_43 = tpu.memref_slice %arg21[%mul3A_0, %dma_wait3A_42] : memref<10000x144xf32, #tpu.memory_space<vmem_shared>> -> memref<624x144xf32, #tpu.memory_space<vmem_shared>>
          tpu.wait_dma2 semaphore(%run_scoped3A : memref<!tpu.dma_semaphore, #tpu.memory_space<semaphore_mem>>) src(%dma_wait3A_43 : memref<624x144xf32, #tpu.memory_space<vmem_shared>>) dst(%dma_wait3A_41 : memref<624x144xf32, #tpu.memory_space<hbm>>)
          tpu.yield
        }) : () -> ()
      } else {
      }
      %eq3A_33 = arith.constant 15 : i32
      %eq3A_34 = arith.cmpi eq, %arg1, %eq3A_33 : i32
      %convert_element_type3A_35 = arith.extui %eq3A_34 : i1 to i32
      %cond3A_36 = arith.constant 0 : i32
      %cond3A_37 = arith.cmpi ne, %convert_element_type3A_35, %cond3A_36 : i32
      scf.if %cond3A_37 {
        "tpu.region"() ({
          %run_scoped3A = tpu.sem_alloc : memref<!tpu.dma_semaphore, #tpu.memory_space<semaphore_mem>>
          %dma_start3A = arith.constant 9360 : i32
          %dma_start3A_38 = arith.constant 0 : i32
          %dma_start3A_39 = tpu.memref_slice %arg14[%dma_start3A, %dma_start3A_38] : memref<10000x144xf32, #tpu.memory_space<hbm>> -> memref<640x144xf32, #tpu.memory_space<hbm>>
          %dma_start3A_40 = arith.constant 9360 : i32
          %dma_start3A_41 = arith.constant 0 : i32
          %dma_start3A_42 = tpu.memref_slice %arg21[%dma_start3A_40, %dma_start3A_41] : memref<10000x144xf32, #tpu.memory_space<vmem_shared>> -> memref<640x144xf32, #tpu.memory_space<vmem_shared>>
          tpu.enqueue_dma source(%dma_start3A_42 : memref<640x144xf32, #tpu.memory_space<vmem_shared>>) target(%dma_start3A_39 : memref<640x144xf32, #tpu.memory_space<hbm>>) target_semaphore(%run_scoped3A : memref<!tpu.dma_semaphore, #tpu.memory_space<semaphore_mem>>)
          %dma_wait3A = arith.constant 9360 : i32
          %dma_wait3A_43 = arith.constant 0 : i32
          %dma_wait3A_44 = tpu.memref_slice %arg14[%dma_wait3A, %dma_wait3A_43] : memref<10000x144xf32, #tpu.memory_space<hbm>> -> memref<640x144xf32, #tpu.memory_space<hbm>>
          %dma_wait3A_45 = arith.constant 9360 : i32
          %dma_wait3A_46 = arith.constant 0 : i32
          %dma_wait3A_47 = tpu.memref_slice %arg21[%dma_wait3A_45, %dma_wait3A_46] : memref<10000x144xf32, #tpu.memory_space<vmem_shared>> -> memref<640x144xf32, #tpu.memory_space<vmem_shared>>
          tpu.wait_dma2 semaphore(%run_scoped3A : memref<!tpu.dma_semaphore, #tpu.memory_space<semaphore_mem>>) src(%dma_wait3A_47 : memref<640x144xf32, #tpu.memory_space<vmem_shared>>) dst(%dma_wait3A_44 : memref<640x144xf32, #tpu.memory_space<hbm>>)
          tpu.yield
        }) : () -> ()
      } else {
      }
    } else {
    }
    return
  }
}

module attributes {stable_mosaic.version = 14 : i64} {
  func.func @_transform_body(%arg0: i32, %arg1: memref<2000x144xf32, #tpu.memory_space<vmem>>, %arg2: memref<2000x144xf32, #tpu.memory_space<vmem>>, %arg3: memref<128x128xf32, #tpu.memory_space<vmem>>, %arg4: memref<1x128xf32, #tpu.memory_space<vmem>>, %arg5: memref<128x128xf32, #tpu.memory_space<vmem>>, %arg6: memref<2000x144xf32, #tpu.memory_space<vmem>>) attributes {dimension_semantics = [#tpu.dimension_semantics<arbitrary>], iteration_bounds = array<i64: 5>, scalar_prefetch = 0 : i64, scratch_operands = 0 : i64, tpu.core_type = #tpu.core_type<tc>, window_params = [{transform_indices = @transform_0, window_bounds = array<i64: 2000, 144>}, {transform_indices = @transform_1, window_bounds = array<i64: 2000, 144>}, {pipeline_mode = #tpu.pipeline_mode<synchronous>, transform_indices = @transform_2, window_bounds = array<i64: 128, 128>}, {pipeline_mode = #tpu.pipeline_mode<synchronous>, transform_indices = @transform_3, window_bounds = array<i64: 1, 128>}, {pipeline_mode = #tpu.pipeline_mode<synchronous>, transform_indices = @transform_4, window_bounds = array<i64: 128, 128>}, {transform_indices = @transform_5, window_bounds = array<i64: 2000, 144>}]} {
    %get3A = arith.constant 0 : index
    %get3A_0 = arith.constant 0 : index
    %get3A_1 = vector.load %arg1[%get3A, %get3A_0] : memref<2000x144xf32, #tpu.memory_space<vmem>>, vector<2000x144xf32>
    %slice3A = vector.extract_strided_slice %get3A_1 {offsets = [0, 0], sizes = [2000, 128], strides = [1, 1]} : vector<2000x144xf32> to vector<2000x128xf32>
    %slice3A_2 = vector.extract_strided_slice %get3A_1 {offsets = [0, 128], sizes = [2000, 1], strides = [1, 1]} : vector<2000x144xf32> to vector<2000x1xf32>
    %max3A = arith.constant 1.000000e+00 : f32
    %max3A_3 = vector.broadcast %max3A : f32 to vector<2000x1xf32>
    %max3A_4 = arith.maximumf %slice3A_2, %max3A_3 : vector<2000x1xf32>
    %div3A = vector.broadcast %max3A_4 : vector<2000x1xf32> to vector<2000x128xf32>
    %div3A_5 = arith.divf %slice3A, %div3A : vector<2000x128xf32>
    %get3A_6 = arith.constant 0 : index
    %get3A_7 = arith.constant 0 : index
    %get3A_8 = vector.load %arg2[%get3A_6, %get3A_7] : memref<2000x144xf32, #tpu.memory_space<vmem>>, vector<2000x144xf32>
    %slice3A_9 = vector.extract_strided_slice %get3A_8 {offsets = [0, 0], sizes = [2000, 128], strides = [1, 1]} : vector<2000x144xf32> to vector<2000x128xf32>
    %get3A_10 = arith.constant 0 : index
    %get3A_11 = arith.constant 0 : index
    %get3A_12 = vector.load %arg3[%get3A_10, %get3A_11] : memref<128x128xf32, #tpu.memory_space<vmem>>, vector<128x128xf32>
    %dot_general3A = arith.constant dense<0.000000e+00> : vector<2000x128xf32>
    %dot_general3A_13 = tpu.matmul %div3A_5, %get3A_12, %dot_general3A {dimension_numbers = #tpu.dot_dimension_numbers<[1], [0], [0], [1], [0, 0, 1, 1], [], []>, transpose_lhs_hint = false} : vector<2000x128xf32>, vector<128x128xf32>, vector<2000x128xf32> -> vector<2000x128xf32>
    %get3A_14 = arith.constant 0 : index
    %get3A_15 = arith.constant 0 : index
    %get3A_16 = vector.load %arg4[%get3A_14, %get3A_15] : memref<1x128xf32, #tpu.memory_space<vmem>>, vector<1x128xf32>
    %add3A = vector.broadcast %get3A_16 : vector<1x128xf32> to vector<2000x128xf32>
    %add3A_17 = arith.addf %dot_general3A_13, %add3A : vector<2000x128xf32>
    %get3A_18 = arith.constant 0 : index
    %get3A_19 = arith.constant 0 : index
    %get3A_20 = vector.load %arg5[%get3A_18, %get3A_19] : memref<128x128xf32, #tpu.memory_space<vmem>>, vector<128x128xf32>
    %dot_general3A_21 = arith.constant dense<0.000000e+00> : vector<2000x128xf32>
    %dot_general3A_22 = tpu.matmul %slice3A_9, %get3A_20, %dot_general3A_21 {dimension_numbers = #tpu.dot_dimension_numbers<[1], [0], [0], [1], [0, 0, 1, 1], [], []>, transpose_lhs_hint = false} : vector<2000x128xf32>, vector<128x128xf32>, vector<2000x128xf32> -> vector<2000x128xf32>
    %add3A_23 = arith.addf %add3A_17, %dot_general3A_22 : vector<2000x128xf32>
    %max3A_24 = arith.constant 0.000000e+00 : f32
    %max3A_25 = vector.broadcast %max3A_24 : f32 to vector<2000x128xf32>
    %max3A_26 = arith.maximumf %add3A_23, %max3A_25 : vector<2000x128xf32>
    %broadcast_in_dim3A = arith.constant 1.000000e+00 : f32
    %broadcast_in_dim3A_27 = vector.broadcast %broadcast_in_dim3A : f32 to vector<2000x16xf32>
    %concatenate3A = tpu.concatenate %max3A_26, %broadcast_in_dim3A_27 in 1 : vector<2000x128xf32>, vector<2000x16xf32> -> vector<2000x144xf32>
    %swap3A = arith.constant 0 : index
    %swap3A_28 = arith.constant 0 : index
    %swap3A_29 = vector.load %arg6[%swap3A, %swap3A_28] : memref<2000x144xf32, #tpu.memory_space<vmem>>, vector<2000x144xf32>
    tpu.vector_store %arg6[%swap3A, %swap3A_28], %concatenate3A {strides = array<i32>} : memref<2000x144xf32, #tpu.memory_space<vmem>>, vector<2000x144xf32>,
    return
  }
  func.func @transform_0(%arg0: i32) -> (i32, i32) {
    %c0_i32 = arith.constant 0 : i32
    %c0_i32_0 = arith.constant 0 : i32
    return %arg0, %c0_i32 : i32, i32
  }
  func.func @transform_1(%arg0: i32) -> (i32, i32) {
    %c0_i32 = arith.constant 0 : i32
    %c0_i32_0 = arith.constant 0 : i32
    return %arg0, %c0_i32 : i32, i32
  }
  func.func @transform_2(%arg0: i32) -> (i32, i32) {
    %c0_i32 = arith.constant 0 : i32
    %c0_i32_0 = arith.constant 0 : i32
    %c0_i32_1 = arith.constant 0 : i32
    return %c0_i32, %c0_i32_0 : i32, i32
  }
  func.func @transform_3(%arg0: i32) -> (i32, i32) {
    %c0_i32 = arith.constant 0 : i32
    %c0_i32_0 = arith.constant 0 : i32
    %c0_i32_1 = arith.constant 0 : i32
    return %c0_i32, %c0_i32_0 : i32, i32
  }
  func.func @transform_4(%arg0: i32) -> (i32, i32) {
    %c0_i32 = arith.constant 0 : i32
    %c0_i32_0 = arith.constant 0 : i32
    %c0_i32_1 = arith.constant 0 : i32
    return %c0_i32, %c0_i32_0 : i32, i32
  }
  func.func @transform_5(%arg0: i32) -> (i32, i32) {
    %c0_i32 = arith.constant 0 : i32
    %c0_i32_0 = arith.constant 0 : i32
    return %arg0, %c0_i32 : i32, i32
  }
}

module attributes {stable_mosaic.version = 14 : i64} {
  func.func @_final_body(%arg0: i32, %arg1: memref<2000x144xf32, #tpu.memory_space<vmem>>, %arg2: memref<2000x144xf32, #tpu.memory_space<vmem>>, %arg3: memref<128x128xf32, #tpu.memory_space<vmem>>, %arg4: memref<1x128xf32, #tpu.memory_space<vmem>>, %arg5: memref<128x128xf32, #tpu.memory_space<vmem>>, %arg6: memref<128x64xf32, #tpu.memory_space<vmem>>, %arg7: memref<1x64xf32, #tpu.memory_space<vmem>>, %arg8: memref<64x2xf32, #tpu.memory_space<vmem>>, %arg9: memref<1x2xf32, #tpu.memory_space<vmem>>, %arg10: memref<128x64xf32, #tpu.memory_space<vmem>>, %arg11: memref<1x64xf32, #tpu.memory_space<vmem>>, %arg12: memref<64x1xf32, #tpu.memory_space<vmem>>, %arg13: memref<1x1xf32, #tpu.memory_space<vmem>>, %arg14: memref<2000x128xf32, #tpu.memory_space<vmem>>, %arg15: memref<2000x2xf32, #tpu.memory_space<vmem>>, %arg16: memref<2000x1xf32, #tpu.memory_space<vmem>>) attributes {dimension_semantics = [#tpu.dimension_semantics<arbitrary>], iteration_bounds = array<i64: 5>, scalar_prefetch = 0 : i64, scratch_operands = 0 : i64, tpu.core_type = #tpu.core_type<tc>, window_params = [{transform_indices = @transform_0, window_bounds = array<i64: 2000, 144>}, {transform_indices = @transform_1, window_bounds = array<i64: 2000, 144>}, {pipeline_mode = #tpu.pipeline_mode<synchronous>, transform_indices = @transform_2, window_bounds = array<i64: 128, 128>}, {pipeline_mode = #tpu.pipeline_mode<synchronous>, transform_indices = @transform_3, window_bounds = array<i64: 1, 128>}, {pipeline_mode = #tpu.pipeline_mode<synchronous>, transform_indices = @transform_4, window_bounds = array<i64: 128, 128>}, {pipeline_mode = #tpu.pipeline_mode<synchronous>, transform_indices = @transform_5, window_bounds = array<i64: 128, 64>}, {pipeline_mode = #tpu.pipeline_mode<synchronous>, transform_indices = @transform_6, window_bounds = array<i64: 1, 64>}, {pipeline_mode = #tpu.pipeline_mode<synchronous>, transform_indices = @transform_7, window_bounds = array<i64: 64, 2>}, {pipeline_mode = #tpu.pipeline_mode<synchronous>, transform_indices = @transform_8, window_bounds = array<i64: 1, 2>}, {pipeline_mode = #tpu.pipeline_mode<synchronous>, transform_indices = @transform_9, window_bounds = array<i64: 128, 64>}, {pipeline_mode = #tpu.pipeline_mode<synchronous>, transform_indices = @transform_10, window_bounds = array<i64: 1, 64>}, {pipeline_mode = #tpu.pipeline_mode<synchronous>, transform_indices = @transform_11, window_bounds = array<i64: 64, 1>}, {pipeline_mode = #tpu.pipeline_mode<synchronous>, transform_indices = @transform_12, window_bounds = array<i64: 1, 1>}, {transform_indices = @transform_13, window_bounds = array<i64: 2000, 128>}, {transform_indices = @transform_14, window_bounds = array<i64: 2000, 2>}, {transform_indices = @transform_15, window_bounds = array<i64: 2000, 1>}]} {
    %get3A = arith.constant 0 : index
    %get3A_0 = arith.constant 0 : index
    %get3A_1 = vector.load %arg1[%get3A, %get3A_0] : memref<2000x144xf32, #tpu.memory_space<vmem>>, vector<2000x144xf32>
    %slice3A = vector.extract_strided_slice %get3A_1 {offsets = [0, 0], sizes = [2000, 128], strides = [1, 1]} : vector<2000x144xf32> to vector<2000x128xf32>
    %slice3A_2 = vector.extract_strided_slice %get3A_1 {offsets = [0, 128], sizes = [2000, 1], strides = [1, 1]} : vector<2000x144xf32> to vector<2000x1xf32>
    %max3A = arith.constant 1.000000e+00 : f32
    %max3A_3 = vector.broadcast %max3A : f32 to vector<2000x1xf32>
    %max3A_4 = arith.maximumf %slice3A_2, %max3A_3 : vector<2000x1xf32>
    %div3A = vector.broadcast %max3A_4 : vector<2000x1xf32> to vector<2000x128xf32>
    %div3A_5 = arith.divf %slice3A, %div3A : vector<2000x128xf32>
    %get3A_6 = arith.constant 0 : index
    %get3A_7 = arith.constant 0 : index
    %get3A_8 = vector.load %arg2[%get3A_6, %get3A_7] : memref<2000x144xf32, #tpu.memory_space<vmem>>, vector<2000x144xf32>
    %slice3A_9 = vector.extract_strided_slice %get3A_8 {offsets = [0, 0], sizes = [2000, 128], strides = [1, 1]} : vector<2000x144xf32> to vector<2000x128xf32>
    %get3A_10 = arith.constant 0 : index
    %get3A_11 = arith.constant 0 : index
    %get3A_12 = vector.load %arg3[%get3A_10, %get3A_11] : memref<128x128xf32, #tpu.memory_space<vmem>>, vector<128x128xf32>
    %dot_general3A = arith.constant dense<0.000000e+00> : vector<2000x128xf32>
    %dot_general3A_13 = tpu.matmul %div3A_5, %get3A_12, %dot_general3A {dimension_numbers = #tpu.dot_dimension_numbers<[1], [0], [0], [1], [0, 0, 1, 1], [], []>, transpose_lhs_hint = false} : vector<2000x128xf32>, vector<128x128xf32>, vector<2000x128xf32> -> vector<2000x128xf32>
    %get3A_14 = arith.constant 0 : index
    %get3A_15 = arith.constant 0 : index
    %get3A_16 = vector.load %arg4[%get3A_14, %get3A_15] : memref<1x128xf32, #tpu.memory_space<vmem>>, vector<1x128xf32>
    %add3A = vector.broadcast %get3A_16 : vector<1x128xf32> to vector<2000x128xf32>
    %add3A_17 = arith.addf %dot_general3A_13, %add3A : vector<2000x128xf32>
    %get3A_18 = arith.constant 0 : index
    %get3A_19 = arith.constant 0 : index
    %get3A_20 = vector.load %arg5[%get3A_18, %get3A_19] : memref<128x128xf32, #tpu.memory_space<vmem>>, vector<128x128xf32>
    %dot_general3A_21 = arith.constant dense<0.000000e+00> : vector<2000x128xf32>
    %dot_general3A_22 = tpu.matmul %slice3A_9, %get3A_20, %dot_general3A_21 {dimension_numbers = #tpu.dot_dimension_numbers<[1], [0], [0], [1], [0, 0, 1, 1], [], []>, transpose_lhs_hint = false} : vector<2000x128xf32>, vector<128x128xf32>, vector<2000x128xf32> -> vector<2000x128xf32>
    %add3A_23 = arith.addf %add3A_17, %dot_general3A_22 : vector<2000x128xf32>
    %max3A_24 = arith.constant 0.000000e+00 : f32
    %max3A_25 = vector.broadcast %max3A_24 : f32 to vector<2000x128xf32>
    %max3A_26 = arith.maximumf %add3A_23, %max3A_25 : vector<2000x128xf32>
    %swap3A = arith.constant 0 : index
    %swap3A_27 = arith.constant 0 : index
    %swap3A_28 = vector.load %arg14[%swap3A, %swap3A_27] : memref<2000x128xf32, #tpu.memory_space<vmem>>, vector<2000x128xf32>
    tpu.vector_store %arg14[%swap3A, %swap3A_27], %max3A_26 {strides = array<i32>} : memref<2000x128xf32, #tpu.memory_space<vmem>>, vector<2000x128xf32>,
    %get3A_29 = arith.constant 0 : index
    %get3A_30 = arith.constant 0 : index
    %get3A_31 = vector.load %arg6[%get3A_29, %get3A_30] : memref<128x64xf32, #tpu.memory_space<vmem>>, vector<128x64xf32>
    %dot_general3A_32 = arith.constant dense<0.000000e+00> : vector<2000x64xf32>
    %dot_general3A_33 = tpu.matmul %max3A_26, %get3A_31, %dot_general3A_32 {dimension_numbers = #tpu.dot_dimension_numbers<[1], [0], [0], [1], [0, 0, 1, 1], [], []>, transpose_lhs_hint = false} : vector<2000x128xf32>, vector<128x64xf32>, vector<2000x64xf32> -> vector<2000x64xf32>
    %get3A_34 = arith.constant 0 : index
    %get3A_35 = arith.constant 0 : index
    %get3A_36 = vector.load %arg7[%get3A_34, %get3A_35] : memref<1x64xf32, #tpu.memory_space<vmem>>, vector<1x64xf32>
    %add3A_37 = vector.broadcast %get3A_36 : vector<1x64xf32> to vector<2000x64xf32>
    %add3A_38 = arith.addf %dot_general3A_33, %add3A_37 : vector<2000x64xf32>
    %max3A_39 = arith.constant 0.000000e+00 : f32
    %max3A_40 = vector.broadcast %max3A_39 : f32 to vector<2000x64xf32>
    %max3A_41 = arith.maximumf %add3A_38, %max3A_40 : vector<2000x64xf32>
    %get3A_42 = arith.constant 0 : index
    %get3A_43 = arith.constant 0 : index
    %get3A_44 = vector.load %arg8[%get3A_42, %get3A_43] : memref<64x2xf32, #tpu.memory_space<vmem>>, vector<64x2xf32>
    %dot_general3A_45 = arith.constant dense<0.000000e+00> : vector<2000x2xf32>
    %dot_general3A_46 = tpu.matmul %max3A_41, %get3A_44, %dot_general3A_45 {dimension_numbers = #tpu.dot_dimension_numbers<[1], [0], [0], [1], [0, 0, 1, 1], [], []>, transpose_lhs_hint = false} : vector<2000x64xf32>, vector<64x2xf32>, vector<2000x2xf32> -> vector<2000x2xf32>
    %get3A_47 = arith.constant 0 : index
    %get3A_48 = arith.constant 0 : index
    %get3A_49 = vector.load %arg9[%get3A_47, %get3A_48] : memref<1x2xf32, #tpu.memory_space<vmem>>, vector<1x2xf32>
    %add3A_50 = vector.broadcast %get3A_49 : vector<1x2xf32> to vector<2000x2xf32>
    %add3A_51 = arith.addf %dot_general3A_46, %add3A_50 : vector<2000x2xf32>
    %swap3A_52 = arith.constant 0 : index
    %swap3A_53 = arith.constant 0 : index
    %swap3A_54 = vector.load %arg15[%swap3A_52, %swap3A_53] : memref<2000x2xf32, #tpu.memory_space<vmem>>, vector<2000x2xf32>
    tpu.vector_store %arg15[%swap3A_52, %swap3A_53], %add3A_51 {strides = array<i32>} : memref<2000x2xf32, #tpu.memory_space<vmem>>, vector<2000x2xf32>,
    %get3A_55 = arith.constant 0 : index
    %get3A_56 = arith.constant 0 : index
    %get3A_57 = vector.load %arg10[%get3A_55, %get3A_56] : memref<128x64xf32, #tpu.memory_space<vmem>>, vector<128x64xf32>
    %dot_general3A_58 = arith.constant dense<0.000000e+00> : vector<2000x64xf32>
    %dot_general3A_59 = tpu.matmul %max3A_26, %get3A_57, %dot_general3A_58 {dimension_numbers = #tpu.dot_dimension_numbers<[1], [0], [0], [1], [0, 0, 1, 1], [], []>, transpose_lhs_hint = false} : vector<2000x128xf32>, vector<128x64xf32>, vector<2000x64xf32> -> vector<2000x64xf32>
    %get3A_60 = arith.constant 0 : index
    %get3A_61 = arith.constant 0 : index
    %get3A_62 = vector.load %arg11[%get3A_60, %get3A_61] : memref<1x64xf32, #tpu.memory_space<vmem>>, vector<1x64xf32>
    %add3A_63 = vector.broadcast %get3A_62 : vector<1x64xf32> to vector<2000x64xf32>
    %add3A_64 = arith.addf %dot_general3A_59, %add3A_63 : vector<2000x64xf32>
    %max3A_65 = arith.constant 0.000000e+00 : f32
    %max3A_66 = vector.broadcast %max3A_65 : f32 to vector<2000x64xf32>
    %max3A_67 = arith.maximumf %add3A_64, %max3A_66 : vector<2000x64xf32>
    %get3A_68 = arith.constant 0 : index
    %get3A_69 = arith.constant 0 : index
    %get3A_70 = vector.load %arg12[%get3A_68, %get3A_69] : memref<64x1xf32, #tpu.memory_space<vmem>>, vector<64x1xf32>
    %dot_general3A_71 = arith.constant dense<0.000000e+00> : vector<2000x1xf32>
    %dot_general3A_72 = tpu.matmul %max3A_67, %get3A_70, %dot_general3A_71 {dimension_numbers = #tpu.dot_dimension_numbers<[1], [0], [0], [1], [0, 0, 1, 1], [], []>, transpose_lhs_hint = false} : vector<2000x64xf32>, vector<64x1xf32>, vector<2000x1xf32> -> vector<2000x1xf32>
    %get3A_73 = arith.constant 0 : index
    %get3A_74 = arith.constant 0 : index
    %get3A_75 = vector.load %arg13[%get3A_73, %get3A_74] : memref<1x1xf32, #tpu.memory_space<vmem>>, vector<1x1xf32>
    %add3A_76 = vector.broadcast %get3A_75 : vector<1x1xf32> to vector<2000x1xf32>
    %add3A_77 = arith.addf %dot_general3A_72, %add3A_76 : vector<2000x1xf32>
    %logistic3A = arith.negf %add3A_77 : vector<2000x1xf32>
    %logistic3A_78 = math.exp %logistic3A : vector<2000x1xf32>
    %logistic3A_79 = arith.constant 1.000000e+00 : f32
    %logistic3A_80 = vector.broadcast %logistic3A_79 : f32 to vector<2000x1xf32>
    %logistic3A_81 = arith.addf %logistic3A_80, %logistic3A_78 : vector<2000x1xf32>
    %logistic3A_82 = arith.divf %logistic3A_80, %logistic3A_81 : vector<2000x1xf32>
    %swap3A_83 = arith.constant 0 : index
    %swap3A_84 = arith.constant 0 : index
    %swap3A_85 = vector.load %arg16[%swap3A_83, %swap3A_84] : memref<2000x1xf32, #tpu.memory_space<vmem>>, vector<2000x1xf32>
    tpu.vector_store %arg16[%swap3A_83, %swap3A_84], %logistic3A_82 {strides = array<i32>} : memref<2000x1xf32, #tpu.memory_space<vmem>>, vector<2000x1xf32>,
    return
  }
  func.func @transform_0(%arg0: i32) -> (i32, i32) {
    %c0_i32 = arith.constant 0 : i32
    %c0_i32_0 = arith.constant 0 : i32
    return %arg0, %c0_i32 : i32, i32
  }
  func.func @transform_1(%arg0: i32) -> (i32, i32) {
    %c0_i32 = arith.constant 0 : i32
    %c0_i32_0 = arith.constant 0 : i32
    return %arg0, %c0_i32 : i32, i32
  }
  func.func @transform_2(%arg0: i32) -> (i32, i32) {
    %c0_i32 = arith.constant 0 : i32
    %c0_i32_0 = arith.constant 0 : i32
    %c0_i32_1 = arith.constant 0 : i32
    return %c0_i32, %c0_i32_0 : i32, i32
  }
  func.func @transform_3(%arg0: i32) -> (i32, i32) {
    %c0_i32 = arith.constant 0 : i32
    %c0_i32_0 = arith.constant 0 : i32
    %c0_i32_1 = arith.constant 0 : i32
    return %c0_i32, %c0_i32_0 : i32, i32
  }
  func.func @transform_4(%arg0: i32) -> (i32, i32) {
    %c0_i32 = arith.constant 0 : i32
    %c0_i32_0 = arith.constant 0 : i32
    %c0_i32_1 = arith.constant 0 : i32
    return %c0_i32, %c0_i32_0 : i32, i32
  }
  func.func @transform_5(%arg0: i32) -> (i32, i32) {
    %c0_i32 = arith.constant 0 : i32
    %c0_i32_0 = arith.constant 0 : i32
    %c0_i32_1 = arith.constant 0 : i32
    return %c0_i32, %c0_i32_0 : i32, i32
  }
  func.func @transform_6(%arg0: i32) -> (i32, i32) {
    %c0_i32 = arith.constant 0 : i32
    %c0_i32_0 = arith.constant 0 : i32
    %c0_i32_1 = arith.constant 0 : i32
    return %c0_i32, %c0_i32_0 : i32, i32
  }
  func.func @transform_7(%arg0: i32) -> (i32, i32) {
    %c0_i32 = arith.constant 0 : i32
    %c0_i32_0 = arith.constant 0 : i32
    %c0_i32_1 = arith.constant 0 : i32
    return %c0_i32, %c0_i32_0 : i32, i32
  }
  func.func @transform_8(%arg0: i32) -> (i32, i32) {
    %c0_i32 = arith.constant 0 : i32
    %c0_i32_0 = arith.constant 0 : i32
    %c0_i32_1 = arith.constant 0 : i32
    return %c0_i32, %c0_i32_0 : i32, i32
  }
  func.func @transform_9(%arg0: i32) -> (i32, i32) {
    %c0_i32 = arith.constant 0 : i32
    %c0_i32_0 = arith.constant 0 : i32
    %c0_i32_1 = arith.constant 0 : i32
    return %c0_i32, %c0_i32_0 : i32, i32
  }
  func.func @transform_10(%arg0: i32) -> (i32, i32) {
    %c0_i32 = arith.constant 0 : i32
    %c0_i32_0 = arith.constant 0 : i32
    %c0_i32_1 = arith.constant 0 : i32
    return %c0_i32, %c0_i32_0 : i32, i32
  }
  func.func @transform_11(%arg0: i32) -> (i32, i32) {
    %c0_i32 = arith.constant 0 : i32
    %c0_i32_0 = arith.constant 0 : i32
    %c0_i32_1 = arith.constant 0 : i32
    return %c0_i32, %c0_i32_0 : i32, i32
  }
  func.func @transform_12(%arg0: i32) -> (i32, i32) {
    %c0_i32 = arith.constant 0 : i32
    %c0_i32_0 = arith.constant 0 : i32
    %c0_i32_1 = arith.constant 0 : i32
    return %c0_i32, %c0_i32_0 : i32, i32
  }
  func.func @transform_13(%arg0: i32) -> (i32, i32) {
    %c0_i32 = arith.constant 0 : i32
    %c0_i32_0 = arith.constant 0 : i32
    return %arg0, %c0_i32 : i32, i32
  }
  func.func @transform_14(%arg0: i32) -> (i32, i32) {
    %c0_i32 = arith.constant 0 : i32
    %c0_i32_0 = arith.constant 0 : i32
    return %arg0, %c0_i32 : i32, i32
  }
  func.func @transform_15(%arg0: i32) -> (i32, i32) {
    %c0_i32 = arith.constant 0 : i32
    %c0_i32_0 = arith.constant 0 : i32
    return %arg0, %c0_i32 : i32, i32
  }
}

</mosaic_0001>

<sc_bundles>
// kernel: kernel.11.cloned.1.call-start
scs
__scs_entry_jumppad:
0x0: {  	(pc) =	sbr.rel $0x88, $3  }
0x1: {  	(tag) =	ssettag $0x0;
	lr =	simm.s32 $0x1  }
0x2: {  	[smem:$0x3F85] =	sst lr;
	_ =	strace $0xD0000000  }
0x3: {  	_ = 	snop  }
0x4: {  	_ = 	snop  }
0x5: {  	_ = 	snop  }
0x6: {  	_ = 	snop  }
0x7: {  	_ = 	snop  }
__scs_overlays_trampoline_lowered:
0x8: {  	[smem:$0x3F94] =	sst s0  }
0x9: {  	[smem:$0x3F95] =	sst s1  }
0xa: {  	[smem:$0x3F96] =	sst s2  }
0xb: {  	[smem:$0x3F97] =	sst s3  }
0xc: {  	[smem:$0x3F98] =	sst s4  }
0xd: {  	[smem:$0x3F99] =	sst s5  }
0xe: {  	[smem:$0x3F9A] =	sst s6  }
0xf: {  	[smem:$0x3F9B] =	sst s7  }
0x10: {  	[smem:$0x3F9C] =	sst s8  }
0x11: {  	[smem:$0x3F9D] =	sst s9;
	s0 =	simm.s32 @!p0 $0x0  }
0x12: {  	s1 =	sld [smem:$0x3F83];
	s0 =	simm.s32 @p0 $0x1  }
0x13: {  	[smem:$0x3F9E] =	sst s0;
	s0 =	simm.s32 @!p1 $0x0  }
0x14: {  	s2 =	sld [smem:$0x3F82];
	s0 =	simm.s32 @p1 $0x1  }
0x15: {  	[smem:$0x3F9F] =	sst s0;
	s0 =	simm.s32 @!p2 $0x0  }
0x16: {  	s3 =	sld [smem:$0x3FDB];
	s0 =	simm.s32 @p2 $0x1  }
0x17: {  	s4 =	simm.s32 $0x1BF5;
	[smem:$0x3FA1] =	sst s0  }
0x18: {  	s0 =	sld [smem:$0x3F84];
	_ =	swait.ge [sflag:s4], $0x0  }
0x19: {  	s7 =	sld [smem:$0x3F85]  }
0x1a: {  	s8 =	sadd.s32 $0xFFFFE003, lr  }
0x1b: {  	s9 =	sadd.s32 $0xFFFFFEF7, lr;
	s5 =	simm.s32 $0xFFFFFFFF;
	p2 =	slt.u32 s8, $0xFFFFF086  }
0x1c: {  	p1 =	slt.u32 s9, $0xF7A;
	s5 =	simm.s32 @!p2 $0x0  }
0x1d: {  	s5 =	simm.s32 @p1 $0x1;
	p0 =	seq.s32 s7, s2  }
0x1e: {  	s7 =	smul.u32 @!p0 $0xF7A, s2;
	p2 =	seq.s32 @!p0 s5, $0x0  }
0x1f: {  	s9 =	smul.u32 $0xF7A, s1;
	s8 =	simm.s32 @!p0 $0x1BF5;
	p2 =	por !p2, p0  }
0x20: {  	[sflag:s8] =	ssyncset.s32 @!p0 $0xFFFFF086;
	s6 =	sadd.s32 @!p0 s3, s7;
	s7 =	simm.s32 @!p0 $0x108  }
0x21: {  	s3 =	sadd.s32 s3, s9;
	s6 =	sadd.s32 @!p0 $0x88, s6;
	s7 =	simm.s32 @p2 $0x1082  }
0x22: {  	[simem:s7], [sflag:s8] =	dma.local @!p0 [hbm:s6], $0xF7A  }
0x23: {  	s9 =	sor.u32 $0xD0000000, s2;
	s6 =	simm.s32 $0x108;
	_ =	swait.ge @!p0 [sflag:s8], $0x0  }
0x24: {  	s3 =	sadd.s32 $0x88, s3;
	s6 =	simm.s32 @!p1 $0x1082;
	[sflag:s4] =	ssyncset.s32 $0xFFFFF086  }
0x25: {  	[simem:s6], [sflag:s4] =	dma.local [hbm:s3], $0xF7A  }
0x26: {  	[smem:$0x3F85] =	sst s1;
	(tag) =	ssettag s2;
	_ =	strace s9  }
0x27: {  	s1 =	sld [smem:$0x3F95]  }
0x28: {  	s2 =	sld [smem:$0x3F96]  }
0x29: {  	s4 =	sld [smem:$0x3F98]  }
0x2a: {  	p0 =	seq.s32 s5, $0x0;
	s5 =	sld [smem:$0x3F99]  }
0x2b: {  	s6 =	sld [smem:$0x3F9A]  }
0x2c: {  	s7 =	sld [smem:$0x3F9B]  }
0x2d: {  	s3 =	simm.s32 $0x108;
	s8 =	sld [smem:$0x3F9C]  }
0x2e: {  	s3 =	simm.s32 @!p0 $0x1082;
	s9 =	sld [smem:$0x3F9D]  }
0x2f: {  	lr =	sadd.s32 s0, s3;
	s0 =	sld [smem:$0x3F94]  }
0x30: {  	s3 =	sld [smem:$0x3F97]  }
0x31: {  	[smem:$0x3FA0] =	sst s10  }
0x32: {  	s10 =	sld [smem:$0x3F9E];
	_ =	sdelay $0x3  }
0x33: {  	p0 =	seq.s32 s10, $0x1;
	s10 =	sld [smem:$0x3FA0];
	_ =	sdelay $0x3  }
0x34: {  	[smem:$0x3FA0] =	sst s10  }
0x35: {  	s10 =	sld [smem:$0x3F9F];
	_ =	sdelay $0x3  }
0x36: {  	p1 =	seq.s32 s10, $0x1;
	s10 =	sld [smem:$0x3FA0];
	_ =	sdelay $0x3  }
0x37: {  	[smem:$0x3FA0] =	sst s10  }
0x38: {  	s10 =	sld [smem:$0x3FA1]  }
0x39: {  	_ = 	snop;
	(pc) =	sbr.ind lr, $3  }
0x3a: {  	_ = 	snop  }
0x3b: {  	_ = 	snop  }
0x3c: {  	p2 =	seq.s32 s10, $0x1;
	s10 =	sld [smem:$0x3FA0]  }
0x3d: {  	_ =	shalt  }
0x3e: {  	_ =	shalt  }
0x3f: {  	_ =	shalt  }
0x40: {  	_ =	shalt  }
0x41: {  	_ =	shalt  }
0x42: {  	_ =	shalt  }
0x43: {  	_ =	shalt  }
0x44: {  	_ =	shalt  }
0x45: {  	_ =	shalt  }
0x46: {  	_ =	shalt  }
0x47: {  	_ =	shalt  }
0x48: {  	_ =	shalt  }
0x49: {  	_ =	shalt  }
0x4a: {  	_ =	shalt  }
0x4b: {  	_ =	shalt  }
0x4c: {  	_ =	shalt  }
0x4d: {  	_ =	shalt  }
0x4e: {  	_ =	shalt  }
0x4f: {  	_ =	shalt  }
0x50: {  	_ =	shalt  }
0x51: {  	_ =	shalt  }
0x52: {  	_ =	shalt  }
0x53: {  	_ =	shalt  }
0x54: {  	_ =	shalt  }
0x55: {  	_ =	shalt  }
0x56: {  	_ =	shalt  }
0x57: {  	_ =	shalt  }
0x58: {  	_ =	shalt  }
0x59: {  	_ =	shalt  }
0x5a: {  	_ =	shalt  }
0x5b: {  	_ =	shalt  }
0x5c: {  	_ =	shalt  }
0x5d: {  	_ =	shalt  }
0x5e: {  	_ =	shalt  }
0x5f: {  	_ =	shalt  }
0x60: {  	_ =	shalt  }
0x61: {  	_ =	shalt  }
0x62: {  	_ =	shalt  }
0x63: {  	_ =	shalt  }
0x64: {  	_ =	shalt  }
0x65: {  	_ =	shalt  }
0x66: {  	_ =	shalt  }
0x67: {  	_ =	shalt  }
0x68: {  	_ =	shalt  }
0x69: {  	_ =	shalt  }
0x6a: {  	_ =	shalt  }
0x6b: {  	_ =	shalt  }
0x6c: {  	_ =	shalt  }
0x6d: {  	_ =	shalt  }
0x6e: {  	_ =	shalt  }
0x6f: {  	_ =	shalt  }
0x70: {  	_ =	shalt  }
0x71: {  	_ =	shalt  }
0x72: {  	_ =	shalt  }
0x73: {  	_ =	shalt  }
0x74: {  	_ =	shalt  }
0x75: {  	_ =	shalt  }
0x76: {  	_ =	shalt  }
0x77: {  	_ =	shalt  }
0x78: {  	_ =	shalt  }
0x79: {  	_ =	shalt  }
0x7a: {  	_ =	shalt  }
0x7b: {  	_ =	shalt  }
0x7c: {  	_ =	shalt  }
0x7d: {  	_ =	shalt  }
0x7e: {  	_ =	shalt  }
0x7f: {  	_ =	shalt  }
0x80: {  	_ =	shalt  }
0x81: {  	_ =	shalt  }
0x82: {  	_ =	shalt  }
0x83: {  	_ =	shalt  }
0x84: {  	_ =	shalt  }
0x85: {  	_ =	shalt  }
0x86: {  	_ =	shalt  }
0x87: {  	_ =	shalt  }
.Lfunc_end0:
.L_simem_size_0:
called_computation.1_lowered:
.L_overlay_start_0:
0x88: {  	s2 =	sld [smem:$0x3FD9]  }
0x89: {  	s3 =	sld [smem:$0x3FFE];
	_ =	sdelay $0x1  }
0x8a: {  	s1 =	srdreg.scid  }
0x8b: {  	s0 =	sand.u32 $0x1, s1  }
0x8c: {  	s14 =	sshll.u32 s0, $0xA;
	s2 =	sadd.s32 s3, s2  }
0x8d: {  	s2 =	sadd.s32 s2, s14  }
0x8e: {  	[smem:$0x3FAC] =	sst s2  }
0x8f: {  	_ = 	snop  }
0x90: {  	s2 =	sld [smem:$0x3FD0];
	_ =	sdelay $0x2  }
0x91: {  	s15 =	simm.s32 $0xA;
	s4 =	simm.s32 $0x10  }
0x92: {  	[smem:s4], [sflag:s15] =	dma.local [hbm:s2], $0x1  }
0x93: {  	_ =	swait.eq [sflag:s15], $0x1  }
0x94: {  	s16 =	sld [smem:$0x12]  }
0x95: {  	s17 =	sld [smem:$0x13];
	[sflag:s15] =	ssyncset.done $0x0  }
0x96: {  	s5 =	sld [smem:$0x14];
	[sflag:s15] =	ssyncadd.s32 $0xFFFFFFFF  }
0x97: {  	s18 =	sld [smem:$0x15];
	(tm) =	ssettm $0x1  }
0x98: {  	s6 =	sld [smem:$0x3FFB];
	_ =	sdelay $0x3  }
0x99: {  	_ =	strace s6  }
0x9a: {  	s6 =	sld [smem:$0x3FFC];
	_ =	sdelay $0x3  }
0x9b: {  	_ =	strace s6  }
0x9c: {  	s6 =	sld [smem:$0x3FFD];
	_ =	sdelay $0x3  }
0x9d: {  	_ =	strace s6  }
0x9e: {  	_ =	strace $0x8FFFFFFF  }
0x9f: {  	s19 =	sld [smem:$0x3FDB];
	_ =	sdelay $0x1  }
0xa0: {  	s7 =	simm.s32 $_scs_section_size  }
0xa1: {  	s8 =	simm.s32 $_size__tile_overlayer_lowered;
	s9 =	simm.s32 $_tile_overlayer_lowered  }
0xa2: {  	s22 =	simm.s32 $0x1BFF;
	s21 =	sshll.u32 s9, $0x1;
	s6 =	sadd.s32 s7, s19  }
0xa3: {  	s10 =	simm.s32 $0x0;
	s20 =	sshll.u32 s8, $0x1;
	s8 =	sadd.s32 s21, s6  }
0xa4: {  	[timem:s10], [sflag:s22] =	dma.local [hbm:s8], s20  }
0xa5: {  	_ =	swait.ge [sflag:s22], s20  }
0xa6: {  	s7 =	ssub.s32 $0x0, s20;
	[sflag:s22] =	ssyncset.done $0x0  }
0xa7: {  	[sflag:s22] =	ssyncadd.s32 s7;
	_ =	sdelay $0x1  }
0xa8: {  	s23 =	simm.s32 $0x1B8B  }
0xa9: {  	_ =	swait.ge [sflag:s23], $0x1  }
0xaa: {  	[sflag:s23] =	ssyncset.done $0x0  }
0xab: {  	s25 =	simm.s32 $0x1B8E;
	s24 =	sld [smem:$0x3FFE];
	[sflag:s23] =	ssyncadd.s32 $0xFFFFFFFF  }
0xac: {  	s26 =	simm.s32 $execute0_lowered;
	[smem:$0x3FD2] =	sst s25  }
0xad: {  	s8 =	sshll.u32 s26, $0x1;
	_ =	strace $0x80000049;
	[dreg:$0x1] =	wrdreg $0xFFFFFFFF  }
0xae: {  	s28 =	simm.s32 $_size_execute0_lowered;
	s6 =	sadd.s32 s6, s8;
	[dreg:$0x0] =	wrdreg $0x0  }
0xaf: {  	s8 =	sshll.u32 s28, $0x1;
	[dreg:$0x2] =	wrdreg s6  }
0xb0: {  	[dreg:$0x3] =	wrdreg s8  }
0xb1: {  	[dreg:$0x4] =	wrdreg $0xC0  }
0xb2: {  	_ =	task [dreg:s10], $0x5FFFF  }
0xb3: {  	[dreg:$0x1] =	wrdreg $0xFFFFFFFF  }
0xb4: {  	[dreg:$0x0] =	wrdreg $0x60  }
0xb5: {  	[dreg:$0x2] =	wrdreg s24  }
0xb6: {  	[dreg:$0x3] =	wrdreg s18  }
0xb7: {  	[dreg:$0x4] =	wrdreg s5  }
0xb8: {  	[dreg:$0x5] =	wrdreg s17  }
0xb9: {  	[dreg:$0x6] =	wrdreg s16  }
0xba: {  	[dreg:$0x7] =	wrdreg $0x9C400  }
0xbb: {  	[dreg:$0x8] =	wrdreg $0x9  }
0xbc: {  	_ =	task.clear_ibuf [dreg:s10], $0x9FFFF;
	_ =	strace $0x90000049  }
0xbd: {  	s29 =	simm.s32 $0x9;
	_ =	strace $0x8000004B  }
0xbe: {  	_ =	swait.ge [sflag:s29], $0x1  }
0xbf: {  	[sflag:s29] =	ssyncadd.s32 $0xFFFFFFFF  }
0xc0: {  	_ =	strace $0x9000004B  }
0xc1: {  	_ =	sfence  }
0xc2: {  	s30 =	sld [smem:$0x0];
	_ =	sdelay $0x2  }
0xc3: {  	s31 =	sshll.u32 s1, $0xD;
	s1 =	sshrl.u32 s1, $0x2  }
0xc4: {  	s3 =	sand.u32 $0x4000, s31;
	s1 =	sadd.s32 s1, s30  }
0xc5: {  	s0 =	sor.u32 s3, s0;
	s1 =	sshll.u32 s1, $0x11  }
0xc6: {  	s0 =	sor.u32 s1, s0  }
0xc7: {  	s0 =	sadd.s32 $0x8F2B, s0  }
0xc8: {  	[sflag:s0] =	ssyncadd.remote.s32 $0x1  }
0xc9: {  	_ =	sfence.sel $0xFFFF  }
0xca: {  	[dreg:$0x0] =	wrdreg $0xFFFFFFFF;
	(pc) =	sbr.abs _section_cstart, $3  }
0xcb: {  	[dreg:$0x1] =	wrdreg $0xFFFFFFFF  }
0xcc: {  	_ =	task.clear_ibuf [dreg:s10], $0x2FFFF;
	_ =	strace $0x9FFFFFFF  }
0xcd: {  	(tm) =	ssettm $0x7FFFFFFF  }
tec
execute0_lowered:
.L_overlay_start_1:
0x0: {  	(tag) =	ssettag $0x1  }
0x1: {  	s0 =	rddreg [dreg:$0x0]  }
0x2: {  	s1 =	rddreg [dreg:$0x1]  }
0x3: {  	s6 =	rddreg [dreg:$0x2]  }
0x4: {  	s7 =	rddreg [dreg:$0x3]  }
0x5: {  	s8 =	rddreg [dreg:$0x4]  }
0x6: {  	s2 =	rddreg [dreg:$0x5];
	s3 =	simm.s32 $0x0;
	s16 =	stileid.u32  }
0x7: {  	s5 =	srdreg.scid;
	s28 =	simm.s32 $0x3;
	s30 =	simm.s32 $0x4  }
0x8: {  	s29 =	simm.s32 $0xA00;
	s31 =	simm.s32 $0xA80;
	s9 =	smul.u32 $0x15F00, s16  }
0x9: {  	[smem:$0x7FF] =	sst s3;
	s4 =	sadd.s32 $0x109A00, s0;
	s10 =	smul.u32 $0x9C0, s16  }
0xa: {  	s11 =	sand.u32 $0x1, s5;
	s5 =	sadd.s32 $0x8F800, s0;
	s17 =	sadd.s32 $0x15EC20, s0  }
0xb: {  	s23 =	sadd.s32 $0x1B6C20, s0;
	_ =	strace $0x8000004A;
	[dreg:$0xd] =	wrdreg s17  }
0xc: {  	p0 =	seq.s32 s16, $0xF;
	s13 =	ssub.s32 $0x2, s11;
	[dreg:$0x11] =	wrdreg s23  }
0xd: {  	p1 =	seq.s32 s11, $0x0;
	s23 =	simm.s32 $0x5440;
	s11 =	simm.s32 $0x180  }
0xe: {  	s17 =	simm.s32 $0x980;
	s12 =	sshrl.u32 s9, $0x3;
	s10 =	sadd.s32 s10, s0  }
0xf: {  	s14 =	sshrl.u32 s13, $0x1;
	s9 =	sadd.s32 s9, s2;
	s12 =	sadd.s32 s12, s0  }
0x10: {  	s13 =	ssub.s32 s13, s14;
	[dreg:$0xc] =	wrdreg s9;
	s18 =	sadd.s32 $0x24200, s10  }
0x11: {  	s14 =	sadd.s32 $0x149100, s2;
	s19 =	sadd.s32 $0x1A600, s10;
	[dreg:$0x7] =	wrdreg s18  }
0x12: {  	s20 =	sadd.s32 $0x37A00, s10;
	s21 =	sadd.s32 $0x2DE00, s10;
	[dreg:$0x8] =	wrdreg s19  }
0x13: {  	s0 =	sadd.s32 $0x18AC20, s0;
	s9 =	simm.s32 $0x0;
	[dreg:$0x9] =	wrdreg s20  }
0x14: {  	s15 =	sadd.s32 $0x135A00, s12;
	s22 =	sadd.s32 $0x18DA00, s12;
	[dreg:$0xa] =	wrdreg s21  }
0x15: {  	s25 =	sadd.s32 $0x161A00, s12;
	[dreg:$0x15] =	wrdreg s0;
	s26 =	smax.u32 s13, $0x1  }
0x16: {  	s10 =	sshrl.u32 @p0 s14, $0x3;
	s19 =	simm.s32 $0x5;
	s20 =	simm.s32 $0x600  }
0x17: {  	s21 =	simm.s32 $0x80;
	s12 =	simm.s32 $0x700;
	[dreg:$0xb] =	wrdreg s15  }
0x18: {  	s13 =	simm.s32 $0x780;
	s14 =	simm.s32 $0x200;
	[dreg:$0x10] =	wrdreg s22  }
0x19: {  	s18 =	simm.s32 $0x400;
	s15 =	sshll.u32 s16, $0x2;
	[dreg:$0x14] =	wrdreg s25  }
0x1a: {  	[dreg:$0x16] =	wrdreg s26;
	s22 =	simm.s32 $0xC40;
	s25 =	simm.s32 $0x2  }
0x1b: {  	s16 =	simm.s32 $0x900;
	[dreg:$0x17] =	wrdreg s10;
	s7 =	sadd.s32 s7, s15  }
.Ltmp0:
0x1c: {  	s8 =	sadd.s32 s8, s15;
	[dreg:$0xe] =	wrdreg s7;
	(pc) =	sbr.rel .LBB2_1-.Ltmp0, $4  }
0x1d: {  	s26 =	simm.s32 $0x480;
	s1 =	sadd.s32 s1, s15;
	[dreg:$0xf] =	wrdreg s8  }
0x1e: {  	s24 =	sadd.s32 s6, s15;
	s6 =	simm.s32 $0x800;
	[dreg:$0x12] =	wrdreg s1  }
0x1f: {  	s15 =	simm.s32 $0x380;
	[dreg:$0x13] =	wrdreg s24;
	s24 =	simm.s32 $0x1  }
0x20: {  	s1 =	simm.s32 $0x280;
	s7 =	simm.s32 $0x880;
	s8 =	simm.s32 $0x300  }
.LBB2_7:
0x21: {  	[sflag:s30] =	ssyncadd.s32 $0xFFFFB800;
	s0 =	rddreg [dreg:$0x12];
	s1 =	simm.s32 $0xC00  }
0x22: {  	[tilespmem:s1], [sflag:$0x5] =	stream.linear.gather [hbm4b:s0+s3], $0x20, $0x38;
	[tilespmem:$0x1FBD0] =	vst v63  }
0x23: {  	_ =	swait.ge [sflag:s19], $0x20  }
0x24: {  	[sflag:s19] =	ssyncset.done $0x0  }
0x25: {  	s6 =	simm.s32 $0xC20;
	s29 =	rddreg [dreg:$0x13];
	[sflag:s19] =	ssyncadd.s32 $0xFFFFFFE0  }
0x26: {  	[tilespmem:s6], [sflag:$0x5] =	stream.linear.gather [hbm4b:s29+s3], $0x20, $0x38;
	[tilespmem:$0x1FBD0] =	vst v63  }
0x27: {  	_ =	swait.ge [sflag:s19], $0x20  }
0x28: {  	[sflag:s19] =	ssyncset.done $0x0  }
0x29: {  	s31 =	simm.s32 $0x20;
	[sflag:s19] =	ssyncadd.s32 $0xFFFFFFE0  }
0x2a: {  	[tilespmem:s22], [sflag:$0x1] =	stream.indirect.gather [hbm4b:s4+s31], $0x90, s1, s31, $0xb8;
	[tilespmem:$0x1FBD0] =	vst v63  }
0x2b: {  	_ =	swait.ge [sflag:s24], $0x1200  }
0x2c: {  	[sflag:s24] =	ssyncset.done $0x0  }
0x2d: {  	[sflag:s24] =	ssyncadd.s32 $0xFFFFEE00  }
0x2e: {  	[spmem:s2] =	stream.indirect.scatter.add.f32 [tilespmem:s22], [sflag:$0x5], $0x90, s6, s31, $0xb8;
	[tilespmem:$0x1FBD0] =	vst v63  }
0x2f: {  	_ =	swait.ge [sflag:s19], $0x1200  }
0x30: {  	[sflag:s19] =	ssyncset.done $0x0  }
0x31: {  	[sflag:s19] =	ssyncadd.s32 $0xFFFFEE00  }
0x32: {  	[bflag:$0x0] =	sbarrier.arrive $0xFFFF  }
0x33: {  	s9 =	rddreg [dreg:$0x15]  }
0x34: {  	s0 =	simm.s32 @p0 $0x1FC5;
	s10 =	rddreg [dreg:$0x17]  }
0x35: {  	[hbm:s9], [sflag:s0] =	dma.local @p0 [spmem:s10], $0x2D00  }
0x36: {  	s0 =	simm.s32 @p0 $0x5  }
0x37: {  	_ =	swait.ge @p0 [sflag:s0], $0x2D00  }
0x38: {  	s1 =	rddreg [dreg:$0x19]  }
0x39: {  	[sflag:s0] =	ssyncset.done @p0 $0x0;
	s6 =	rddreg [dreg:$0x1a]  }
0x3a: {  	[sflag:s0] =	ssyncadd.s32 @p0 $0xFFFFD300;
	s0 =	rddreg [dreg:$0x14]  }
0x3b: {  	[hbm:s0], [sflag:s1] =	dma.local @!p0 [spmem:s6], $0x2BE0  }
0x3c: {  	s0 =	simm.s32 @!p0 $0x5  }
0x3d: {  	_ =	swait.ge @!p0 [sflag:s0], $0x2BE0  }
0x3e: {  	[sflag:s0] =	ssyncset.done @!p0 $0x0  }
0x3f: {  	s9 =	rddreg [dreg:$0x18];
	[sflag:s0] =	ssyncadd.s32 @!p0 $0xFFFFD420  }
.LBB2_8:
0x40: {  	s9 =	sadd.s32 $0x1, s9;
	s0 =	rddreg [dreg:$0x16]  }
0x41: {  	s11 =	simm.s32 $0x180;
	p2 =	sne.s32 s9, s0  }
.Ltmp1:
0x42: {  	s12 =	simm.s32 $0x700;
	s13 =	simm.s32 $0x780;
	(pc) =	sbr.rel @!p2 .LBB2_9-.Ltmp1, $4  }
0x43: {  	s14 =	simm.s32 $0x200;
	s1 =	simm.s32 $0x280;
	s6 =	simm.s32 $0x800  }
0x44: {  	s7 =	simm.s32 $0x880;
	s8 =	simm.s32 $0x300;
	s15 =	simm.s32 $0x380  }
0x45: {  	s16 =	simm.s32 $0x900;
	s17 =	simm.s32 $0x980;
	s18 =	simm.s32 $0x400  }
0x46: {  	s26 =	simm.s32 $0x480;
	s29 =	simm.s32 $0xA00;
	s31 =	simm.s32 $0xA80  }
.LBB2_1:
0x47: {  	[dreg:$0x18] =	wrdreg s9  }
0x48: {  	s0 =	simm.s32 @p0 $0x1FC5;
	s9 =	rddreg [dreg:$0xd]  }
0x49: {  	[spmem:s10], [sflag:s0] =	dma.local @p0 [hbm:s9], $0x2D00  }
0x4a: {  	s9 =	simm.s32 @p0 $0x5  }
0x4b: {  	s0 =	stileid.u32;
	_ =	swait.ge @p0 [sflag:s9], $0x2D00  }
0x4c: {  	s0 =	sshll.u32 @!p0 s0, $0x6;
	[sflag:s9] =	ssyncset.done @p0 $0x0  }
0x4d: {  	[sflag:s9] =	ssyncadd.s32 @p0 $0xFFFFD300;
	s9 =	sor.u32 @!p0 $0x1C05, s0;
	s0 =	rddreg [dreg:$0xc]  }
0x4e: {  	s10 =	sshrl.u32 @!p0 s0, $0x3;
	s0 =	rddreg [dreg:$0xb]  }
0x4f: {  	[dreg:$0x19] =	wrdreg s9  }
0x50: {  	[dreg:$0x1a] =	wrdreg s10  }
0x51: {  	[spmem:s10], [sflag:s9] =	dma.local @!p0 [hbm:s0], $0x2BE0  }
0x52: {  	s0 =	simm.s32 @!p0 $0x5  }
.Ltmp2:
0x53: {  	_ =	swait.ge @!p0 [sflag:s0], $0x2BE0;
	(pc) =	sbr.rel @!p1 .LBB2_2-.Ltmp2, $3  }
0x54: {  	[sflag:s0] =	ssyncset.done @!p0 $0x0  }
0x55: {  	[sflag:s0] =	ssyncadd.s32 @!p0 $0xFFFFD420  }
0x56: {  	[bflag:$0x0] =	sbarrier.arrive $0xFFFF;
	_ =	sdelay $0x1  }
0x57: {  	s0 =	rddreg [dreg:$0x9]  }
0x58: {  	s0 =	sadd.s32 $0x0, s0  }
0x59: {  	[tilespmem:s3], [sflag:$0x5] =	stream.linear.gather [hbm4b:s0+s3], $0x600, $0x38;
	[tilespmem:$0x1FBD0] =	vst v63  }
0x5a: {  	_ =	swait.ge [sflag:s19], $0x600  }
0x5b: {  	s26 =	rddreg [dreg:$0xa];
	[sflag:s19] =	ssyncset.done $0x0  }
0x5c: {  	[sflag:s19] =	ssyncadd.s32 $0xFFFFFA00;
	s0 =	sadd.s32 $0x0, s26  }
0x5d: {  	[tilespmem:s20], [sflag:$0x5] =	stream.linear.gather [hbm4b:s0+s3], $0x600, $0x38;
	[tilespmem:$0x1FBD0] =	vst v63  }
0x5e: {  	_ =	swait.ge [sflag:s19], $0x600  }
0x5f: {  	[sflag:s19] =	ssyncset.done $0x0  }
0x60: {  	[sflag:s19] =	ssyncadd.s32 $0xFFFFFA00  }
0x61: {  	[tilespmem:s22], [sflag:$0x1] =	stream.indirect.gather [hbm4b:s4+s21], $0x90, s3, s21, $0xb8;
	[tilespmem:$0x1FBD0] =	vst v63  }
0x62: {  	_ = 	snop  }
0x63: {  	[tilespmem:s23], [sflag:$0x2] =	stream.indirect.gather [hbm4b:s4+s21], $0x90, s21, s21, $0xb8;
	[tilespmem:$0x1FBD0] =	vst v63  }
0x64: {  	_ =	swait.ge [sflag:s24], $0x4800  }
0x65: {  	[sflag:s24] =	ssyncset.done $0x0  }
0x66: {  	[sflag:s24] =	ssyncadd.s32 $0xFFFFB800  }
0x67: {  	[spmem:s2] =	stream.indirect.scatter.add.f32 [tilespmem:s22], [sflag:$0x3], $0x90, s20, s21, $0xb8;
	[tilespmem:$0x1FBD0] =	vst v63  }
0x68: {  	_ =	swait.ge [sflag:s25], $0x4800  }
0x69: {  	[sflag:s25] =	ssyncset.done $0x0  }
0x6a: {  	s1 =	simm.s32 $0x680;
	[sflag:s25] =	ssyncadd.s32 $0xFFFFB800  }
0x6b: {  	[spmem:s2] =	stream.indirect.scatter.add.f32 [tilespmem:s23], [sflag:$0x4], $0x90, s1, s21, $0xb8;
	[tilespmem:$0x1FBD0] =	vst v63  }
0x6c: {  	_ =	swait.ge [sflag:s28], $0x4800  }
0x6d: {  	[sflag:s28] =	ssyncset.done $0x0  }
0x6e: {  	s18 =	simm.s32 $0x100;
	[sflag:s28] =	ssyncadd.s32 $0xFFFFB800  }
0x6f: {  	[tilespmem:s22], [sflag:$0x1] =	stream.indirect.gather [hbm4b:s4+s21], $0x90, s18, s21, $0xb8;
	[tilespmem:$0x1FBD0] =	vst v63  }
0x70: {  	_ =	swait.ge [sflag:s30], $0x4800  }
0x71: {  	[sflag:s30] =	ssyncset.done $0x0  }
0x72: {  	s13 =	simm.s32 $0x180;
	[sflag:s30] =	ssyncadd.s32 $0xFFFFB800  }
0x73: {  	[tilespmem:s23], [sflag:$0x2] =	stream.indirect.gather [hbm4b:s4+s21], $0x90, s13, s21, $0xb8;
	[tilespmem:$0x1FBD0] =	vst v63  }
0x74: {  	_ =	swait.ge [sflag:s24], $0x4800  }
0x75: {  	[sflag:s24] =	ssyncset.done $0x0  }
0x76: {  	s17 =	simm.s32 $0x700;
	[sflag:s24] =	ssyncadd.s32 $0xFFFFB800  }
0x77: {  	[spmem:s2] =	stream.indirect.scatter.add.f32 [tilespmem:s22], [sflag:$0x3], $0x90, s17, s21, $0xb8;
	[tilespmem:$0x1FBD0] =	vst v63  }
0x78: {  	_ =	swait.ge [sflag:s25], $0x4800  }
0x79: {  	[sflag:s25] =	ssyncset.done $0x0  }
0x7a: {  	s8 =	simm.s32 $0x780;
	[sflag:s25] =	ssyncadd.s32 $0xFFFFB800  }
0x7b: {  	[spmem:s2] =	stream.indirect.scatter.add.f32 [tilespmem:s23], [sflag:$0x4], $0x90, s8, s21, $0xb8;
	[tilespmem:$0x1FBD0] =	vst v63  }
0x7c: {  	_ =	swait.ge [sflag:s28], $0x4800  }
0x7d: {  	[sflag:s28] =	ssyncset.done $0x0  }
0x7e: {  	s16 =	simm.s32 $0x200;
	[sflag:s28] =	ssyncadd.s32 $0xFFFFB800  }
0x7f: {  	[tilespmem:s22], [sflag:$0x1] =	stream.indirect.gather [hbm4b:s4+s21], $0x90, s16, s21, $0xb8;
	[tilespmem:$0x1FBD0] =	vst v63  }
0x80: {  	_ =	swait.ge [sflag:s30], $0x4800  }
0x81: {  	[sflag:s30] =	ssyncset.done $0x0  }
0x82: {  	s0 =	simm.s32 $0x280;
	[sflag:s30] =	ssyncadd.s32 $0xFFFFB800  }
0x83: {  	[tilespmem:s23], [sflag:$0x2] =	stream.indirect.gather [hbm4b:s4+s21], $0x90, s0, s21, $0xb8;
	[tilespmem:$0x1FBD0] =	vst v63  }
0x84: {  	_ =	swait.ge [sflag:s24], $0x4800  }
0x85: {  	[sflag:s24] =	ssyncset.done $0x0  }
0x86: {  	s6 =	simm.s32 $0x800;
	[sflag:s24] =	ssyncadd.s32 $0xFFFFB800  }
0x87: {  	[spmem:s2] =	stream.indirect.scatter.add.f32 [tilespmem:s22], [sflag:$0x3], $0x90, s6, s21, $0xb8;
	[tilespmem:$0x1FBD0] =	vst v63  }
0x88: {  	_ =	swait.ge [sflag:s25], $0x4800  }
0x89: {  	[sflag:s25] =	ssyncset.done $0x0  }
0x8a: {  	s7 =	simm.s32 $0x880;
	[sflag:s25] =	ssyncadd.s32 $0xFFFFB800  }
0x8b: {  	[spmem:s2] =	stream.indirect.scatter.add.f32 [tilespmem:s23], [sflag:$0x4], $0x90, s7, s21, $0xb8;
	[tilespmem:$0x1FBD0] =	vst v63  }
0x8c: {  	_ =	swait.ge [sflag:s28], $0x4800  }
0x8d: {  	[sflag:s28] =	ssyncset.done $0x0  }
0x8e: {  	s9 =	simm.s32 $0x300;
	[sflag:s28] =	ssyncadd.s32 $0xFFFFB800  }
0x8f: {  	[tilespmem:s22], [sflag:$0x1] =	stream.indirect.gather [hbm4b:s4+s21], $0x90, s9, s21, $0xb8;
	[tilespmem:$0x1FBD0] =	vst v63  }
0x90: {  	_ =	swait.ge [sflag:s30], $0x4800  }
0x91: {  	[sflag:s30] =	ssyncset.done $0x0  }
0x92: {  	s12 =	simm.s32 $0x380;
	[sflag:s30] =	ssyncadd.s32 $0xFFFFB800  }
0x93: {  	[tilespmem:s23], [sflag:$0x2] =	stream.indirect.gather [hbm4b:s4+s21], $0x90, s12, s21, $0xb8;
	[tilespmem:$0x1FBD0] =	vst v63  }
0x94: {  	_ =	swait.ge [sflag:s24], $0x4800  }
0x95: {  	[sflag:s24] =	ssyncset.done $0x0  }
0x96: {  	s1 =	simm.s32 $0x900;
	[sflag:s24] =	ssyncadd.s32 $0xFFFFB800  }
0x97: {  	[spmem:s2] =	stream.indirect.scatter.add.f32 [tilespmem:s22], [sflag:$0x3], $0x90, s1, s21, $0xb8;
	[tilespmem:$0x1FBD0] =	vst v63  }
0x98: {  	_ =	swait.ge [sflag:s25], $0x4800  }
0x99: {  	[sflag:s25] =	ssyncset.done $0x0  }
0x9a: {  	s14 =	simm.s32 $0x980;
	[sflag:s25] =	ssyncadd.s32 $0xFFFFB800  }
0x9b: {  	[spmem:s2] =	stream.indirect.scatter.add.f32 [tilespmem:s23], [sflag:$0x4], $0x90, s14, s21, $0xb8;
	[tilespmem:$0x1FBD0] =	vst v63  }
0x9c: {  	_ =	swait.ge [sflag:s28], $0x4800  }
0x9d: {  	[sflag:s28] =	ssyncset.done $0x0  }
0x9e: {  	s15 =	simm.s32 $0x400;
	[sflag:s28] =	ssyncadd.s32 $0xFFFFB800  }
0x9f: {  	[tilespmem:s22], [sflag:$0x1] =	stream.indirect.gather [hbm4b:s4+s21], $0x90, s15, s21, $0xb8;
	[tilespmem:$0x1FBD0] =	vst v63  }
0xa0: {  	_ =	swait.ge [sflag:s30], $0x4800  }
0xa1: {  	[sflag:s30] =	ssyncset.done $0x0  }
0xa2: {  	s11 =	simm.s32 $0x480;
	[sflag:s30] =	ssyncadd.s32 $0xFFFFB800  }
0xa3: {  	[tilespmem:s23], [sflag:$0x2] =	stream.indirect.gather [hbm4b:s4+s21], $0x90, s11, s21, $0xb8;
	[tilespmem:$0x1FBD0] =	vst v63  }
0xa4: {  	_ =	swait.ge [sflag:s24], $0x4800  }
0xa5: {  	[sflag:s24] =	ssyncset.done $0x0  }
0xa6: {  	s26 =	simm.s32 $0xA00;
	[sflag:s24] =	ssyncadd.s32 $0xFFFFB800  }
0xa7: {  	[spmem:s2] =	stream.indirect.scatter.add.f32 [tilespmem:s22], [sflag:$0x3], $0x90, s26, s21, $0xb8;
	[tilespmem:$0x1FBD0] =	vst v63  }
0xa8: {  	_ =	swait.ge [sflag:s25], $0x4800  }
0xa9: {  	[sflag:s25] =	ssyncset.done $0x0  }
0xaa: {  	s10 =	simm.s32 $0xA80;
	[sflag:s25] =	ssyncadd.s32 $0xFFFFB800  }
0xab: {  	[spmem:s2] =	stream.indirect.scatter.add.f32 [tilespmem:s23], [sflag:$0x4], $0x90, s10, s21, $0xb8;
	[tilespmem:$0x1FBD0] =	vst v63  }
0xac: {  	_ =	swait.ge [sflag:s28], $0x4800  }
0xad: {  	[sflag:s28] =	ssyncset.done $0x0  }
0xae: {  	s11 =	simm.s32 $0x500;
	[sflag:s28] =	ssyncadd.s32 $0xFFFFB800  }
0xaf: {  	[tilespmem:s22], [sflag:$0x1] =	stream.indirect.gather [hbm4b:s4+s21], $0x90, s11, s21, $0xb8;
	[tilespmem:$0x1FBD0] =	vst v63  }
0xb0: {  	_ =	swait.ge [sflag:s30], $0x4800  }
0xb1: {  	[sflag:s30] =	ssyncset.done $0x0  }
0xb2: {  	s15 =	simm.s32 $0x580;
	[sflag:s30] =	ssyncadd.s32 $0xFFFFB800  }
0xb3: {  	[tilespmem:s23], [sflag:$0x2] =	stream.indirect.gather [hbm4b:s4+s21], $0x90, s15, s21, $0xb8;
	[tilespmem:$0x1FBD0] =	vst v63  }
0xb4: {  	_ =	swait.ge [sflag:s24], $0x4800  }
0xb5: {  	[sflag:s24] =	ssyncset.done $0x0  }
0xb6: {  	s6 =	simm.s32 $0xB00;
	[sflag:s24] =	ssyncadd.s32 $0xFFFFB800  }
0xb7: {  	[spmem:s2] =	stream.indirect.scatter.add.f32 [tilespmem:s22], [sflag:$0x3], $0x90, s6, s21, $0xb8;
	[tilespmem:$0x1FBD0] =	vst v63  }
0xb8: {  	_ =	swait.ge [sflag:s25], $0x4800  }
0xb9: {  	s31 =	simm.s32 $0x880;
	[sflag:s25] =	ssyncset.done $0x0  }
0xba: {  	s29 =	simm.s32 $0xA00;
	s7 =	simm.s32 $0xB80;
	[sflag:s25] =	ssyncadd.s32 $0xFFFFB800  }
0xbb: {  	[spmem:s2] =	stream.indirect.scatter.add.f32 [tilespmem:s23], [sflag:$0x4], $0x90, s7, s21, $0xb8;
	[tilespmem:$0x1FBD0] =	vst v63  }
0xbc: {  	s18 =	simm.s32 $0x900;
	s13 =	simm.s32 $0x300;
	_ =	swait.ge [sflag:s28], $0x4800  }
0xbd: {  	s17 =	simm.s32 $0x800;
	s8 =	simm.s32 $0x280;
	[sflag:s28] =	ssyncset.done $0x0  }
0xbe: {  	s16 =	simm.s32 $0x380;
	s0 =	simm.s32 $0xC0;
	[sflag:s28] =	ssyncadd.s32 $0xFFFFB800  }
0xbf: {  	s12 =	simm.s32 $0x980;
	s1 =	simm.s32 $0x400;
	_ =	swait.ge [sflag:s30], $0x4800  }
0xc0: {  	s14 =	simm.s32 $0x480;
	s26 =	simm.s32 $0xA80;
	[sflag:s30] =	ssyncset.done $0x0  }
.LBB2_6:
0xc1: {  	s9 =	rddreg [dreg:$0x9];
	s10 =	smov.u32 s0  }
0xc2: {  	[sflag:s30] =	ssyncadd.s32 $0xFFFFB800;
	s9 =	sadd.s32 s10, s9  }
0xc3: {  	[tilespmem:s3], [sflag:$0x5] =	stream.linear.gather [hbm4b:s9+s3], $0x600, $0x38;
	[tilespmem:$0x1FBD0] =	vst v63  }
0xc4: {  	_ =	swait.ge [sflag:s19], $0x600  }
0xc5: {  	s9 =	rddreg [dreg:$0xa];
	[sflag:s19] =	ssyncset.done $0x0  }
0xc6: {  	[sflag:s19] =	ssyncadd.s32 $0xFFFFFA00;
	s9 =	sadd.s32 s10, s9  }
0xc7: {  	[tilespmem:s20], [sflag:$0x5] =	stream.linear.gather [hbm4b:s9+s3], $0x600, $0x38;
	[tilespmem:$0x1FBD0] =	vst v63  }
0xc8: {  	_ =	swait.ge [sflag:s19], $0x600  }
0xc9: {  	[sflag:s19] =	ssyncset.done $0x0  }
0xca: {  	[sflag:s19] =	ssyncadd.s32 $0xFFFFFA00  }
0xcb: {  	[tilespmem:s22], [sflag:$0x1] =	stream.indirect.gather [hbm4b:s4+s21], $0x90, s3, s21, $0xb8;
	[tilespmem:$0x1FBD0] =	vst v63  }
0xcc: {  	_ = 	snop  }
0xcd: {  	[tilespmem:s23], [sflag:$0x2] =	stream.indirect.gather [hbm4b:s4+s21], $0x90, s21, s21, $0xb8;
	[tilespmem:$0x1FBD0] =	vst v63  }
0xce: {  	_ =	swait.ge [sflag:s24], $0x4800  }
0xcf: {  	[sflag:s24] =	ssyncset.done $0x0  }
0xd0: {  	[sflag:s24] =	ssyncadd.s32 $0xFFFFB800  }
0xd1: {  	[spmem:s2] =	stream.indirect.scatter.add.f32 [tilespmem:s22], [sflag:$0x3], $0x90, s20, s21, $0xb8;
	[tilespmem:$0x1FBD0] =	vst v63  }
0xd2: {  	_ =	swait.ge [sflag:s25], $0x4800  }
0xd3: {  	[sflag:s25] =	ssyncset.done $0x0  }
0xd4: {  	s10 =	simm.s32 $0x680;
	[sflag:s25] =	ssyncadd.s32 $0xFFFFB800  }
0xd5: {  	[spmem:s2] =	stream.indirect.scatter.add.f32 [tilespmem:s23], [sflag:$0x4], $0x90, s10, s21, $0xb8;
	[tilespmem:$0x1FBD0] =	vst v63  }
0xd6: {  	_ =	swait.ge [sflag:s28], $0x4800  }
0xd7: {  	[sflag:s28] =	ssyncset.done $0x0  }
0xd8: {  	s10 =	simm.s32 $0x100;
	[sflag:s28] =	ssyncadd.s32 $0xFFFFB800  }
0xd9: {  	[tilespmem:s22], [sflag:$0x1] =	stream.indirect.gather [hbm4b:s4+s21], $0x90, s10, s21, $0xb8;
	[tilespmem:$0x1FBD0] =	vst v63  }
0xda: {  	_ =	swait.ge [sflag:s30], $0x4800  }
0xdb: {  	[sflag:s30] =	ssyncset.done $0x0  }
0xdc: {  	s10 =	simm.s32 $0x180;
	[sflag:s30] =	ssyncadd.s32 $0xFFFFB800  }
0xdd: {  	[tilespmem:s23], [sflag:$0x2] =	stream.indirect.gather [hbm4b:s4+s21], $0x90, s10, s21, $0xb8;
	[tilespmem:$0x1FBD0] =	vst v63  }
0xde: {  	_ =	swait.ge [sflag:s24], $0x4800  }
0xdf: {  	[sflag:s24] =	ssyncset.done $0x0  }
0xe0: {  	s10 =	simm.s32 $0x700;
	[sflag:s24] =	ssyncadd.s32 $0xFFFFB800  }
0xe1: {  	[spmem:s2] =	stream.indirect.scatter.add.f32 [tilespmem:s22], [sflag:$0x3], $0x90, s10, s21, $0xb8;
	[tilespmem:$0x1FBD0] =	vst v63  }
0xe2: {  	_ =	swait.ge [sflag:s25], $0x4800  }
0xe3: {  	[sflag:s25] =	ssyncset.done $0x0  }
0xe4: {  	s10 =	simm.s32 $0x780;
	[sflag:s25] =	ssyncadd.s32 $0xFFFFB800  }
0xe5: {  	[spmem:s2] =	stream.indirect.scatter.add.f32 [tilespmem:s23], [sflag:$0x4], $0x90, s10, s21, $0xb8;
	[tilespmem:$0x1FBD0] =	vst v63  }
0xe6: {  	_ =	swait.ge [sflag:s28], $0x4800  }
0xe7: {  	[sflag:s28] =	ssyncset.done $0x0  }
0xe8: {  	s10 =	simm.s32 $0x200;
	[sflag:s28] =	ssyncadd.s32 $0xFFFFB800  }
0xe9: {  	[tilespmem:s22], [sflag:$0x1] =	stream.indirect.gather [hbm4b:s4+s21], $0x90, s10, s21, $0xb8;
	[tilespmem:$0x1FBD0] =	vst v63  }
0xea: {  	_ =	swait.ge [sflag:s30], $0x4800  }
0xeb: {  	[sflag:s30] =	ssyncset.done $0x0  }
0xec: {  	[sflag:s30] =	ssyncadd.s32 $0xFFFFB800  }
0xed: {  	[tilespmem:s23], [sflag:$0x2] =	stream.indirect.gather [hbm4b:s4+s21], $0x90, s8, s21, $0xb8;
	[tilespmem:$0x1FBD0] =	vst v63  }
0xee: {  	_ =	swait.ge [sflag:s24], $0x4800  }
0xef: {  	[sflag:s24] =	ssyncset.done $0x0  }
0xf0: {  	[sflag:s24] =	ssyncadd.s32 $0xFFFFB800  }
0xf1: {  	[spmem:s2] =	stream.indirect.scatter.add.f32 [tilespmem:s22], [sflag:$0x3], $0x90, s17, s21, $0xb8;
	[tilespmem:$0x1FBD0] =	vst v63  }
0xf2: {  	_ =	swait.ge [sflag:s25], $0x4800  }
0xf3: {  	[sflag:s25] =	ssyncset.done $0x0  }
0xf4: {  	[sflag:s25] =	ssyncadd.s32 $0xFFFFB800  }
0xf5: {  	[spmem:s2] =	stream.indirect.scatter.add.f32 [tilespmem:s23], [sflag:$0x4], $0x90, s31, s21, $0xb8;
	[tilespmem:$0x1FBD0] =	vst v63  }
0xf6: {  	_ =	swait.ge [sflag:s28], $0x4800  }
0xf7: {  	[sflag:s28] =	ssyncset.done $0x0  }
0xf8: {  	[sflag:s28] =	ssyncadd.s32 $0xFFFFB800  }
0xf9: {  	[tilespmem:s22], [sflag:$0x1] =	stream.indirect.gather [hbm4b:s4+s21], $0x90, s13, s21, $0xb8;
	[tilespmem:$0x1FBD0] =	vst v63  }
0xfa: {  	_ =	swait.ge [sflag:s30], $0x4800  }
0xfb: {  	[sflag:s30] =	ssyncset.done $0x0  }
0xfc: {  	[sflag:s30] =	ssyncadd.s32 $0xFFFFB800  }
0xfd: {  	[tilespmem:s23], [sflag:$0x2] =	stream.indirect.gather [hbm4b:s4+s21], $0x90, s16, s21, $0xb8;
	[tilespmem:$0x1FBD0] =	vst v63  }
0xfe: {  	_ =	swait.ge [sflag:s24], $0x4800  }
0xff: {  	[sflag:s24] =	ssyncset.done $0x0  }
0x100: {  	[sflag:s24] =	ssyncadd.s32 $0xFFFFB800  }
0x101: {  	[spmem:s2] =	stream.indirect.scatter.add.f32 [tilespmem:s22], [sflag:$0x3], $0x90, s18, s21, $0xb8;
	[tilespmem:$0x1FBD0] =	vst v63  }
0x102: {  	_ =	swait.ge [sflag:s25], $0x4800  }
0x103: {  	[sflag:s25] =	ssyncset.done $0x0  }
0x104: {  	[sflag:s25] =	ssyncadd.s32 $0xFFFFB800  }
0x105: {  	[spmem:s2] =	stream.indirect.scatter.add.f32 [tilespmem:s23], [sflag:$0x4], $0x90, s12, s21, $0xb8;
	[tilespmem:$0x1FBD0] =	vst v63  }
0x106: {  	_ =	swait.ge [sflag:s28], $0x4800  }
0x107: {  	[sflag:s28] =	ssyncset.done $0x0  }
0x108: {  	[sflag:s28] =	ssyncadd.s32 $0xFFFFB800  }
0x109: {  	[tilespmem:s22], [sflag:$0x1] =	stream.indirect.gather [hbm4b:s4+s21], $0x90, s1, s21, $0xb8;
	[tilespmem:$0x1FBD0] =	vst v63  }
0x10a: {  	_ =	swait.ge [sflag:s30], $0x4800  }
0x10b: {  	[sflag:s30] =	ssyncset.done $0x0  }
0x10c: {  	[sflag:s30] =	ssyncadd.s32 $0xFFFFB800  }
0x10d: {  	[tilespmem:s23], [sflag:$0x2] =	stream.indirect.gather [hbm4b:s4+s21], $0x90, s14, s21, $0xb8;
	[tilespmem:$0x1FBD0] =	vst v63  }
0x10e: {  	_ =	swait.ge [sflag:s24], $0x4800  }
0x10f: {  	[sflag:s24] =	ssyncset.done $0x0  }
0x110: {  	[sflag:s24] =	ssyncadd.s32 $0xFFFFB800  }
0x111: {  	[spmem:s2] =	stream.indirect.scatter.add.f32 [tilespmem:s22], [sflag:$0x3], $0x90, s29, s21, $0xb8;
	[tilespmem:$0x1FBD0] =	vst v63  }
0x112: {  	_ =	swait.ge [sflag:s25], $0x4800  }
0x113: {  	[sflag:s25] =	ssyncset.done $0x0  }
0x114: {  	[sflag:s25] =	ssyncadd.s32 $0xFFFFB800  }
0x115: {  	[spmem:s2] =	stream.indirect.scatter.add.f32 [tilespmem:s23], [sflag:$0x4], $0x90, s26, s21, $0xb8;
	[tilespmem:$0x1FBD0] =	vst v63  }
0x116: {  	_ =	swait.ge [sflag:s28], $0x4800  }
0x117: {  	[sflag:s28] =	ssyncset.done $0x0  }
0x118: {  	[sflag:s28] =	ssyncadd.s32 $0xFFFFB800  }
0x119: {  	[tilespmem:s22], [sflag:$0x1] =	stream.indirect.gather [hbm4b:s4+s21], $0x90, s11, s21, $0xb8;
	[tilespmem:$0x1FBD0] =	vst v63  }
0x11a: {  	_ =	swait.ge [sflag:s30], $0x4800  }
0x11b: {  	[sflag:s30] =	ssyncset.done $0x0  }
0x11c: {  	[sflag:s30] =	ssyncadd.s32 $0xFFFFB800  }
0x11d: {  	[tilespmem:s23], [sflag:$0x2] =	stream.indirect.gather [hbm4b:s4+s21], $0x90, s15, s21, $0xb8;
	[tilespmem:$0x1FBD0] =	vst v63  }
0x11e: {  	_ =	swait.ge [sflag:s24], $0x4800  }
0x11f: {  	[sflag:s24] =	ssyncset.done $0x0  }
0x120: {  	[sflag:s24] =	ssyncadd.s32 $0xFFFFB800  }
0x121: {  	[spmem:s2] =	stream.indirect.scatter.add.f32 [tilespmem:s22], [sflag:$0x3], $0x90, s6, s21, $0xb8;
	[tilespmem:$0x1FBD0] =	vst v63  }
0x122: {  	_ =	swait.ge [sflag:s25], $0x4800  }
0x123: {  	[sflag:s25] =	ssyncset.done $0x0  }
0x124: {  	p2 =	sne.s32 s0, $0x900;
	[sflag:s25] =	ssyncadd.s32 $0xFFFFB800  }
0x125: {  	[spmem:s2] =	stream.indirect.scatter.add.f32 [tilespmem:s23], [sflag:$0x4], $0x90, s7, s21, $0xb8;
	[tilespmem:$0x1FBD0] =	vst v63  }
.Ltmp3:
0x126: {  	_ =	swait.ge [sflag:s28], $0x4800;
	(pc) =	sbr.rel @p2 .LBB2_6-.Ltmp3, $4  }
0x127: {  	[sflag:s28] =	ssyncset.done $0x0  }
0x128: {  	[sflag:s28] =	ssyncadd.s32 $0xFFFFB800  }
0x129: {  	_ =	swait.ge [sflag:s30], $0x4800  }
0x12a: {  	s0 =	sadd.s32 $0xC0, s0;
	[sflag:s30] =	ssyncset.done $0x0  }
.Ltmp4:
0x12b: {  	_ = 	snop;
	(pc) =	sbr.rel .LBB2_7-.Ltmp4, $1  }
0x12c: {  	_ =	sdelay $0x3  }
.LBB2_2:
0x12d: {  	s0 =	rddreg [dreg:$0x7]  }
0x12e: {  	s0 =	sadd.s32 $0x0, s0  }
0x12f: {  	[tilespmem:s3], [sflag:$0x5] =	stream.linear.gather [hbm4b:s0+s3], $0x600, $0x38;
	[tilespmem:$0x1FBD0] =	vst v63  }
0x130: {  	_ =	swait.ge [sflag:s19], $0x600  }
0x131: {  	s0 =	rddreg [dreg:$0x8];
	[sflag:s19] =	ssyncset.done $0x0  }
0x132: {  	[sflag:s19] =	ssyncadd.s32 $0xFFFFFA00;
	s0 =	sadd.s32 $0x0, s0  }
0x133: {  	[tilespmem:s20], [sflag:$0x5] =	stream.linear.gather [hbm4b:s0+s3], $0x600, $0x38;
	[tilespmem:$0x1FBD0] =	vst v63  }
0x134: {  	_ =	swait.ge [sflag:s19], $0x600  }
0x135: {  	[sflag:s19] =	ssyncset.done $0x0  }
0x136: {  	[sflag:s19] =	ssyncadd.s32 $0xFFFFFA00  }
0x137: {  	[tilespmem:s22], [sflag:$0x1] =	stream.indirect.gather [hbm4b:s5+s21], $0x90, s3, s21, $0xb8;
	[tilespmem:$0x1FBD0] =	vst v63  }
0x138: {  	_ = 	snop  }
0x139: {  	[tilespmem:s23], [sflag:$0x2] =	stream.indirect.gather [hbm4b:s5+s21], $0x90, s21, s21, $0xb8;
	[tilespmem:$0x1FBD0] =	vst v63  }
0x13a: {  	_ =	swait.ge [sflag:s24], $0x4800  }
0x13b: {  	[sflag:s24] =	ssyncset.done $0x0  }
0x13c: {  	[sflag:s24] =	ssyncadd.s32 $0xFFFFB800  }
0x13d: {  	[spmem:s2] =	stream.indirect.scatter.add.f32 [tilespmem:s22], [sflag:$0x3], $0x90, s20, s21, $0xb8;
	[tilespmem:$0x1FBD0] =	vst v63  }
0x13e: {  	_ =	swait.ge [sflag:s25], $0x4800  }
0x13f: {  	[sflag:s25] =	ssyncset.done $0x0  }
0x140: {  	s9 =	simm.s32 $0x680;
	[sflag:s25] =	ssyncadd.s32 $0xFFFFB800  }
0x141: {  	[spmem:s2] =	stream.indirect.scatter.add.f32 [tilespmem:s23], [sflag:$0x4], $0x90, s9, s21, $0xb8;
	[tilespmem:$0x1FBD0] =	vst v63  }
0x142: {  	_ =	swait.ge [sflag:s28], $0x4800  }
0x143: {  	[sflag:s28] =	ssyncset.done $0x0  }
0x144: {  	s10 =	simm.s32 $0x100;
	[sflag:s28] =	ssyncadd.s32 $0xFFFFB800  }
0x145: {  	[tilespmem:s22], [sflag:$0x1] =	stream.indirect.gather [hbm4b:s5+s21], $0x90, s10, s21, $0xb8;
	[tilespmem:$0x1FBD0] =	vst v63  }
0x146: {  	_ =	swait.ge [sflag:s30], $0x4800  }
0x147: {  	[sflag:s30] =	ssyncset.done $0x0  }
0x148: {  	[sflag:s30] =	ssyncadd.s32 $0xFFFFB800  }
0x149: {  	[tilespmem:s23], [sflag:$0x2] =	stream.indirect.gather [hbm4b:s5+s21], $0x90, s11, s21, $0xb8;
	[tilespmem:$0x1FBD0] =	vst v63  }
0x14a: {  	_ =	swait.ge [sflag:s24], $0x4800  }
0x14b: {  	[sflag:s24] =	ssyncset.done $0x0  }
0x14c: {  	[sflag:s24] =	ssyncadd.s32 $0xFFFFB800  }
0x14d: {  	[spmem:s2] =	stream.indirect.scatter.add.f32 [tilespmem:s22], [sflag:$0x3], $0x90, s12, s21, $0xb8;
	[tilespmem:$0x1FBD0] =	vst v63  }
0x14e: {  	_ =	swait.ge [sflag:s25], $0x4800  }
0x14f: {  	[sflag:s25] =	ssyncset.done $0x0  }
0x150: {  	[sflag:s25] =	ssyncadd.s32 $0xFFFFB800  }
0x151: {  	[spmem:s2] =	stream.indirect.scatter.add.f32 [tilespmem:s23], [sflag:$0x4], $0x90, s13, s21, $0xb8;
	[tilespmem:$0x1FBD0] =	vst v63  }
0x152: {  	_ =	swait.ge [sflag:s28], $0x4800  }
0x153: {  	[sflag:s28] =	ssyncset.done $0x0  }
0x154: {  	[sflag:s28] =	ssyncadd.s32 $0xFFFFB800  }
0x155: {  	[tilespmem:s22], [sflag:$0x1] =	stream.indirect.gather [hbm4b:s5+s21], $0x90, s14, s21, $0xb8;
	[tilespmem:$0x1FBD0] =	vst v63  }
0x156: {  	_ =	swait.ge [sflag:s30], $0x4800  }
0x157: {  	[sflag:s30] =	ssyncset.done $0x0  }
0x158: {  	[sflag:s30] =	ssyncadd.s32 $0xFFFFB800  }
0x159: {  	[tilespmem:s23], [sflag:$0x2] =	stream.indirect.gather [hbm4b:s5+s21], $0x90, s1, s21, $0xb8;
	[tilespmem:$0x1FBD0] =	vst v63  }
0x15a: {  	_ =	swait.ge [sflag:s24], $0x4800  }
0x15b: {  	[sflag:s24] =	ssyncset.done $0x0  }
0x15c: {  	[sflag:s24] =	ssyncadd.s32 $0xFFFFB800  }
0x15d: {  	[spmem:s2] =	stream.indirect.scatter.add.f32 [tilespmem:s22], [sflag:$0x3], $0x90, s6, s21, $0xb8;
	[tilespmem:$0x1FBD0] =	vst v63  }
0x15e: {  	_ =	swait.ge [sflag:s25], $0x4800  }
0x15f: {  	[sflag:s25] =	ssyncset.done $0x0  }
0x160: {  	[sflag:s25] =	ssyncadd.s32 $0xFFFFB800  }
0x161: {  	[spmem:s2] =	stream.indirect.scatter.add.f32 [tilespmem:s23], [sflag:$0x4], $0x90, s7, s21, $0xb8;
	[tilespmem:$0x1FBD0] =	vst v63  }
0x162: {  	_ =	swait.ge [sflag:s28], $0x4800  }
0x163: {  	[sflag:s28] =	ssyncset.done $0x0  }
0x164: {  	[sflag:s28] =	ssyncadd.s32 $0xFFFFB800  }
0x165: {  	[tilespmem:s22], [sflag:$0x1] =	stream.indirect.gather [hbm4b:s5+s21], $0x90, s8, s21, $0xb8;
	[tilespmem:$0x1FBD0] =	vst v63  }
0x166: {  	_ =	swait.ge [sflag:s30], $0x4800  }
0x167: {  	[sflag:s30] =	ssyncset.done $0x0  }
0x168: {  	[sflag:s30] =	ssyncadd.s32 $0xFFFFB800  }
0x169: {  	[tilespmem:s23], [sflag:$0x2] =	stream.indirect.gather [hbm4b:s5+s21], $0x90, s15, s21, $0xb8;
	[tilespmem:$0x1FBD0] =	vst v63  }
0x16a: {  	_ =	swait.ge [sflag:s24], $0x4800  }
0x16b: {  	[sflag:s24] =	ssyncset.done $0x0  }
0x16c: {  	[sflag:s24] =	ssyncadd.s32 $0xFFFFB800  }
0x16d: {  	[spmem:s2] =	stream.indirect.scatter.add.f32 [tilespmem:s22], [sflag:$0x3], $0x90, s16, s21, $0xb8;
	[tilespmem:$0x1FBD0] =	vst v63  }
0x16e: {  	_ =	swait.ge [sflag:s25], $0x4800  }
0x16f: {  	[sflag:s25] =	ssyncset.done $0x0  }
0x170: {  	[sflag:s25] =	ssyncadd.s32 $0xFFFFB800  }
0x171: {  	[spmem:s2] =	stream.indirect.scatter.add.f32 [tilespmem:s23], [sflag:$0x4], $0x90, s17, s21, $0xb8;
	[tilespmem:$0x1FBD0] =	vst v63  }
0x172: {  	_ =	swait.ge [sflag:s28], $0x4800  }
0x173: {  	[sflag:s28] =	ssyncset.done $0x0  }
0x174: {  	[sflag:s28] =	ssyncadd.s32 $0xFFFFB800  }
0x175: {  	[tilespmem:s22], [sflag:$0x1] =	stream.indirect.gather [hbm4b:s5+s21], $0x90, s18, s21, $0xb8;
	[tilespmem:$0x1FBD0] =	vst v63  }
0x176: {  	_ =	swait.ge [sflag:s30], $0x4800  }
0x177: {  	[sflag:s30] =	ssyncset.done $0x0  }
0x178: {  	[sflag:s30] =	ssyncadd.s32 $0xFFFFB800  }
0x179: {  	[tilespmem:s23], [sflag:$0x2] =	stream.indirect.gather [hbm4b:s5+s21], $0x90, s26, s21, $0xb8;
	[tilespmem:$0x1FBD0] =	vst v63  }
0x17a: {  	_ =	swait.ge [sflag:s24], $0x4800  }
0x17b: {  	[sflag:s24] =	ssyncset.done $0x0  }
0x17c: {  	[sflag:s24] =	ssyncadd.s32 $0xFFFFB800  }
0x17d: {  	[spmem:s2] =	stream.indirect.scatter.add.f32 [tilespmem:s22], [sflag:$0x3], $0x90, s29, s21, $0xb8;
	[tilespmem:$0x1FBD0] =	vst v63  }
0x17e: {  	_ =	swait.ge [sflag:s25], $0x4800  }
0x17f: {  	[sflag:s25] =	ssyncset.done $0x0  }
0x180: {  	[sflag:s25] =	ssyncadd.s32 $0xFFFFB800  }
0x181: {  	[spmem:s2] =	stream.indirect.scatter.add.f32 [tilespmem:s23], [sflag:$0x4], $0x90, s31, s21, $0xb8;
	[tilespmem:$0x1FBD0] =	vst v63  }
0x182: {  	_ =	swait.ge [sflag:s28], $0x4800  }
0x183: {  	[sflag:s28] =	ssyncset.done $0x0  }
0x184: {  	s16 =	simm.s32 $0x500;
	[sflag:s28] =	ssyncadd.s32 $0xFFFFB800  }
0x185: {  	[tilespmem:s22], [sflag:$0x1] =	stream.indirect.gather [hbm4b:s5+s21], $0x90, s16, s21, $0xb8;
	[tilespmem:$0x1FBD0] =	vst v63  }
0x186: {  	_ =	swait.ge [sflag:s30], $0x4800  }
0x187: {  	[sflag:s30] =	ssyncset.done $0x0  }
0x188: {  	s17 =	simm.s32 $0x580;
	[sflag:s30] =	ssyncadd.s32 $0xFFFFB800  }
0x189: {  	[tilespmem:s23], [sflag:$0x2] =	stream.indirect.gather [hbm4b:s5+s21], $0x90, s17, s21, $0xb8;
	[tilespmem:$0x1FBD0] =	vst v63  }
0x18a: {  	_ =	swait.ge [sflag:s24], $0x4800  }
0x18b: {  	[sflag:s24] =	ssyncset.done $0x0  }
0x18c: {  	s0 =	simm.s32 $0xC0;
	s18 =	simm.s32 $0xB00;
	[sflag:s24] =	ssyncadd.s32 $0xFFFFB800  }
0x18d: {  	[spmem:s2] =	stream.indirect.scatter.add.f32 [tilespmem:s22], [sflag:$0x3], $0x90, s18, s21, $0xb8;
	[tilespmem:$0x1FBD0] =	vst v63  }
0x18e: {  	s11 =	simm.s32 $0x680;
	s12 =	simm.s32 $0x100;
	_ =	swait.ge [sflag:s25], $0x4800  }
0x18f: {  	s13 =	simm.s32 $0xA80;
	s14 =	simm.s32 $0x700;
	[sflag:s25] =	ssyncset.done $0x0  }
0x190: {  	s1 =	simm.s32 $0xA00;
	s26 =	simm.s32 $0xB80;
	[sflag:s25] =	ssyncadd.s32 $0xFFFFB800  }
0x191: {  	[spmem:s2] =	stream.indirect.scatter.add.f32 [tilespmem:s23], [sflag:$0x4], $0x90, s26, s21, $0xb8;
	[tilespmem:$0x1FBD0] =	vst v63  }
0x192: {  	s6 =	simm.s32 $0x800;
	s7 =	simm.s32 $0x880;
	_ =	swait.ge [sflag:s28], $0x4800  }
0x193: {  	s8 =	simm.s32 $0x300;
	s15 =	simm.s32 $0x780;
	[sflag:s28] =	ssyncset.done $0x0  }
0x194: {  	s29 =	simm.s32 $0x400;
	s31 =	simm.s32 $0x480;
	[sflag:s28] =	ssyncadd.s32 $0xFFFFB800  }
0x195: {  	s16 =	simm.s32 $0x200;
	s17 =	simm.s32 $0x380;
	_ =	swait.ge [sflag:s30], $0x4800  }
0x196: {  	s18 =	simm.s32 $0x900;
	s26 =	simm.s32 $0x980;
	[sflag:s30] =	ssyncset.done $0x0  }
.LBB2_3:
0x197: {  	s9 =	rddreg [dreg:$0x7];
	s10 =	smov.u32 s0  }
0x198: {  	[sflag:s30] =	ssyncadd.s32 $0xFFFFB800;
	s9 =	sadd.s32 s10, s9  }
0x199: {  	[tilespmem:s3], [sflag:$0x5] =	stream.linear.gather [hbm4b:s9+s3], $0x600, $0x38;
	[tilespmem:$0x1FBD0] =	vst v63  }
0x19a: {  	_ =	swait.ge [sflag:s19], $0x600  }
0x19b: {  	s9 =	rddreg [dreg:$0x8];
	[sflag:s19] =	ssyncset.done $0x0  }
0x19c: {  	[sflag:s19] =	ssyncadd.s32 $0xFFFFFA00;
	s9 =	sadd.s32 s10, s9  }
0x19d: {  	[tilespmem:s20], [sflag:$0x5] =	stream.linear.gather [hbm4b:s9+s3], $0x600, $0x38;
	[tilespmem:$0x1FBD0] =	vst v63  }
0x19e: {  	_ =	swait.ge [sflag:s19], $0x600  }
0x19f: {  	[sflag:s19] =	ssyncset.done $0x0  }
0x1a0: {  	[sflag:s19] =	ssyncadd.s32 $0xFFFFFA00  }
0x1a1: {  	[tilespmem:s22], [sflag:$0x1] =	stream.indirect.gather [hbm4b:s5+s21], $0x90, s3, s21, $0xb8;
	[tilespmem:$0x1FBD0] =	vst v63  }
0x1a2: {  	_ = 	snop  }
0x1a3: {  	[tilespmem:s23], [sflag:$0x2] =	stream.indirect.gather [hbm4b:s5+s21], $0x90, s21, s21, $0xb8;
	[tilespmem:$0x1FBD0] =	vst v63  }
0x1a4: {  	_ =	swait.ge [sflag:s24], $0x4800  }
0x1a5: {  	[sflag:s24] =	ssyncset.done $0x0  }
0x1a6: {  	[sflag:s24] =	ssyncadd.s32 $0xFFFFB800  }
0x1a7: {  	[spmem:s2] =	stream.indirect.scatter.add.f32 [tilespmem:s22], [sflag:$0x3], $0x90, s20, s21, $0xb8;
	[tilespmem:$0x1FBD0] =	vst v63  }
0x1a8: {  	_ =	swait.ge [sflag:s25], $0x4800  }
0x1a9: {  	[sflag:s25] =	ssyncset.done $0x0  }
0x1aa: {  	[sflag:s25] =	ssyncadd.s32 $0xFFFFB800  }
0x1ab: {  	[spmem:s2] =	stream.indirect.scatter.add.f32 [tilespmem:s23], [sflag:$0x4], $0x90, s11, s21, $0xb8;
	[tilespmem:$0x1FBD0] =	vst v63  }
0x1ac: {  	_ =	swait.ge [sflag:s28], $0x4800  }
0x1ad: {  	[sflag:s28] =	ssyncset.done $0x0  }
0x1ae: {  	[sflag:s28] =	ssyncadd.s32 $0xFFFFB800  }
0x1af: {  	[tilespmem:s22], [sflag:$0x1] =	stream.indirect.gather [hbm4b:s5+s21], $0x90, s12, s21, $0xb8;
	[tilespmem:$0x1FBD0] =	vst v63  }
0x1b0: {  	_ =	swait.ge [sflag:s30], $0x4800  }
0x1b1: {  	[sflag:s30] =	ssyncset.done $0x0  }
0x1b2: {  	s10 =	simm.s32 $0x180;
	[sflag:s30] =	ssyncadd.s32 $0xFFFFB800  }
0x1b3: {  	[tilespmem:s23], [sflag:$0x2] =	stream.indirect.gather [hbm4b:s5+s21], $0x90, s10, s21, $0xb8;
	[tilespmem:$0x1FBD0] =	vst v63  }
0x1b4: {  	_ =	swait.ge [sflag:s24], $0x4800  }
0x1b5: {  	[sflag:s24] =	ssyncset.done $0x0  }
0x1b6: {  	[sflag:s24] =	ssyncadd.s32 $0xFFFFB800  }
0x1b7: {  	[spmem:s2] =	stream.indirect.scatter.add.f32 [tilespmem:s22], [sflag:$0x3], $0x90, s14, s21, $0xb8;
	[tilespmem:$0x1FBD0] =	vst v63  }
0x1b8: {  	_ =	swait.ge [sflag:s25], $0x4800  }
0x1b9: {  	[sflag:s25] =	ssyncset.done $0x0  }
0x1ba: {  	[sflag:s25] =	ssyncadd.s32 $0xFFFFB800  }
0x1bb: {  	[spmem:s2] =	stream.indirect.scatter.add.f32 [tilespmem:s23], [sflag:$0x4], $0x90, s15, s21, $0xb8;
	[tilespmem:$0x1FBD0] =	vst v63  }
0x1bc: {  	_ =	swait.ge [sflag:s28], $0x4800  }
0x1bd: {  	[sflag:s28] =	ssyncset.done $0x0  }
0x1be: {  	[sflag:s28] =	ssyncadd.s32 $0xFFFFB800  }
0x1bf: {  	[tilespmem:s22], [sflag:$0x1] =	stream.indirect.gather [hbm4b:s5+s21], $0x90, s16, s21, $0xb8;
	[tilespmem:$0x1FBD0] =	vst v63  }
0x1c0: {  	_ =	swait.ge [sflag:s30], $0x4800  }
0x1c1: {  	[sflag:s30] =	ssyncset.done $0x0  }
0x1c2: {  	s10 =	simm.s32 $0x280;
	[sflag:s30] =	ssyncadd.s32 $0xFFFFB800  }
0x1c3: {  	[tilespmem:s23], [sflag:$0x2] =	stream.indirect.gather [hbm4b:s5+s21], $0x90, s10, s21, $0xb8;
	[tilespmem:$0x1FBD0] =	vst v63  }
0x1c4: {  	_ =	swait.ge [sflag:s24], $0x4800  }
0x1c5: {  	[sflag:s24] =	ssyncset.done $0x0  }
0x1c6: {  	[sflag:s24] =	ssyncadd.s32 $0xFFFFB800  }
0x1c7: {  	[spmem:s2] =	stream.indirect.scatter.add.f32 [tilespmem:s22], [sflag:$0x3], $0x90, s6, s21, $0xb8;
	[tilespmem:$0x1FBD0] =	vst v63  }
0x1c8: {  	_ =	swait.ge [sflag:s25], $0x4800  }
0x1c9: {  	[sflag:s25] =	ssyncset.done $0x0  }
0x1ca: {  	[sflag:s25] =	ssyncadd.s32 $0xFFFFB800  }
0x1cb: {  	[spmem:s2] =	stream.indirect.scatter.add.f32 [tilespmem:s23], [sflag:$0x4], $0x90, s7, s21, $0xb8;
	[tilespmem:$0x1FBD0] =	vst v63  }
0x1cc: {  	_ =	swait.ge [sflag:s28], $0x4800  }
0x1cd: {  	[sflag:s28] =	ssyncset.done $0x0  }
0x1ce: {  	[sflag:s28] =	ssyncadd.s32 $0xFFFFB800  }
0x1cf: {  	[tilespmem:s22], [sflag:$0x1] =	stream.indirect.gather [hbm4b:s5+s21], $0x90, s8, s21, $0xb8;
	[tilespmem:$0x1FBD0] =	vst v63  }
0x1d0: {  	_ =	swait.ge [sflag:s30], $0x4800  }
0x1d1: {  	[sflag:s30] =	ssyncset.done $0x0  }
0x1d2: {  	[sflag:s30] =	ssyncadd.s32 $0xFFFFB800  }
0x1d3: {  	[tilespmem:s23], [sflag:$0x2] =	stream.indirect.gather [hbm4b:s5+s21], $0x90, s17, s21, $0xb8;
	[tilespmem:$0x1FBD0] =	vst v63  }
0x1d4: {  	_ =	swait.ge [sflag:s24], $0x4800  }
0x1d5: {  	[sflag:s24] =	ssyncset.done $0x0  }
0x1d6: {  	[sflag:s24] =	ssyncadd.s32 $0xFFFFB800  }
0x1d7: {  	[spmem:s2] =	stream.indirect.scatter.add.f32 [tilespmem:s22], [sflag:$0x3], $0x90, s18, s21, $0xb8;
	[tilespmem:$0x1FBD0] =	vst v63  }
0x1d8: {  	_ =	swait.ge [sflag:s25], $0x4800  }
0x1d9: {  	[sflag:s25] =	ssyncset.done $0x0  }
0x1da: {  	[sflag:s25] =	ssyncadd.s32 $0xFFFFB800  }
0x1db: {  	[spmem:s2] =	stream.indirect.scatter.add.f32 [tilespmem:s23], [sflag:$0x4], $0x90, s26, s21, $0xb8;
	[tilespmem:$0x1FBD0] =	vst v63  }
0x1dc: {  	_ =	swait.ge [sflag:s28], $0x4800  }
0x1dd: {  	[sflag:s28] =	ssyncset.done $0x0  }
0x1de: {  	[sflag:s28] =	ssyncadd.s32 $0xFFFFB800  }
0x1df: {  	[tilespmem:s22], [sflag:$0x1] =	stream.indirect.gather [hbm4b:s5+s21], $0x90, s29, s21, $0xb8;
	[tilespmem:$0x1FBD0] =	vst v63  }
0x1e0: {  	_ =	swait.ge [sflag:s30], $0x4800  }
0x1e1: {  	[sflag:s30] =	ssyncset.done $0x0  }
0x1e2: {  	[sflag:s30] =	ssyncadd.s32 $0xFFFFB800  }
0x1e3: {  	[tilespmem:s23], [sflag:$0x2] =	stream.indirect.gather [hbm4b:s5+s21], $0x90, s31, s21, $0xb8;
	[tilespmem:$0x1FBD0] =	vst v63  }
0x1e4: {  	_ =	swait.ge [sflag:s24], $0x4800  }
0x1e5: {  	[sflag:s24] =	ssyncset.done $0x0  }
0x1e6: {  	[sflag:s24] =	ssyncadd.s32 $0xFFFFB800  }
0x1e7: {  	[spmem:s2] =	stream.indirect.scatter.add.f32 [tilespmem:s22], [sflag:$0x3], $0x90, s1, s21, $0xb8;
	[tilespmem:$0x1FBD0] =	vst v63  }
0x1e8: {  	_ =	swait.ge [sflag:s25], $0x4800  }
0x1e9: {  	[sflag:s25] =	ssyncset.done $0x0  }
0x1ea: {  	[sflag:s25] =	ssyncadd.s32 $0xFFFFB800  }
0x1eb: {  	[spmem:s2] =	stream.indirect.scatter.add.f32 [tilespmem:s23], [sflag:$0x4], $0x90, s13, s21, $0xb8;
	[tilespmem:$0x1FBD0] =	vst v63  }
0x1ec: {  	_ =	swait.ge [sflag:s28], $0x4800  }
0x1ed: {  	[sflag:s28] =	ssyncset.done $0x0  }
0x1ee: {  	s10 =	simm.s32 $0x500;
	[sflag:s28] =	ssyncadd.s32 $0xFFFFB800  }
0x1ef: {  	[tilespmem:s22], [sflag:$0x1] =	stream.indirect.gather [hbm4b:s5+s21], $0x90, s10, s21, $0xb8;
	[tilespmem:$0x1FBD0] =	vst v63  }
0x1f0: {  	_ =	swait.ge [sflag:s30], $0x4800  }
0x1f1: {  	[sflag:s30] =	ssyncset.done $0x0  }
0x1f2: {  	s10 =	simm.s32 $0x580;
	[sflag:s30] =	ssyncadd.s32 $0xFFFFB800  }
0x1f3: {  	[tilespmem:s23], [sflag:$0x2] =	stream.indirect.gather [hbm4b:s5+s21], $0x90, s10, s21, $0xb8;
	[tilespmem:$0x1FBD0] =	vst v63  }
0x1f4: {  	_ =	swait.ge [sflag:s24], $0x4800  }
0x1f5: {  	[sflag:s24] =	ssyncset.done $0x0  }
0x1f6: {  	s10 =	simm.s32 $0xB00;
	[sflag:s24] =	ssyncadd.s32 $0xFFFFB800  }
0x1f7: {  	[spmem:s2] =	stream.indirect.scatter.add.f32 [tilespmem:s22], [sflag:$0x3], $0x90, s10, s21, $0xb8;
	[tilespmem:$0x1FBD0] =	vst v63  }
0x1f8: {  	_ =	swait.ge [sflag:s25], $0x4800  }
0x1f9: {  	[sflag:s25] =	ssyncset.done $0x0  }
0x1fa: {  	p2 =	sne.s32 s0, $0x900;
	s10 =	simm.s32 $0xB80;
	[sflag:s25] =	ssyncadd.s32 $0xFFFFB800  }
0x1fb: {  	[spmem:s2] =	stream.indirect.scatter.add.f32 [tilespmem:s23], [sflag:$0x4], $0x90, s10, s21, $0xb8;
	[tilespmem:$0x1FBD0] =	vst v63  }
.Ltmp5:
0x1fc: {  	_ =	swait.ge [sflag:s28], $0x4800;
	(pc) =	sbr.rel @p2 .LBB2_3-.Ltmp5, $4  }
0x1fd: {  	[sflag:s28] =	ssyncset.done $0x0  }
0x1fe: {  	[sflag:s28] =	ssyncadd.s32 $0xFFFFB800  }
0x1ff: {  	_ =	swait.ge [sflag:s30], $0x4800  }
0x200: {  	s0 =	sadd.s32 $0xC0, s0;
	[sflag:s30] =	ssyncset.done $0x0  }
0x201: {  	[sflag:s30] =	ssyncadd.s32 $0xFFFFB800;
	s0 =	rddreg [dreg:$0xe];
	s1 =	simm.s32 $0xC00  }
0x202: {  	[tilespmem:s1], [sflag:$0x5] =	stream.linear.gather [hbm4b:s0+s3], $0x20, $0x38;
	[tilespmem:$0x1FBD0] =	vst v63  }
0x203: {  	_ =	swait.ge [sflag:s19], $0x20  }
0x204: {  	[sflag:s19] =	ssyncset.done $0x0  }
0x205: {  	s6 =	simm.s32 $0xC20;
	s29 =	rddreg [dreg:$0xf];
	[sflag:s19] =	ssyncadd.s32 $0xFFFFFFE0  }
0x206: {  	[tilespmem:s6], [sflag:$0x5] =	stream.linear.gather [hbm4b:s29+s3], $0x20, $0x38;
	[tilespmem:$0x1FBD0] =	vst v63  }
0x207: {  	_ =	swait.ge [sflag:s19], $0x20  }
0x208: {  	[sflag:s19] =	ssyncset.done $0x0  }
0x209: {  	s31 =	simm.s32 $0x20;
	[sflag:s19] =	ssyncadd.s32 $0xFFFFFFE0  }
0x20a: {  	[tilespmem:s22], [sflag:$0x1] =	stream.indirect.gather [hbm4b:s5+s31], $0x90, s1, s31, $0xb8;
	[tilespmem:$0x1FBD0] =	vst v63  }
0x20b: {  	_ =	swait.ge [sflag:s24], $0x1200  }
0x20c: {  	[sflag:s24] =	ssyncset.done $0x0  }
0x20d: {  	[sflag:s24] =	ssyncadd.s32 $0xFFFFEE00  }
0x20e: {  	[spmem:s2] =	stream.indirect.scatter.add.f32 [tilespmem:s22], [sflag:$0x5], $0x90, s6, s31, $0xb8;
	[tilespmem:$0x1FBD0] =	vst v63  }
0x20f: {  	_ =	swait.ge [sflag:s19], $0x1200  }
0x210: {  	[sflag:s19] =	ssyncset.done $0x0  }
0x211: {  	[sflag:s19] =	ssyncadd.s32 $0xFFFFEE00  }
0x212: {  	[bflag:$0x0] =	sbarrier.arrive $0xFFFF  }
0x213: {  	s9 =	rddreg [dreg:$0x11]  }
0x214: {  	s0 =	simm.s32 @p0 $0x1FC5;
	s10 =	rddreg [dreg:$0x17]  }
0x215: {  	[hbm:s9], [sflag:s0] =	dma.local @p0 [spmem:s10], $0x2D00  }
0x216: {  	s0 =	simm.s32 @p0 $0x5  }
0x217: {  	_ =	swait.ge @p0 [sflag:s0], $0x2D00  }
0x218: {  	s1 =	rddreg [dreg:$0x19]  }
0x219: {  	[sflag:s0] =	ssyncset.done @p0 $0x0;
	s6 =	rddreg [dreg:$0x1a]  }
0x21a: {  	[sflag:s0] =	ssyncadd.s32 @p0 $0xFFFFD300;
	s0 =	rddreg [dreg:$0x10]  }
0x21b: {  	[hbm:s0], [sflag:s1] =	dma.local @!p0 [spmem:s6], $0x2BE0  }
.Ltmp6:
0x21c: {  	_ = 	snop;
	(pc) =	sbr.rel .LBB2_8-.Ltmp6, $4  }
0x21d: {  	s0 =	simm.s32 @!p0 $0x5  }
0x21e: {  	_ =	swait.ge @!p0 [sflag:s0], $0x2BE0  }
0x21f: {  	[sflag:s0] =	ssyncset.done @!p0 $0x0  }
0x220: {  	s9 =	rddreg [dreg:$0x18];
	[sflag:s0] =	ssyncadd.s32 @!p0 $0xFFFFD420  }
.LBB2_9:
0x221: {  	_ =	sfence.sel $0x180000  }
0x222: {  	[bflag:$0x0] =	sbarrier.arrive $0xFFFF  }
0x223: {  	_ =	strace $0x9000004A  }
0x224: {  	s0 =	stileid.u32;
	[bflag:$0x2] =	sbarrier.arrive $0xFFFF  }
0x225: {  	p0 =	sne.s32 s0, $0x0;
	s0 =	rddreg [dreg:$0x6]  }
0x226: {  	s0 =	sadd.s32 @!p0 $0x100000, s0  }
0x227: {  	[sflag:s0] =	ssyncadd.tile.s32 @!p0 $0x1;
	_ =	shalt  }
.Lfunc_end2:
_tile_overlayer_lowered:
.L_overlay_start_2:
0x228: {  	(tag) =	ssettag $0x2  }
0x229: {  	s0 =	rddreg [dreg:$0x0];
	s2 =	stileid.u32  }
0x22a: {  	s1 =	rddreg [dreg:$0x1];
	p0 =	sne.s32 s2, $0x0  }
0x22b: {  	s3 =	rddreg [dreg:$0x2];
	[bflag:$0x3] =	sbarrier.arrive $0xFFFF;
	s2 =	simm.s32 @!p0 $0x1C05  }
0x22c: {  	[timem:s3], [sflag:s2] =	dma.local @!p0 [hbm:s0], s1  }
0x22d: {  	s0 =	simm.s32 @!p0 $0x5  }
0x22e: {  	_ =	swait.ge @!p0 [sflag:s0], s1  }
0x22f: {  	s1 =	ssub.s32 @!p0 $0x0, s1;
	[sflag:s0] =	ssyncset.done @!p0 $0x0  }
0x230: {  	[sflag:s0] =	ssyncadd.s32 @!p0 s1  }
0x231: {  	[bflag:$0x3] =	sbarrier.arrive $0xFFFF  }
0x232: {  	_ =	shalt  }

// kernel: kernel.8.cloned.1.call-start
scs
__scs_entry_jumppad:
0x0: {  	(pc) =	sbr.rel $0x88, $3  }
0x1: {  	(tag) =	ssettag $0x0;
	lr =	simm.s32 $0x1  }
0x2: {  	[smem:$0x3F85] =	sst lr;
	_ =	strace $0xD0000000  }
0x3: {  	_ = 	snop  }
0x4: {  	_ = 	snop  }
0x5: {  	_ = 	snop  }
0x6: {  	_ = 	snop  }
0x7: {  	_ = 	snop  }
__scs_overlays_trampoline_lowered:
0x8: {  	[smem:$0x3F94] =	sst s0  }
0x9: {  	[smem:$0x3F95] =	sst s1  }
0xa: {  	[smem:$0x3F96] =	sst s2  }
0xb: {  	[smem:$0x3F97] =	sst s3  }
0xc: {  	[smem:$0x3F98] =	sst s4  }
0xd: {  	[smem:$0x3F99] =	sst s5  }
0xe: {  	[smem:$0x3F9A] =	sst s6  }
0xf: {  	[smem:$0x3F9B] =	sst s7  }
0x10: {  	[smem:$0x3F9C] =	sst s8  }
0x11: {  	[smem:$0x3F9D] =	sst s9;
	s0 =	simm.s32 @!p0 $0x0  }
0x12: {  	s1 =	sld [smem:$0x3F83];
	s0 =	simm.s32 @p0 $0x1  }
0x13: {  	[smem:$0x3F9E] =	sst s0;
	s0 =	simm.s32 @!p1 $0x0  }
0x14: {  	s2 =	sld [smem:$0x3F82];
	s0 =	simm.s32 @p1 $0x1  }
0x15: {  	[smem:$0x3F9F] =	sst s0;
	s0 =	simm.s32 @!p2 $0x0  }
0x16: {  	s3 =	sld [smem:$0x3FDB];
	s0 =	simm.s32 @p2 $0x1  }
0x17: {  	s4 =	simm.s32 $0x1BF5;
	[smem:$0x3FA1] =	sst s0  }
0x18: {  	s0 =	sld [smem:$0x3F84];
	_ =	swait.ge [sflag:s4], $0x0  }
0x19: {  	s7 =	sld [smem:$0x3F85]  }
0x1a: {  	s8 =	sadd.s32 $0xFFFFE003, lr  }
0x1b: {  	s9 =	sadd.s32 $0xFFFFFEF7, lr;
	s5 =	simm.s32 $0xFFFFFFFF;
	p2 =	slt.u32 s8, $0xFFFFF086  }
0x1c: {  	p1 =	slt.u32 s9, $0xF7A;
	s5 =	simm.s32 @!p2 $0x0  }
0x1d: {  	s5 =	simm.s32 @p1 $0x1;
	p0 =	seq.s32 s7, s2  }
0x1e: {  	s7 =	smul.u32 @!p0 $0xF7A, s2;
	p2 =	seq.s32 @!p0 s5, $0x0  }
0x1f: {  	s9 =	smul.u32 $0xF7A, s1;
	s8 =	simm.s32 @!p0 $0x1BF5;
	p2 =	por !p2, p0  }
0x20: {  	[sflag:s8] =	ssyncset.s32 @!p0 $0xFFFFF086;
	s6 =	sadd.s32 @!p0 s3, s7;
	s7 =	simm.s32 @!p0 $0x108  }
0x21: {  	s3 =	sadd.s32 s3, s9;
	s6 =	sadd.s32 @!p0 $0x88, s6;
	s7 =	simm.s32 @p2 $0x1082  }
0x22: {  	[simem:s7], [sflag:s8] =	dma.local @!p0 [hbm:s6], $0xF7A  }
0x23: {  	s9 =	sor.u32 $0xD0000000, s2;
	s6 =	simm.s32 $0x108;
	_ =	swait.ge @!p0 [sflag:s8], $0x0  }
0x24: {  	s3 =	sadd.s32 $0x88, s3;
	s6 =	simm.s32 @!p1 $0x1082;
	[sflag:s4] =	ssyncset.s32 $0xFFFFF086  }
0x25: {  	[simem:s6], [sflag:s4] =	dma.local [hbm:s3], $0xF7A  }
0x26: {  	[smem:$0x3F85] =	sst s1;
	(tag) =	ssettag s2;
	_ =	strace s9  }
0x27: {  	s1 =	sld [smem:$0x3F95]  }
0x28: {  	s2 =	sld [smem:$0x3F96]  }
0x29: {  	s4 =	sld [smem:$0x3F98]  }
0x2a: {  	p0 =	seq.s32 s5, $0x0;
	s5 =	sld [smem:$0x3F99]  }
0x2b: {  	s6 =	sld [smem:$0x3F9A]  }
0x2c: {  	s7 =	sld [smem:$0x3F9B]  }
0x2d: {  	s3 =	simm.s32 $0x108;
	s8 =	sld [smem:$0x3F9C]  }
0x2e: {  	s3 =	simm.s32 @!p0 $0x1082;
	s9 =	sld [smem:$0x3F9D]  }
0x2f: {  	lr =	sadd.s32 s0, s3;
	s0 =	sld [smem:$0x3F94]  }
0x30: {  	s3 =	sld [smem:$0x3F97]  }
0x31: {  	[smem:$0x3FA0] =	sst s10  }
0x32: {  	s10 =	sld [smem:$0x3F9E];
	_ =	sdelay $0x3  }
0x33: {  	p0 =	seq.s32 s10, $0x1;
	s10 =	sld [smem:$0x3FA0];
	_ =	sdelay $0x3  }
0x34: {  	[smem:$0x3FA0] =	sst s10  }
0x35: {  	s10 =	sld [smem:$0x3F9F];
	_ =	sdelay $0x3  }
0x36: {  	p1 =	seq.s32 s10, $0x1;
	s10 =	sld [smem:$0x3FA0];
	_ =	sdelay $0x3  }
0x37: {  	[smem:$0x3FA0] =	sst s10  }
0x38: {  	s10 =	sld [smem:$0x3FA1]  }
0x39: {  	_ = 	snop;
	(pc) =	sbr.ind lr, $3  }
0x3a: {  	_ = 	snop  }
0x3b: {  	_ = 	snop  }
0x3c: {  	p2 =	seq.s32 s10, $0x1;
	s10 =	sld [smem:$0x3FA0]  }
0x3d: {  	_ =	shalt  }
0x3e: {  	_ =	shalt  }
0x3f: {  	_ =	shalt  }
0x40: {  	_ =	shalt  }
0x41: {  	_ =	shalt  }
0x42: {  	_ =	shalt  }
0x43: {  	_ =	shalt  }
0x44: {  	_ =	shalt  }
0x45: {  	_ =	shalt  }
0x46: {  	_ =	shalt  }
0x47: {  	_ =	shalt  }
0x48: {  	_ =	shalt  }
0x49: {  	_ =	shalt  }
0x4a: {  	_ =	shalt  }
0x4b: {  	_ =	shalt  }
0x4c: {  	_ =	shalt  }
0x4d: {  	_ =	shalt  }
0x4e: {  	_ =	shalt  }
0x4f: {  	_ =	shalt  }
0x50: {  	_ =	shalt  }
0x51: {  	_ =	shalt  }
0x52: {  	_ =	shalt  }
0x53: {  	_ =	shalt  }
0x54: {  	_ =	shalt  }
0x55: {  	_ =	shalt  }
0x56: {  	_ =	shalt  }
0x57: {  	_ =	shalt  }
0x58: {  	_ =	shalt  }
0x59: {  	_ =	shalt  }
0x5a: {  	_ =	shalt  }
0x5b: {  	_ =	shalt  }
0x5c: {  	_ =	shalt  }
0x5d: {  	_ =	shalt  }
0x5e: {  	_ =	shalt  }
0x5f: {  	_ =	shalt  }
0x60: {  	_ =	shalt  }
0x61: {  	_ =	shalt  }
0x62: {  	_ =	shalt  }
0x63: {  	_ =	shalt  }
0x64: {  	_ =	shalt  }
0x65: {  	_ =	shalt  }
0x66: {  	_ =	shalt  }
0x67: {  	_ =	shalt  }
0x68: {  	_ =	shalt  }
0x69: {  	_ =	shalt  }
0x6a: {  	_ =	shalt  }
0x6b: {  	_ =	shalt  }
0x6c: {  	_ =	shalt  }
0x6d: {  	_ =	shalt  }
0x6e: {  	_ =	shalt  }
0x6f: {  	_ =	shalt  }
0x70: {  	_ =	shalt  }
0x71: {  	_ =	shalt  }
0x72: {  	_ =	shalt  }
0x73: {  	_ =	shalt  }
0x74: {  	_ =	shalt  }
0x75: {  	_ =	shalt  }
0x76: {  	_ =	shalt  }
0x77: {  	_ =	shalt  }
0x78: {  	_ =	shalt  }
0x79: {  	_ =	shalt  }
0x7a: {  	_ =	shalt  }
0x7b: {  	_ =	shalt  }
0x7c: {  	_ =	shalt  }
0x7d: {  	_ =	shalt  }
0x7e: {  	_ =	shalt  }
0x7f: {  	_ =	shalt  }
0x80: {  	_ =	shalt  }
0x81: {  	_ =	shalt  }
0x82: {  	_ =	shalt  }
0x83: {  	_ =	shalt  }
0x84: {  	_ =	shalt  }
0x85: {  	_ =	shalt  }
0x86: {  	_ =	shalt  }
0x87: {  	_ =	shalt  }
.Lfunc_end0:
.L_simem_size_0:
called_computation_lowered:
.L_overlay_start_0:
0x88: {  	s2 =	sld [smem:$0x3FD9]  }
0x89: {  	s3 =	sld [smem:$0x3FFE];
	_ =	sdelay $0x1  }
0x8a: {  	s1 =	srdreg.scid  }
0x8b: {  	s0 =	sand.u32 $0x1, s1  }
0x8c: {  	s14 =	sshll.u32 s0, $0xA;
	s2 =	sadd.s32 s3, s2  }
0x8d: {  	s2 =	sadd.s32 s2, s14  }
0x8e: {  	[smem:$0x3FAC] =	sst s2  }
0x8f: {  	_ = 	snop  }
0x90: {  	s2 =	sld [smem:$0x3FD0];
	_ =	sdelay $0x2  }
0x91: {  	s15 =	simm.s32 $0xA;
	s4 =	simm.s32 $0x10  }
0x92: {  	[smem:s4], [sflag:s15] =	dma.local [hbm:s2], $0x1  }
0x93: {  	_ =	swait.eq [sflag:s15], $0x1  }
0x94: {  	s16 =	sld [smem:$0x12]  }
0x95: {  	s17 =	sld [smem:$0x13];
	[sflag:s15] =	ssyncset.done $0x0  }
0x96: {  	s5 =	sld [smem:$0x14];
	[sflag:s15] =	ssyncadd.s32 $0xFFFFFFFF  }
0x97: {  	s18 =	sld [smem:$0x15];
	(tm) =	ssettm $0x1  }
0x98: {  	s6 =	sld [smem:$0x3FFB];
	_ =	sdelay $0x3  }
0x99: {  	_ =	strace s6  }
0x9a: {  	s6 =	sld [smem:$0x3FFC];
	_ =	sdelay $0x3  }
0x9b: {  	_ =	strace s6  }
0x9c: {  	s6 =	sld [smem:$0x3FFD];
	_ =	sdelay $0x3  }
0x9d: {  	_ =	strace s6  }
0x9e: {  	_ =	strace $0x8FFFFFFF  }
0x9f: {  	s19 =	sld [smem:$0x3FDB];
	_ =	sdelay $0x1  }
0xa0: {  	s7 =	simm.s32 $_scs_section_size  }
0xa1: {  	s8 =	simm.s32 $_size__tile_overlayer_lowered;
	s9 =	simm.s32 $_tile_overlayer_lowered  }
0xa2: {  	s22 =	simm.s32 $0x1BFF;
	s21 =	sshll.u32 s9, $0x1;
	s6 =	sadd.s32 s7, s19  }
0xa3: {  	s10 =	simm.s32 $0x0;
	s20 =	sshll.u32 s8, $0x1;
	s8 =	sadd.s32 s21, s6  }
0xa4: {  	[timem:s10], [sflag:s22] =	dma.local [hbm:s8], s20  }
0xa5: {  	_ =	swait.ge [sflag:s22], s20  }
0xa6: {  	s7 =	ssub.s32 $0x0, s20;
	[sflag:s22] =	ssyncset.done $0x0  }
0xa7: {  	[sflag:s22] =	ssyncadd.s32 s7;
	_ =	sdelay $0x1  }
0xa8: {  	s23 =	simm.s32 $0x1B8B  }
0xa9: {  	_ =	swait.ge [sflag:s23], $0x1  }
0xaa: {  	[sflag:s23] =	ssyncset.done $0x0  }
0xab: {  	s25 =	simm.s32 $0x1B8E;
	s24 =	sld [smem:$0x3FFE];
	[sflag:s23] =	ssyncadd.s32 $0xFFFFFFFF  }
0xac: {  	s26 =	simm.s32 $execute0_lowered;
	[smem:$0x3FD2] =	sst s25  }
0xad: {  	s8 =	sshll.u32 s26, $0x1;
	_ =	strace $0x80000046;
	[dreg:$0x1] =	wrdreg $0xFFFFFFFF  }
0xae: {  	s28 =	simm.s32 $_size_execute0_lowered;
	s6 =	sadd.s32 s6, s8;
	[dreg:$0x0] =	wrdreg $0x0  }
0xaf: {  	s8 =	sshll.u32 s28, $0x1;
	[dreg:$0x2] =	wrdreg s6  }
0xb0: {  	[dreg:$0x3] =	wrdreg s8  }
0xb1: {  	[dreg:$0x4] =	wrdreg $0xC0  }
0xb2: {  	_ =	task [dreg:s10], $0x5FFFF  }
0xb3: {  	[dreg:$0x1] =	wrdreg $0xFFFFFFFF  }
0xb4: {  	[dreg:$0x0] =	wrdreg $0x60  }
0xb5: {  	[dreg:$0x2] =	wrdreg s24  }
0xb6: {  	[dreg:$0x3] =	wrdreg s18  }
0xb7: {  	[dreg:$0x4] =	wrdreg s5  }
0xb8: {  	[dreg:$0x5] =	wrdreg s17  }
0xb9: {  	[dreg:$0x6] =	wrdreg s16  }
0xba: {  	[dreg:$0x7] =	wrdreg $0x9C400  }
0xbb: {  	[dreg:$0x8] =	wrdreg $0x9  }
0xbc: {  	_ =	task.clear_ibuf [dreg:s10], $0x9FFFF;
	_ =	strace $0x90000046  }
0xbd: {  	s29 =	simm.s32 $0x9;
	_ =	strace $0x80000048  }
0xbe: {  	_ =	swait.ge [sflag:s29], $0x1  }
0xbf: {  	[sflag:s29] =	ssyncadd.s32 $0xFFFFFFFF  }
0xc0: {  	_ =	strace $0x90000048  }
0xc1: {  	_ =	sfence  }
0xc2: {  	s30 =	sld [smem:$0x0];
	_ =	sdelay $0x2  }
0xc3: {  	s31 =	sshll.u32 s1, $0xD;
	s1 =	sshrl.u32 s1, $0x2  }
0xc4: {  	s3 =	sand.u32 $0x4000, s31;
	s1 =	sadd.s32 s1, s30  }
0xc5: {  	s0 =	sor.u32 s3, s0;
	s1 =	sshll.u32 s1, $0x11  }
0xc6: {  	s0 =	sor.u32 s1, s0  }
0xc7: {  	s0 =	sadd.s32 $0x8F2B, s0  }
0xc8: {  	[sflag:s0] =	ssyncadd.remote.s32 $0x1  }
0xc9: {  	_ =	sfence.sel $0xFFFF  }
0xca: {  	[dreg:$0x0] =	wrdreg $0xFFFFFFFF;
	(pc) =	sbr.abs _section_cstart, $3  }
0xcb: {  	[dreg:$0x1] =	wrdreg $0xFFFFFFFF  }
0xcc: {  	_ =	task.clear_ibuf [dreg:s10], $0x2FFFF;
	_ =	strace $0x9FFFFFFF  }
0xcd: {  	(tm) =	ssettm $0x7FFFFFFF  }
tec
execute0_lowered:
.L_overlay_start_1:
0x0: {  	(tag) =	ssettag $0x1  }
0x1: {  	s0 =	rddreg [dreg:$0x0]  }
0x2: {  	s1 =	rddreg [dreg:$0x1]  }
0x3: {  	s6 =	rddreg [dreg:$0x2]  }
0x4: {  	s7 =	rddreg [dreg:$0x3]  }
0x5: {  	s8 =	rddreg [dreg:$0x4]  }
0x6: {  	s2 =	rddreg [dreg:$0x5];
	s3 =	simm.s32 $0x0;
	s16 =	stileid.u32  }
0x7: {  	s5 =	srdreg.scid;
	s28 =	simm.s32 $0x3;
	s30 =	simm.s32 $0x4  }
0x8: {  	s29 =	simm.s32 $0xA00;
	s31 =	simm.s32 $0xA80;
	s9 =	smul.u32 $0x15F00, s16  }
0x9: {  	[smem:$0x7FF] =	sst s3;
	s4 =	sadd.s32 $0x109A00, s0;
	s10 =	smul.u32 $0x9C0, s16  }
0xa: {  	s11 =	sand.u32 $0x1, s5;
	s5 =	sadd.s32 $0x8F800, s0;
	s17 =	sadd.s32 $0x15EC20, s0  }
0xb: {  	s23 =	sadd.s32 $0x1B6C20, s0;
	_ =	strace $0x80000047;
	[dreg:$0xd] =	wrdreg s17  }
0xc: {  	p0 =	seq.s32 s16, $0xF;
	s13 =	ssub.s32 $0x2, s11;
	[dreg:$0x11] =	wrdreg s23  }
0xd: {  	p1 =	seq.s32 s11, $0x0;
	s23 =	simm.s32 $0x5440;
	s11 =	simm.s32 $0x180  }
0xe: {  	s17 =	simm.s32 $0x980;
	s12 =	sshrl.u32 s9, $0x3;
	s10 =	sadd.s32 s10, s0  }
0xf: {  	s14 =	sshrl.u32 s13, $0x1;
	s9 =	sadd.s32 s9, s2;
	s12 =	sadd.s32 s12, s0  }
0x10: {  	s13 =	ssub.s32 s13, s14;
	[dreg:$0xc] =	wrdreg s9;
	s18 =	sadd.s32 $0x24200, s10  }
0x11: {  	s14 =	sadd.s32 $0x149100, s2;
	s19 =	sadd.s32 $0x1A600, s10;
	[dreg:$0x7] =	wrdreg s18  }
0x12: {  	s20 =	sadd.s32 $0x37A00, s10;
	s21 =	sadd.s32 $0x2DE00, s10;
	[dreg:$0x8] =	wrdreg s19  }
0x13: {  	s0 =	sadd.s32 $0x18AC20, s0;
	s9 =	simm.s32 $0x0;
	[dreg:$0x9] =	wrdreg s20  }
0x14: {  	s15 =	sadd.s32 $0x135A00, s12;
	s22 =	sadd.s32 $0x18DA00, s12;
	[dreg:$0xa] =	wrdreg s21  }
0x15: {  	s25 =	sadd.s32 $0x161A00, s12;
	[dreg:$0x15] =	wrdreg s0;
	s26 =	smax.u32 s13, $0x1  }
0x16: {  	s10 =	sshrl.u32 @p0 s14, $0x3;
	s19 =	simm.s32 $0x5;
	s20 =	simm.s32 $0x600  }
0x17: {  	s21 =	simm.s32 $0x80;
	s12 =	simm.s32 $0x700;
	[dreg:$0xb] =	wrdreg s15  }
0x18: {  	s13 =	simm.s32 $0x780;
	s14 =	simm.s32 $0x200;
	[dreg:$0x10] =	wrdreg s22  }
0x19: {  	s18 =	simm.s32 $0x400;
	s15 =	sshll.u32 s16, $0x2;
	[dreg:$0x14] =	wrdreg s25  }
0x1a: {  	[dreg:$0x16] =	wrdreg s26;
	s22 =	simm.s32 $0xC40;
	s25 =	simm.s32 $0x2  }
0x1b: {  	s16 =	simm.s32 $0x900;
	[dreg:$0x17] =	wrdreg s10;
	s7 =	sadd.s32 s7, s15  }
.Ltmp0:
0x1c: {  	s8 =	sadd.s32 s8, s15;
	[dreg:$0xe] =	wrdreg s7;
	(pc) =	sbr.rel .LBB2_1-.Ltmp0, $4  }
0x1d: {  	s26 =	simm.s32 $0x480;
	s1 =	sadd.s32 s1, s15;
	[dreg:$0xf] =	wrdreg s8  }
0x1e: {  	s24 =	sadd.s32 s6, s15;
	s6 =	simm.s32 $0x800;
	[dreg:$0x12] =	wrdreg s1  }
0x1f: {  	s15 =	simm.s32 $0x380;
	[dreg:$0x13] =	wrdreg s24;
	s24 =	simm.s32 $0x1  }
0x20: {  	s1 =	simm.s32 $0x280;
	s7 =	simm.s32 $0x880;
	s8 =	simm.s32 $0x300  }
.LBB2_7:
0x21: {  	[sflag:s30] =	ssyncadd.s32 $0xFFFFB800;
	s0 =	rddreg [dreg:$0x12];
	s1 =	simm.s32 $0xC00  }
0x22: {  	[tilespmem:s1], [sflag:$0x5] =	stream.linear.gather [hbm4b:s0+s3], $0x20, $0x38;
	[tilespmem:$0x1FBD0] =	vst v63  }
0x23: {  	_ =	swait.ge [sflag:s19], $0x20  }
0x24: {  	[sflag:s19] =	ssyncset.done $0x0  }
0x25: {  	s6 =	simm.s32 $0xC20;
	s29 =	rddreg [dreg:$0x13];
	[sflag:s19] =	ssyncadd.s32 $0xFFFFFFE0  }
0x26: {  	[tilespmem:s6], [sflag:$0x5] =	stream.linear.gather [hbm4b:s29+s3], $0x20, $0x38;
	[tilespmem:$0x1FBD0] =	vst v63  }
0x27: {  	_ =	swait.ge [sflag:s19], $0x20  }
0x28: {  	[sflag:s19] =	ssyncset.done $0x0  }
0x29: {  	s31 =	simm.s32 $0x20;
	[sflag:s19] =	ssyncadd.s32 $0xFFFFFFE0  }
0x2a: {  	[tilespmem:s22], [sflag:$0x1] =	stream.indirect.gather [hbm4b:s4+s31], $0x90, s1, s31, $0xb8;
	[tilespmem:$0x1FBD0] =	vst v63  }
0x2b: {  	_ =	swait.ge [sflag:s24], $0x1200  }
0x2c: {  	[sflag:s24] =	ssyncset.done $0x0  }
0x2d: {  	[sflag:s24] =	ssyncadd.s32 $0xFFFFEE00  }
0x2e: {  	[spmem:s2] =	stream.indirect.scatter.add.f32 [tilespmem:s22], [sflag:$0x5], $0x90, s6, s31, $0xb8;
	[tilespmem:$0x1FBD0] =	vst v63  }
0x2f: {  	_ =	swait.ge [sflag:s19], $0x1200  }
0x30: {  	[sflag:s19] =	ssyncset.done $0x0  }
0x31: {  	[sflag:s19] =	ssyncadd.s32 $0xFFFFEE00  }
0x32: {  	[bflag:$0x0] =	sbarrier.arrive $0xFFFF  }
0x33: {  	s9 =	rddreg [dreg:$0x15]  }
0x34: {  	s0 =	simm.s32 @p0 $0x1FC5;
	s10 =	rddreg [dreg:$0x17]  }
0x35: {  	[hbm:s9], [sflag:s0] =	dma.local @p0 [spmem:s10], $0x2D00  }
0x36: {  	s0 =	simm.s32 @p0 $0x5  }
0x37: {  	_ =	swait.ge @p0 [sflag:s0], $0x2D00  }
0x38: {  	s1 =	rddreg [dreg:$0x19]  }
0x39: {  	[sflag:s0] =	ssyncset.done @p0 $0x0;
	s6 =	rddreg [dreg:$0x1a]  }
0x3a: {  	[sflag:s0] =	ssyncadd.s32 @p0 $0xFFFFD300;
	s0 =	rddreg [dreg:$0x14]  }
0x3b: {  	[hbm:s0], [sflag:s1] =	dma.local @!p0 [spmem:s6], $0x2BE0  }
0x3c: {  	s0 =	simm.s32 @!p0 $0x5  }
0x3d: {  	_ =	swait.ge @!p0 [sflag:s0], $0x2BE0  }
0x3e: {  	[sflag:s0] =	ssyncset.done @!p0 $0x0  }
0x3f: {  	s9 =	rddreg [dreg:$0x18];
	[sflag:s0] =	ssyncadd.s32 @!p0 $0xFFFFD420  }
.LBB2_8:
0x40: {  	s9 =	sadd.s32 $0x1, s9;
	s0 =	rddreg [dreg:$0x16]  }
0x41: {  	s11 =	simm.s32 $0x180;
	p2 =	sne.s32 s9, s0  }
.Ltmp1:
0x42: {  	s12 =	simm.s32 $0x700;
	s13 =	simm.s32 $0x780;
	(pc) =	sbr.rel @!p2 .LBB2_9-.Ltmp1, $4  }
0x43: {  	s14 =	simm.s32 $0x200;
	s1 =	simm.s32 $0x280;
	s6 =	simm.s32 $0x800  }
0x44: {  	s7 =	simm.s32 $0x880;
	s8 =	simm.s32 $0x300;
	s15 =	simm.s32 $0x380  }
0x45: {  	s16 =	simm.s32 $0x900;
	s17 =	simm.s32 $0x980;
	s18 =	simm.s32 $0x400  }
0x46: {  	s26 =	simm.s32 $0x480;
	s29 =	simm.s32 $0xA00;
	s31 =	simm.s32 $0xA80  }
.LBB2_1:
0x47: {  	[dreg:$0x18] =	wrdreg s9  }
0x48: {  	s0 =	simm.s32 @p0 $0x1FC5;
	s9 =	rddreg [dreg:$0xd]  }
0x49: {  	[spmem:s10], [sflag:s0] =	dma.local @p0 [hbm:s9], $0x2D00  }
0x4a: {  	s9 =	simm.s32 @p0 $0x5  }
0x4b: {  	s0 =	stileid.u32;
	_ =	swait.ge @p0 [sflag:s9], $0x2D00  }
0x4c: {  	s0 =	sshll.u32 @!p0 s0, $0x6;
	[sflag:s9] =	ssyncset.done @p0 $0x0  }
0x4d: {  	[sflag:s9] =	ssyncadd.s32 @p0 $0xFFFFD300;
	s9 =	sor.u32 @!p0 $0x1C05, s0;
	s0 =	rddreg [dreg:$0xc]  }
0x4e: {  	s10 =	sshrl.u32 @!p0 s0, $0x3;
	s0 =	rddreg [dreg:$0xb]  }
0x4f: {  	[dreg:$0x19] =	wrdreg s9  }
0x50: {  	[dreg:$0x1a] =	wrdreg s10  }
0x51: {  	[spmem:s10], [sflag:s9] =	dma.local @!p0 [hbm:s0], $0x2BE0  }
0x52: {  	s0 =	simm.s32 @!p0 $0x5  }
.Ltmp2:
0x53: {  	_ =	swait.ge @!p0 [sflag:s0], $0x2BE0;
	(pc) =	sbr.rel @!p1 .LBB2_2-.Ltmp2, $3  }
0x54: {  	[sflag:s0] =	ssyncset.done @!p0 $0x0  }
0x55: {  	[sflag:s0] =	ssyncadd.s32 @!p0 $0xFFFFD420  }
0x56: {  	[bflag:$0x0] =	sbarrier.arrive $0xFFFF;
	_ =	sdelay $0x1  }
0x57: {  	s0 =	rddreg [dreg:$0x9]  }
0x58: {  	s0 =	sadd.s32 $0x0, s0  }
0x59: {  	[tilespmem:s3], [sflag:$0x5] =	stream.linear.gather [hbm4b:s0+s3], $0x600, $0x38;
	[tilespmem:$0x1FBD0] =	vst v63  }
0x5a: {  	_ =	swait.ge [sflag:s19], $0x600  }
0x5b: {  	s26 =	rddreg [dreg:$0xa];
	[sflag:s19] =	ssyncset.done $0x0  }
0x5c: {  	[sflag:s19] =	ssyncadd.s32 $0xFFFFFA00;
	s0 =	sadd.s32 $0x0, s26  }
0x5d: {  	[tilespmem:s20], [sflag:$0x5] =	stream.linear.gather [hbm4b:s0+s3], $0x600, $0x38;
	[tilespmem:$0x1FBD0] =	vst v63  }
0x5e: {  	_ =	swait.ge [sflag:s19], $0x600  }
0x5f: {  	[sflag:s19] =	ssyncset.done $0x0  }
0x60: {  	[sflag:s19] =	ssyncadd.s32 $0xFFFFFA00  }
0x61: {  	[tilespmem:s22], [sflag:$0x1] =	stream.indirect.gather [hbm4b:s4+s21], $0x90, s3, s21, $0xb8;
	[tilespmem:$0x1FBD0] =	vst v63  }
0x62: {  	_ = 	snop  }
0x63: {  	[tilespmem:s23], [sflag:$0x2] =	stream.indirect.gather [hbm4b:s4+s21], $0x90, s21, s21, $0xb8;
	[tilespmem:$0x1FBD0] =	vst v63  }
0x64: {  	_ =	swait.ge [sflag:s24], $0x4800  }
0x65: {  	[sflag:s24] =	ssyncset.done $0x0  }
0x66: {  	[sflag:s24] =	ssyncadd.s32 $0xFFFFB800  }
0x67: {  	[spmem:s2] =	stream.indirect.scatter.add.f32 [tilespmem:s22], [sflag:$0x3], $0x90, s20, s21, $0xb8;
	[tilespmem:$0x1FBD0] =	vst v63  }
0x68: {  	_ =	swait.ge [sflag:s25], $0x4800  }
0x69: {  	[sflag:s25] =	ssyncset.done $0x0  }
0x6a: {  	s1 =	simm.s32 $0x680;
	[sflag:s25] =	ssyncadd.s32 $0xFFFFB800  }
0x6b: {  	[spmem:s2] =	stream.indirect.scatter.add.f32 [tilespmem:s23], [sflag:$0x4], $0x90, s1, s21, $0xb8;
	[tilespmem:$0x1FBD0] =	vst v63  }
0x6c: {  	_ =	swait.ge [sflag:s28], $0x4800  }
0x6d: {  	[sflag:s28] =	ssyncset.done $0x0  }
0x6e: {  	s18 =	simm.s32 $0x100;
	[sflag:s28] =	ssyncadd.s32 $0xFFFFB800  }
0x6f: {  	[tilespmem:s22], [sflag:$0x1] =	stream.indirect.gather [hbm4b:s4+s21], $0x90, s18, s21, $0xb8;
	[tilespmem:$0x1FBD0] =	vst v63  }
0x70: {  	_ =	swait.ge [sflag:s30], $0x4800  }
0x71: {  	[sflag:s30] =	ssyncset.done $0x0  }
0x72: {  	s13 =	simm.s32 $0x180;
	[sflag:s30] =	ssyncadd.s32 $0xFFFFB800  }
0x73: {  	[tilespmem:s23], [sflag:$0x2] =	stream.indirect.gather [hbm4b:s4+s21], $0x90, s13, s21, $0xb8;
	[tilespmem:$0x1FBD0] =	vst v63  }
0x74: {  	_ =	swait.ge [sflag:s24], $0x4800  }
0x75: {  	[sflag:s24] =	ssyncset.done $0x0  }
0x76: {  	s17 =	simm.s32 $0x700;
	[sflag:s24] =	ssyncadd.s32 $0xFFFFB800  }
0x77: {  	[spmem:s2] =	stream.indirect.scatter.add.f32 [tilespmem:s22], [sflag:$0x3], $0x90, s17, s21, $0xb8;
	[tilespmem:$0x1FBD0] =	vst v63  }
0x78: {  	_ =	swait.ge [sflag:s25], $0x4800  }
0x79: {  	[sflag:s25] =	ssyncset.done $0x0  }
0x7a: {  	s8 =	simm.s32 $0x780;
	[sflag:s25] =	ssyncadd.s32 $0xFFFFB800  }
0x7b: {  	[spmem:s2] =	stream.indirect.scatter.add.f32 [tilespmem:s23], [sflag:$0x4], $0x90, s8, s21, $0xb8;
	[tilespmem:$0x1FBD0] =	vst v63  }
0x7c: {  	_ =	swait.ge [sflag:s28], $0x4800  }
0x7d: {  	[sflag:s28] =	ssyncset.done $0x0  }
0x7e: {  	s16 =	simm.s32 $0x200;
	[sflag:s28] =	ssyncadd.s32 $0xFFFFB800  }
0x7f: {  	[tilespmem:s22], [sflag:$0x1] =	stream.indirect.gather [hbm4b:s4+s21], $0x90, s16, s21, $0xb8;
	[tilespmem:$0x1FBD0] =	vst v63  }
0x80: {  	_ =	swait.ge [sflag:s30], $0x4800  }
0x81: {  	[sflag:s30] =	ssyncset.done $0x0  }
0x82: {  	s0 =	simm.s32 $0x280;
	[sflag:s30] =	ssyncadd.s32 $0xFFFFB800  }
0x83: {  	[tilespmem:s23], [sflag:$0x2] =	stream.indirect.gather [hbm4b:s4+s21], $0x90, s0, s21, $0xb8;
	[tilespmem:$0x1FBD0] =	vst v63  }
0x84: {  	_ =	swait.ge [sflag:s24], $0x4800  }
0x85: {  	[sflag:s24] =	ssyncset.done $0x0  }
0x86: {  	s6 =	simm.s32 $0x800;
	[sflag:s24] =	ssyncadd.s32 $0xFFFFB800  }
0x87: {  	[spmem:s2] =	stream.indirect.scatter.add.f32 [tilespmem:s22], [sflag:$0x3], $0x90, s6, s21, $0xb8;
	[tilespmem:$0x1FBD0] =	vst v63  }
0x88: {  	_ =	swait.ge [sflag:s25], $0x4800  }
0x89: {  	[sflag:s25] =	ssyncset.done $0x0  }
0x8a: {  	s7 =	simm.s32 $0x880;
	[sflag:s25] =	ssyncadd.s32 $0xFFFFB800  }
0x8b: {  	[spmem:s2] =	stream.indirect.scatter.add.f32 [tilespmem:s23], [sflag:$0x4], $0x90, s7, s21, $0xb8;
	[tilespmem:$0x1FBD0] =	vst v63  }
0x8c: {  	_ =	swait.ge [sflag:s28], $0x4800  }
0x8d: {  	[sflag:s28] =	ssyncset.done $0x0  }
0x8e: {  	s9 =	simm.s32 $0x300;
	[sflag:s28] =	ssyncadd.s32 $0xFFFFB800  }
0x8f: {  	[tilespmem:s22], [sflag:$0x1] =	stream.indirect.gather [hbm4b:s4+s21], $0x90, s9, s21, $0xb8;
	[tilespmem:$0x1FBD0] =	vst v63  }
0x90: {  	_ =	swait.ge [sflag:s30], $0x4800  }
0x91: {  	[sflag:s30] =	ssyncset.done $0x0  }
0x92: {  	s12 =	simm.s32 $0x380;
	[sflag:s30] =	ssyncadd.s32 $0xFFFFB800  }
0x93: {  	[tilespmem:s23], [sflag:$0x2] =	stream.indirect.gather [hbm4b:s4+s21], $0x90, s12, s21, $0xb8;
	[tilespmem:$0x1FBD0] =	vst v63  }
0x94: {  	_ =	swait.ge [sflag:s24], $0x4800  }
0x95: {  	[sflag:s24] =	ssyncset.done $0x0  }
0x96: {  	s1 =	simm.s32 $0x900;
	[sflag:s24] =	ssyncadd.s32 $0xFFFFB800  }
0x97: {  	[spmem:s2] =	stream.indirect.scatter.add.f32 [tilespmem:s22], [sflag:$0x3], $0x90, s1, s21, $0xb8;
	[tilespmem:$0x1FBD0] =	vst v63  }
0x98: {  	_ =	swait.ge [sflag:s25], $0x4800  }
0x99: {  	[sflag:s25] =	ssyncset.done $0x0  }
0x9a: {  	s14 =	simm.s32 $0x980;
	[sflag:s25] =	ssyncadd.s32 $0xFFFFB800  }
0x9b: {  	[spmem:s2] =	stream.indirect.scatter.add.f32 [tilespmem:s23], [sflag:$0x4], $0x90, s14, s21, $0xb8;
	[tilespmem:$0x1FBD0] =	vst v63  }
0x9c: {  	_ =	swait.ge [sflag:s28], $0x4800  }
0x9d: {  	[sflag:s28] =	ssyncset.done $0x0  }
0x9e: {  	s15 =	simm.s32 $0x400;
	[sflag:s28] =	ssyncadd.s32 $0xFFFFB800  }
0x9f: {  	[tilespmem:s22], [sflag:$0x1] =	stream.indirect.gather [hbm4b:s4+s21], $0x90, s15, s21, $0xb8;
	[tilespmem:$0x1FBD0] =	vst v63  }
0xa0: {  	_ =	swait.ge [sflag:s30], $0x4800  }
0xa1: {  	[sflag:s30] =	ssyncset.done $0x0  }
0xa2: {  	s11 =	simm.s32 $0x480;
	[sflag:s30] =	ssyncadd.s32 $0xFFFFB800  }
0xa3: {  	[tilespmem:s23], [sflag:$0x2] =	stream.indirect.gather [hbm4b:s4+s21], $0x90, s11, s21, $0xb8;
	[tilespmem:$0x1FBD0] =	vst v63  }
0xa4: {  	_ =	swait.ge [sflag:s24], $0x4800  }
0xa5: {  	[sflag:s24] =	ssyncset.done $0x0  }
0xa6: {  	s26 =	simm.s32 $0xA00;
	[sflag:s24] =	ssyncadd.s32 $0xFFFFB800  }
0xa7: {  	[spmem:s2] =	stream.indirect.scatter.add.f32 [tilespmem:s22], [sflag:$0x3], $0x90, s26, s21, $0xb8;
	[tilespmem:$0x1FBD0] =	vst v63  }
0xa8: {  	_ =	swait.ge [sflag:s25], $0x4800  }
0xa9: {  	[sflag:s25] =	ssyncset.done $0x0  }
0xaa: {  	s10 =	simm.s32 $0xA80;
	[sflag:s25] =	ssyncadd.s32 $0xFFFFB800  }
0xab: {  	[spmem:s2] =	stream.indirect.scatter.add.f32 [tilespmem:s23], [sflag:$0x4], $0x90, s10, s21, $0xb8;
	[tilespmem:$0x1FBD0] =	vst v63  }
0xac: {  	_ =	swait.ge [sflag:s28], $0x4800  }
0xad: {  	[sflag:s28] =	ssyncset.done $0x0  }
0xae: {  	s11 =	simm.s32 $0x500;
	[sflag:s28] =	ssyncadd.s32 $0xFFFFB800  }
0xaf: {  	[tilespmem:s22], [sflag:$0x1] =	stream.indirect.gather [hbm4b:s4+s21], $0x90, s11, s21, $0xb8;
	[tilespmem:$0x1FBD0] =	vst v63  }
0xb0: {  	_ =	swait.ge [sflag:s30], $0x4800  }
0xb1: {  	[sflag:s30] =	ssyncset.done $0x0  }
0xb2: {  	s15 =	simm.s32 $0x580;
	[sflag:s30] =	ssyncadd.s32 $0xFFFFB800  }
0xb3: {  	[tilespmem:s23], [sflag:$0x2] =	stream.indirect.gather [hbm4b:s4+s21], $0x90, s15, s21, $0xb8;
	[tilespmem:$0x1FBD0] =	vst v63  }
0xb4: {  	_ =	swait.ge [sflag:s24], $0x4800  }
0xb5: {  	[sflag:s24] =	ssyncset.done $0x0  }
0xb6: {  	s6 =	simm.s32 $0xB00;
	[sflag:s24] =	ssyncadd.s32 $0xFFFFB800  }
0xb7: {  	[spmem:s2] =	stream.indirect.scatter.add.f32 [tilespmem:s22], [sflag:$0x3], $0x90, s6, s21, $0xb8;
	[tilespmem:$0x1FBD0] =	vst v63  }
0xb8: {  	_ =	swait.ge [sflag:s25], $0x4800  }
0xb9: {  	s31 =	simm.s32 $0x880;
	[sflag:s25] =	ssyncset.done $0x0  }
0xba: {  	s29 =	simm.s32 $0xA00;
	s7 =	simm.s32 $0xB80;
	[sflag:s25] =	ssyncadd.s32 $0xFFFFB800  }
0xbb: {  	[spmem:s2] =	stream.indirect.scatter.add.f32 [tilespmem:s23], [sflag:$0x4], $0x90, s7, s21, $0xb8;
	[tilespmem:$0x1FBD0] =	vst v63  }
0xbc: {  	s18 =	simm.s32 $0x900;
	s13 =	simm.s32 $0x300;
	_ =	swait.ge [sflag:s28], $0x4800  }
0xbd: {  	s17 =	simm.s32 $0x800;
	s8 =	simm.s32 $0x280;
	[sflag:s28] =	ssyncset.done $0x0  }
0xbe: {  	s16 =	simm.s32 $0x380;
	s0 =	simm.s32 $0xC0;
	[sflag:s28] =	ssyncadd.s32 $0xFFFFB800  }
0xbf: {  	s12 =	simm.s32 $0x980;
	s1 =	simm.s32 $0x400;
	_ =	swait.ge [sflag:s30], $0x4800  }
0xc0: {  	s14 =	simm.s32 $0x480;
	s26 =	simm.s32 $0xA80;
	[sflag:s30] =	ssyncset.done $0x0  }
.LBB2_6:
0xc1: {  	s9 =	rddreg [dreg:$0x9];
	s10 =	smov.u32 s0  }
0xc2: {  	[sflag:s30] =	ssyncadd.s32 $0xFFFFB800;
	s9 =	sadd.s32 s10, s9  }
0xc3: {  	[tilespmem:s3], [sflag:$0x5] =	stream.linear.gather [hbm4b:s9+s3], $0x600, $0x38;
	[tilespmem:$0x1FBD0] =	vst v63  }
0xc4: {  	_ =	swait.ge [sflag:s19], $0x600  }
0xc5: {  	s9 =	rddreg [dreg:$0xa];
	[sflag:s19] =	ssyncset.done $0x0  }
0xc6: {  	[sflag:s19] =	ssyncadd.s32 $0xFFFFFA00;
	s9 =	sadd.s32 s10, s9  }
0xc7: {  	[tilespmem:s20], [sflag:$0x5] =	stream.linear.gather [hbm4b:s9+s3], $0x600, $0x38;
	[tilespmem:$0x1FBD0] =	vst v63  }
0xc8: {  	_ =	swait.ge [sflag:s19], $0x600  }
0xc9: {  	[sflag:s19] =	ssyncset.done $0x0  }
0xca: {  	[sflag:s19] =	ssyncadd.s32 $0xFFFFFA00  }
0xcb: {  	[tilespmem:s22], [sflag:$0x1] =	stream.indirect.gather [hbm4b:s4+s21], $0x90, s3, s21, $0xb8;
	[tilespmem:$0x1FBD0] =	vst v63  }
0xcc: {  	_ = 	snop  }
0xcd: {  	[tilespmem:s23], [sflag:$0x2] =	stream.indirect.gather [hbm4b:s4+s21], $0x90, s21, s21, $0xb8;
	[tilespmem:$0x1FBD0] =	vst v63  }
0xce: {  	_ =	swait.ge [sflag:s24], $0x4800  }
0xcf: {  	[sflag:s24] =	ssyncset.done $0x0  }
0xd0: {  	[sflag:s24] =	ssyncadd.s32 $0xFFFFB800  }
0xd1: {  	[spmem:s2] =	stream.indirect.scatter.add.f32 [tilespmem:s22], [sflag:$0x3], $0x90, s20, s21, $0xb8;
	[tilespmem:$0x1FBD0] =	vst v63  }
0xd2: {  	_ =	swait.ge [sflag:s25], $0x4800  }
0xd3: {  	[sflag:s25] =	ssyncset.done $0x0  }
0xd4: {  	s10 =	simm.s32 $0x680;
	[sflag:s25] =	ssyncadd.s32 $0xFFFFB800  }
0xd5: {  	[spmem:s2] =	stream.indirect.scatter.add.f32 [tilespmem:s23], [sflag:$0x4], $0x90, s10, s21, $0xb8;
	[tilespmem:$0x1FBD0] =	vst v63  }
0xd6: {  	_ =	swait.ge [sflag:s28], $0x4800  }
0xd7: {  	[sflag:s28] =	ssyncset.done $0x0  }
0xd8: {  	s10 =	simm.s32 $0x100;
	[sflag:s28] =	ssyncadd.s32 $0xFFFFB800  }
0xd9: {  	[tilespmem:s22], [sflag:$0x1] =	stream.indirect.gather [hbm4b:s4+s21], $0x90, s10, s21, $0xb8;
	[tilespmem:$0x1FBD0] =	vst v63  }
0xda: {  	_ =	swait.ge [sflag:s30], $0x4800  }
0xdb: {  	[sflag:s30] =	ssyncset.done $0x0  }
0xdc: {  	s10 =	simm.s32 $0x180;
	[sflag:s30] =	ssyncadd.s32 $0xFFFFB800  }
0xdd: {  	[tilespmem:s23], [sflag:$0x2] =	stream.indirect.gather [hbm4b:s4+s21], $0x90, s10, s21, $0xb8;
	[tilespmem:$0x1FBD0] =	vst v63  }
0xde: {  	_ =	swait.ge [sflag:s24], $0x4800  }
0xdf: {  	[sflag:s24] =	ssyncset.done $0x0  }
0xe0: {  	s10 =	simm.s32 $0x700;
	[sflag:s24] =	ssyncadd.s32 $0xFFFFB800  }
0xe1: {  	[spmem:s2] =	stream.indirect.scatter.add.f32 [tilespmem:s22], [sflag:$0x3], $0x90, s10, s21, $0xb8;
	[tilespmem:$0x1FBD0] =	vst v63  }
0xe2: {  	_ =	swait.ge [sflag:s25], $0x4800  }
0xe3: {  	[sflag:s25] =	ssyncset.done $0x0  }
0xe4: {  	s10 =	simm.s32 $0x780;
	[sflag:s25] =	ssyncadd.s32 $0xFFFFB800  }
0xe5: {  	[spmem:s2] =	stream.indirect.scatter.add.f32 [tilespmem:s23], [sflag:$0x4], $0x90, s10, s21, $0xb8;
	[tilespmem:$0x1FBD0] =	vst v63  }
0xe6: {  	_ =	swait.ge [sflag:s28], $0x4800  }
0xe7: {  	[sflag:s28] =	ssyncset.done $0x0  }
0xe8: {  	s10 =	simm.s32 $0x200;
	[sflag:s28] =	ssyncadd.s32 $0xFFFFB800  }
0xe9: {  	[tilespmem:s22], [sflag:$0x1] =	stream.indirect.gather [hbm4b:s4+s21], $0x90, s10, s21, $0xb8;
	[tilespmem:$0x1FBD0] =	vst v63  }
0xea: {  	_ =	swait.ge [sflag:s30], $0x4800  }
0xeb: {  	[sflag:s30] =	ssyncset.done $0x0  }
0xec: {  	[sflag:s30] =	ssyncadd.s32 $0xFFFFB800  }
0xed: {  	[tilespmem:s23], [sflag:$0x2] =	stream.indirect.gather [hbm4b:s4+s21], $0x90, s8, s21, $0xb8;
	[tilespmem:$0x1FBD0] =	vst v63  }
0xee: {  	_ =	swait.ge [sflag:s24], $0x4800  }
0xef: {  	[sflag:s24] =	ssyncset.done $0x0  }
0xf0: {  	[sflag:s24] =	ssyncadd.s32 $0xFFFFB800  }
0xf1: {  	[spmem:s2] =	stream.indirect.scatter.add.f32 [tilespmem:s22], [sflag:$0x3], $0x90, s17, s21, $0xb8;
	[tilespmem:$0x1FBD0] =	vst v63  }
0xf2: {  	_ =	swait.ge [sflag:s25], $0x4800  }
0xf3: {  	[sflag:s25] =	ssyncset.done $0x0  }
0xf4: {  	[sflag:s25] =	ssyncadd.s32 $0xFFFFB800  }
0xf5: {  	[spmem:s2] =	stream.indirect.scatter.add.f32 [tilespmem:s23], [sflag:$0x4], $0x90, s31, s21, $0xb8;
	[tilespmem:$0x1FBD0] =	vst v63  }
0xf6: {  	_ =	swait.ge [sflag:s28], $0x4800  }
0xf7: {  	[sflag:s28] =	ssyncset.done $0x0  }
0xf8: {  	[sflag:s28] =	ssyncadd.s32 $0xFFFFB800  }
0xf9: {  	[tilespmem:s22], [sflag:$0x1] =	stream.indirect.gather [hbm4b:s4+s21], $0x90, s13, s21, $0xb8;
	[tilespmem:$0x1FBD0] =	vst v63  }
0xfa: {  	_ =	swait.ge [sflag:s30], $0x4800  }
0xfb: {  	[sflag:s30] =	ssyncset.done $0x0  }
0xfc: {  	[sflag:s30] =	ssyncadd.s32 $0xFFFFB800  }
0xfd: {  	[tilespmem:s23], [sflag:$0x2] =	stream.indirect.gather [hbm4b:s4+s21], $0x90, s16, s21, $0xb8;
	[tilespmem:$0x1FBD0] =	vst v63  }
0xfe: {  	_ =	swait.ge [sflag:s24], $0x4800  }
0xff: {  	[sflag:s24] =	ssyncset.done $0x0  }
0x100: {  	[sflag:s24] =	ssyncadd.s32 $0xFFFFB800  }
0x101: {  	[spmem:s2] =	stream.indirect.scatter.add.f32 [tilespmem:s22], [sflag:$0x3], $0x90, s18, s21, $0xb8;
	[tilespmem:$0x1FBD0] =	vst v63  }
0x102: {  	_ =	swait.ge [sflag:s25], $0x4800  }
0x103: {  	[sflag:s25] =	ssyncset.done $0x0  }
0x104: {  	[sflag:s25] =	ssyncadd.s32 $0xFFFFB800  }
0x105: {  	[spmem:s2] =	stream.indirect.scatter.add.f32 [tilespmem:s23], [sflag:$0x4], $0x90, s12, s21, $0xb8;
	[tilespmem:$0x1FBD0] =	vst v63  }
0x106: {  	_ =	swait.ge [sflag:s28], $0x4800  }
0x107: {  	[sflag:s28] =	ssyncset.done $0x0  }
0x108: {  	[sflag:s28] =	ssyncadd.s32 $0xFFFFB800  }
0x109: {  	[tilespmem:s22], [sflag:$0x1] =	stream.indirect.gather [hbm4b:s4+s21], $0x90, s1, s21, $0xb8;
	[tilespmem:$0x1FBD0] =	vst v63  }
0x10a: {  	_ =	swait.ge [sflag:s30], $0x4800  }
0x10b: {  	[sflag:s30] =	ssyncset.done $0x0  }
0x10c: {  	[sflag:s30] =	ssyncadd.s32 $0xFFFFB800  }
0x10d: {  	[tilespmem:s23], [sflag:$0x2] =	stream.indirect.gather [hbm4b:s4+s21], $0x90, s14, s21, $0xb8;
	[tilespmem:$0x1FBD0] =	vst v63  }
0x10e: {  	_ =	swait.ge [sflag:s24], $0x4800  }
0x10f: {  	[sflag:s24] =	ssyncset.done $0x0  }
0x110: {  	[sflag:s24] =	ssyncadd.s32 $0xFFFFB800  }
0x111: {  	[spmem:s2] =	stream.indirect.scatter.add.f32 [tilespmem:s22], [sflag:$0x3], $0x90, s29, s21, $0xb8;
	[tilespmem:$0x1FBD0] =	vst v63  }
0x112: {  	_ =	swait.ge [sflag:s25], $0x4800  }
0x113: {  	[sflag:s25] =	ssyncset.done $0x0  }
0x114: {  	[sflag:s25] =	ssyncadd.s32 $0xFFFFB800  }
0x115: {  	[spmem:s2] =	stream.indirect.scatter.add.f32 [tilespmem:s23], [sflag:$0x4], $0x90, s26, s21, $0xb8;
	[tilespmem:$0x1FBD0] =	vst v63  }
0x116: {  	_ =	swait.ge [sflag:s28], $0x4800  }
0x117: {  	[sflag:s28] =	ssyncset.done $0x0  }
0x118: {  	[sflag:s28] =	ssyncadd.s32 $0xFFFFB800  }
0x119: {  	[tilespmem:s22], [sflag:$0x1] =	stream.indirect.gather [hbm4b:s4+s21], $0x90, s11, s21, $0xb8;
	[tilespmem:$0x1FBD0] =	vst v63  }
0x11a: {  	_ =	swait.ge [sflag:s30], $0x4800  }
0x11b: {  	[sflag:s30] =	ssyncset.done $0x0  }
0x11c: {  	[sflag:s30] =	ssyncadd.s32 $0xFFFFB800  }
0x11d: {  	[tilespmem:s23], [sflag:$0x2] =	stream.indirect.gather [hbm4b:s4+s21], $0x90, s15, s21, $0xb8;
	[tilespmem:$0x1FBD0] =	vst v63  }
0x11e: {  	_ =	swait.ge [sflag:s24], $0x4800  }
0x11f: {  	[sflag:s24] =	ssyncset.done $0x0  }
0x120: {  	[sflag:s24] =	ssyncadd.s32 $0xFFFFB800  }
0x121: {  	[spmem:s2] =	stream.indirect.scatter.add.f32 [tilespmem:s22], [sflag:$0x3], $0x90, s6, s21, $0xb8;
	[tilespmem:$0x1FBD0] =	vst v63  }
0x122: {  	_ =	swait.ge [sflag:s25], $0x4800  }
0x123: {  	[sflag:s25] =	ssyncset.done $0x0  }
0x124: {  	p2 =	sne.s32 s0, $0x900;
	[sflag:s25] =	ssyncadd.s32 $0xFFFFB800  }
0x125: {  	[spmem:s2] =	stream.indirect.scatter.add.f32 [tilespmem:s23], [sflag:$0x4], $0x90, s7, s21, $0xb8;
	[tilespmem:$0x1FBD0] =	vst v63  }
.Ltmp3:
0x126: {  	_ =	swait.ge [sflag:s28], $0x4800;
	(pc) =	sbr.rel @p2 .LBB2_6-.Ltmp3, $4  }
0x127: {  	[sflag:s28] =	ssyncset.done $0x0  }
0x128: {  	[sflag:s28] =	ssyncadd.s32 $0xFFFFB800  }
0x129: {  	_ =	swait.ge [sflag:s30], $0x4800  }
0x12a: {  	s0 =	sadd.s32 $0xC0, s0;
	[sflag:s30] =	ssyncset.done $0x0  }
.Ltmp4:
0x12b: {  	_ = 	snop;
	(pc) =	sbr.rel .LBB2_7-.Ltmp4, $1  }
0x12c: {  	_ =	sdelay $0x3  }
.LBB2_2:
0x12d: {  	s0 =	rddreg [dreg:$0x7]  }
0x12e: {  	s0 =	sadd.s32 $0x0, s0  }
0x12f: {  	[tilespmem:s3], [sflag:$0x5] =	stream.linear.gather [hbm4b:s0+s3], $0x600, $0x38;
	[tilespmem:$0x1FBD0] =	vst v63  }
0x130: {  	_ =	swait.ge [sflag:s19], $0x600  }
0x131: {  	s0 =	rddreg [dreg:$0x8];
	[sflag:s19] =	ssyncset.done $0x0  }
0x132: {  	[sflag:s19] =	ssyncadd.s32 $0xFFFFFA00;
	s0 =	sadd.s32 $0x0, s0  }
0x133: {  	[tilespmem:s20], [sflag:$0x5] =	stream.linear.gather [hbm4b:s0+s3], $0x600, $0x38;
	[tilespmem:$0x1FBD0] =	vst v63  }
0x134: {  	_ =	swait.ge [sflag:s19], $0x600  }
0x135: {  	[sflag:s19] =	ssyncset.done $0x0  }
0x136: {  	[sflag:s19] =	ssyncadd.s32 $0xFFFFFA00  }
0x137: {  	[tilespmem:s22], [sflag:$0x1] =	stream.indirect.gather [hbm4b:s5+s21], $0x90, s3, s21, $0xb8;
	[tilespmem:$0x1FBD0] =	vst v63  }
0x138: {  	_ = 	snop  }
0x139: {  	[tilespmem:s23], [sflag:$0x2] =	stream.indirect.gather [hbm4b:s5+s21], $0x90, s21, s21, $0xb8;
	[tilespmem:$0x1FBD0] =	vst v63  }
0x13a: {  	_ =	swait.ge [sflag:s24], $0x4800  }
0x13b: {  	[sflag:s24] =	ssyncset.done $0x0  }
0x13c: {  	[sflag:s24] =	ssyncadd.s32 $0xFFFFB800  }
0x13d: {  	[spmem:s2] =	stream.indirect.scatter.add.f32 [tilespmem:s22], [sflag:$0x3], $0x90, s20, s21, $0xb8;
	[tilespmem:$0x1FBD0] =	vst v63  }
0x13e: {  	_ =	swait.ge [sflag:s25], $0x4800  }
0x13f: {  	[sflag:s25] =	ssyncset.done $0x0  }
0x140: {  	s9 =	simm.s32 $0x680;
	[sflag:s25] =	ssyncadd.s32 $0xFFFFB800  }
0x141: {  	[spmem:s2] =	stream.indirect.scatter.add.f32 [tilespmem:s23], [sflag:$0x4], $0x90, s9, s21, $0xb8;
	[tilespmem:$0x1FBD0] =	vst v63  }
0x142: {  	_ =	swait.ge [sflag:s28], $0x4800  }
0x143: {  	[sflag:s28] =	ssyncset.done $0x0  }
0x144: {  	s10 =	simm.s32 $0x100;
	[sflag:s28] =	ssyncadd.s32 $0xFFFFB800  }
0x145: {  	[tilespmem:s22], [sflag:$0x1] =	stream.indirect.gather [hbm4b:s5+s21], $0x90, s10, s21, $0xb8;
	[tilespmem:$0x1FBD0] =	vst v63  }
0x146: {  	_ =	swait.ge [sflag:s30], $0x4800  }
0x147: {  	[sflag:s30] =	ssyncset.done $0x0  }
0x148: {  	[sflag:s30] =	ssyncadd.s32 $0xFFFFB800  }
0x149: {  	[tilespmem:s23], [sflag:$0x2] =	stream.indirect.gather [hbm4b:s5+s21], $0x90, s11, s21, $0xb8;
	[tilespmem:$0x1FBD0] =	vst v63  }
0x14a: {  	_ =	swait.ge [sflag:s24], $0x4800  }
0x14b: {  	[sflag:s24] =	ssyncset.done $0x0  }
0x14c: {  	[sflag:s24] =	ssyncadd.s32 $0xFFFFB800  }
0x14d: {  	[spmem:s2] =	stream.indirect.scatter.add.f32 [tilespmem:s22], [sflag:$0x3], $0x90, s12, s21, $0xb8;
	[tilespmem:$0x1FBD0] =	vst v63  }
0x14e: {  	_ =	swait.ge [sflag:s25], $0x4800  }
0x14f: {  	[sflag:s25] =	ssyncset.done $0x0  }
0x150: {  	[sflag:s25] =	ssyncadd.s32 $0xFFFFB800  }
0x151: {  	[spmem:s2] =	stream.indirect.scatter.add.f32 [tilespmem:s23], [sflag:$0x4], $0x90, s13, s21, $0xb8;
	[tilespmem:$0x1FBD0] =	vst v63  }
0x152: {  	_ =	swait.ge [sflag:s28], $0x4800  }
0x153: {  	[sflag:s28] =	ssyncset.done $0x0  }
0x154: {  	[sflag:s28] =	ssyncadd.s32 $0xFFFFB800  }
0x155: {  	[tilespmem:s22], [sflag:$0x1] =	stream.indirect.gather [hbm4b:s5+s21], $0x90, s14, s21, $0xb8;
	[tilespmem:$0x1FBD0] =	vst v63  }
0x156: {  	_ =	swait.ge [sflag:s30], $0x4800  }
0x157: {  	[sflag:s30] =	ssyncset.done $0x0  }
0x158: {  	[sflag:s30] =	ssyncadd.s32 $0xFFFFB800  }
0x159: {  	[tilespmem:s23], [sflag:$0x2] =	stream.indirect.gather [hbm4b:s5+s21], $0x90, s1, s21, $0xb8;
	[tilespmem:$0x1FBD0] =	vst v63  }
0x15a: {  	_ =	swait.ge [sflag:s24], $0x4800  }
0x15b: {  	[sflag:s24] =	ssyncset.done $0x0  }
0x15c: {  	[sflag:s24] =	ssyncadd.s32 $0xFFFFB800  }
0x15d: {  	[spmem:s2] =	stream.indirect.scatter.add.f32 [tilespmem:s22], [sflag:$0x3], $0x90, s6, s21, $0xb8;
	[tilespmem:$0x1FBD0] =	vst v63  }
0x15e: {  	_ =	swait.ge [sflag:s25], $0x4800  }
0x15f: {  	[sflag:s25] =	ssyncset.done $0x0  }
0x160: {  	[sflag:s25] =	ssyncadd.s32 $0xFFFFB800  }
0x161: {  	[spmem:s2] =	stream.indirect.scatter.add.f32 [tilespmem:s23], [sflag:$0x4], $0x90, s7, s21, $0xb8;
	[tilespmem:$0x1FBD0] =	vst v63  }
0x162: {  	_ =	swait.ge [sflag:s28], $0x4800  }
0x163: {  	[sflag:s28] =	ssyncset.done $0x0  }
0x164: {  	[sflag:s28] =	ssyncadd.s32 $0xFFFFB800  }
0x165: {  	[tilespmem:s22], [sflag:$0x1] =	stream.indirect.gather [hbm4b:s5+s21], $0x90, s8, s21, $0xb8;
	[tilespmem:$0x1FBD0] =	vst v63  }
0x166: {  	_ =	swait.ge [sflag:s30], $0x4800  }
0x167: {  	[sflag:s30] =	ssyncset.done $0x0  }
0x168: {  	[sflag:s30] =	ssyncadd.s32 $0xFFFFB800  }
0x169: {  	[tilespmem:s23], [sflag:$0x2] =	stream.indirect.gather [hbm4b:s5+s21], $0x90, s15, s21, $0xb8;
	[tilespmem:$0x1FBD0] =	vst v63  }
0x16a: {  	_ =	swait.ge [sflag:s24], $0x4800  }
0x16b: {  	[sflag:s24] =	ssyncset.done $0x0  }
0x16c: {  	[sflag:s24] =	ssyncadd.s32 $0xFFFFB800  }
0x16d: {  	[spmem:s2] =	stream.indirect.scatter.add.f32 [tilespmem:s22], [sflag:$0x3], $0x90, s16, s21, $0xb8;
	[tilespmem:$0x1FBD0] =	vst v63  }
0x16e: {  	_ =	swait.ge [sflag:s25], $0x4800  }
0x16f: {  	[sflag:s25] =	ssyncset.done $0x0  }
0x170: {  	[sflag:s25] =	ssyncadd.s32 $0xFFFFB800  }
0x171: {  	[spmem:s2] =	stream.indirect.scatter.add.f32 [tilespmem:s23], [sflag:$0x4], $0x90, s17, s21, $0xb8;
	[tilespmem:$0x1FBD0] =	vst v63  }
0x172: {  	_ =	swait.ge [sflag:s28], $0x4800  }
0x173: {  	[sflag:s28] =	ssyncset.done $0x0  }
0x174: {  	[sflag:s28] =	ssyncadd.s32 $0xFFFFB800  }
0x175: {  	[tilespmem:s22], [sflag:$0x1] =	stream.indirect.gather [hbm4b:s5+s21], $0x90, s18, s21, $0xb8;
	[tilespmem:$0x1FBD0] =	vst v63  }
0x176: {  	_ =	swait.ge [sflag:s30], $0x4800  }
0x177: {  	[sflag:s30] =	ssyncset.done $0x0  }
0x178: {  	[sflag:s30] =	ssyncadd.s32 $0xFFFFB800  }
0x179: {  	[tilespmem:s23], [sflag:$0x2] =	stream.indirect.gather [hbm4b:s5+s21], $0x90, s26, s21, $0xb8;
	[tilespmem:$0x1FBD0] =	vst v63  }
0x17a: {  	_ =	swait.ge [sflag:s24], $0x4800  }
0x17b: {  	[sflag:s24] =	ssyncset.done $0x0  }
0x17c: {  	[sflag:s24] =	ssyncadd.s32 $0xFFFFB800  }
0x17d: {  	[spmem:s2] =	stream.indirect.scatter.add.f32 [tilespmem:s22], [sflag:$0x3], $0x90, s29, s21, $0xb8;
	[tilespmem:$0x1FBD0] =	vst v63  }
0x17e: {  	_ =	swait.ge [sflag:s25], $0x4800  }
0x17f: {  	[sflag:s25] =	ssyncset.done $0x0  }
0x180: {  	[sflag:s25] =	ssyncadd.s32 $0xFFFFB800  }
0x181: {  	[spmem:s2] =	stream.indirect.scatter.add.f32 [tilespmem:s23], [sflag:$0x4], $0x90, s31, s21, $0xb8;
	[tilespmem:$0x1FBD0] =	vst v63  }
0x182: {  	_ =	swait.ge [sflag:s28], $0x4800  }
0x183: {  	[sflag:s28] =	ssyncset.done $0x0  }
0x184: {  	s16 =	simm.s32 $0x500;
	[sflag:s28] =	ssyncadd.s32 $0xFFFFB800  }
0x185: {  	[tilespmem:s22], [sflag:$0x1] =	stream.indirect.gather [hbm4b:s5+s21], $0x90, s16, s21, $0xb8;
	[tilespmem:$0x1FBD0] =	vst v63  }
0x186: {  	_ =	swait.ge [sflag:s30], $0x4800  }
0x187: {  	[sflag:s30] =	ssyncset.done $0x0  }
0x188: {  	s17 =	simm.s32 $0x580;
	[sflag:s30] =	ssyncadd.s32 $0xFFFFB800  }
0x189: {  	[tilespmem:s23], [sflag:$0x2] =	stream.indirect.gather [hbm4b:s5+s21], $0x90, s17, s21, $0xb8;
	[tilespmem:$0x1FBD0] =	vst v63  }
0x18a: {  	_ =	swait.ge [sflag:s24], $0x4800  }
0x18b: {  	[sflag:s24] =	ssyncset.done $0x0  }
0x18c: {  	s0 =	simm.s32 $0xC0;
	s18 =	simm.s32 $0xB00;
	[sflag:s24] =	ssyncadd.s32 $0xFFFFB800  }
0x18d: {  	[spmem:s2] =	stream.indirect.scatter.add.f32 [tilespmem:s22], [sflag:$0x3], $0x90, s18, s21, $0xb8;
	[tilespmem:$0x1FBD0] =	vst v63  }
0x18e: {  	s11 =	simm.s32 $0x680;
	s12 =	simm.s32 $0x100;
	_ =	swait.ge [sflag:s25], $0x4800  }
0x18f: {  	s13 =	simm.s32 $0xA80;
	s14 =	simm.s32 $0x700;
	[sflag:s25] =	ssyncset.done $0x0  }
0x190: {  	s1 =	simm.s32 $0xA00;
	s26 =	simm.s32 $0xB80;
	[sflag:s25] =	ssyncadd.s32 $0xFFFFB800  }
0x191: {  	[spmem:s2] =	stream.indirect.scatter.add.f32 [tilespmem:s23], [sflag:$0x4], $0x90, s26, s21, $0xb8;
	[tilespmem:$0x1FBD0] =	vst v63  }
0x192: {  	s6 =	simm.s32 $0x800;
	s7 =	simm.s32 $0x880;
	_ =	swait.ge [sflag:s28], $0x4800  }
0x193: {  	s8 =	simm.s32 $0x300;
	s15 =	simm.s32 $0x780;
	[sflag:s28] =	ssyncset.done $0x0  }
0x194: {  	s29 =	simm.s32 $0x400;
	s31 =	simm.s32 $0x480;
	[sflag:s28] =	ssyncadd.s32 $0xFFFFB800  }
0x195: {  	s16 =	simm.s32 $0x200;
	s17 =	simm.s32 $0x380;
	_ =	swait.ge [sflag:s30], $0x4800  }
0x196: {  	s18 =	simm.s32 $0x900;
	s26 =	simm.s32 $0x980;
	[sflag:s30] =	ssyncset.done $0x0  }
.LBB2_3:
0x197: {  	s9 =	rddreg [dreg:$0x7];
	s10 =	smov.u32 s0  }
0x198: {  	[sflag:s30] =	ssyncadd.s32 $0xFFFFB800;
	s9 =	sadd.s32 s10, s9  }
0x199: {  	[tilespmem:s3], [sflag:$0x5] =	stream.linear.gather [hbm4b:s9+s3], $0x600, $0x38;
	[tilespmem:$0x1FBD0] =	vst v63  }
0x19a: {  	_ =	swait.ge [sflag:s19], $0x600  }
0x19b: {  	s9 =	rddreg [dreg:$0x8];
	[sflag:s19] =	ssyncset.done $0x0  }
0x19c: {  	[sflag:s19] =	ssyncadd.s32 $0xFFFFFA00;
	s9 =	sadd.s32 s10, s9  }
0x19d: {  	[tilespmem:s20], [sflag:$0x5] =	stream.linear.gather [hbm4b:s9+s3], $0x600, $0x38;
	[tilespmem:$0x1FBD0] =	vst v63  }
0x19e: {  	_ =	swait.ge [sflag:s19], $0x600  }
0x19f: {  	[sflag:s19] =	ssyncset.done $0x0  }
0x1a0: {  	[sflag:s19] =	ssyncadd.s32 $0xFFFFFA00  }
0x1a1: {  	[tilespmem:s22], [sflag:$0x1] =	stream.indirect.gather [hbm4b:s5+s21], $0x90, s3, s21, $0xb8;
	[tilespmem:$0x1FBD0] =	vst v63  }
0x1a2: {  	_ = 	snop  }
0x1a3: {  	[tilespmem:s23], [sflag:$0x2] =	stream.indirect.gather [hbm4b:s5+s21], $0x90, s21, s21, $0xb8;
	[tilespmem:$0x1FBD0] =	vst v63  }
0x1a4: {  	_ =	swait.ge [sflag:s24], $0x4800  }
0x1a5: {  	[sflag:s24] =	ssyncset.done $0x0  }
0x1a6: {  	[sflag:s24] =	ssyncadd.s32 $0xFFFFB800  }
0x1a7: {  	[spmem:s2] =	stream.indirect.scatter.add.f32 [tilespmem:s22], [sflag:$0x3], $0x90, s20, s21, $0xb8;
	[tilespmem:$0x1FBD0] =	vst v63  }
0x1a8: {  	_ =	swait.ge [sflag:s25], $0x4800  }
0x1a9: {  	[sflag:s25] =	ssyncset.done $0x0  }
0x1aa: {  	[sflag:s25] =	ssyncadd.s32 $0xFFFFB800  }
0x1ab: {  	[spmem:s2] =	stream.indirect.scatter.add.f32 [tilespmem:s23], [sflag:$0x4], $0x90, s11, s21, $0xb8;
	[tilespmem:$0x1FBD0] =	vst v63  }
0x1ac: {  	_ =	swait.ge [sflag:s28], $0x4800  }
0x1ad: {  	[sflag:s28] =	ssyncset.done $0x0  }
0x1ae: {  	[sflag:s28] =	ssyncadd.s32 $0xFFFFB800  }
0x1af: {  	[tilespmem:s22], [sflag:$0x1] =	stream.indirect.gather [hbm4b:s5+s21], $0x90, s12, s21, $0xb8;
	[tilespmem:$0x1FBD0] =	vst v63  }
0x1b0: {  	_ =	swait.ge [sflag:s30], $0x4800  }
0x1b1: {  	[sflag:s30] =	ssyncset.done $0x0  }
0x1b2: {  	s10 =	simm.s32 $0x180;
	[sflag:s30] =	ssyncadd.s32 $0xFFFFB800  }
0x1b3: {  	[tilespmem:s23], [sflag:$0x2] =	stream.indirect.gather [hbm4b:s5+s21], $0x90, s10, s21, $0xb8;
	[tilespmem:$0x1FBD0] =	vst v63  }
0x1b4: {  	_ =	swait.ge [sflag:s24], $0x4800  }
0x1b5: {  	[sflag:s24] =	ssyncset.done $0x0  }
0x1b6: {  	[sflag:s24] =	ssyncadd.s32 $0xFFFFB800  }
0x1b7: {  	[spmem:s2] =	stream.indirect.scatter.add.f32 [tilespmem:s22], [sflag:$0x3], $0x90, s14, s21, $0xb8;
	[tilespmem:$0x1FBD0] =	vst v63  }
0x1b8: {  	_ =	swait.ge [sflag:s25], $0x4800  }
0x1b9: {  	[sflag:s25] =	ssyncset.done $0x0  }
0x1ba: {  	[sflag:s25] =	ssyncadd.s32 $0xFFFFB800  }
0x1bb: {  	[spmem:s2] =	stream.indirect.scatter.add.f32 [tilespmem:s23], [sflag:$0x4], $0x90, s15, s21, $0xb8;
	[tilespmem:$0x1FBD0] =	vst v63  }
0x1bc: {  	_ =	swait.ge [sflag:s28], $0x4800  }
0x1bd: {  	[sflag:s28] =	ssyncset.done $0x0  }
0x1be: {  	[sflag:s28] =	ssyncadd.s32 $0xFFFFB800  }
0x1bf: {  	[tilespmem:s22], [sflag:$0x1] =	stream.indirect.gather [hbm4b:s5+s21], $0x90, s16, s21, $0xb8;
	[tilespmem:$0x1FBD0] =	vst v63  }
0x1c0: {  	_ =	swait.ge [sflag:s30], $0x4800  }
0x1c1: {  	[sflag:s30] =	ssyncset.done $0x0  }
0x1c2: {  	s10 =	simm.s32 $0x280;
	[sflag:s30] =	ssyncadd.s32 $0xFFFFB800  }
0x1c3: {  	[tilespmem:s23], [sflag:$0x2] =	stream.indirect.gather [hbm4b:s5+s21], $0x90, s10, s21, $0xb8;
	[tilespmem:$0x1FBD0] =	vst v63  }
0x1c4: {  	_ =	swait.ge [sflag:s24], $0x4800  }
0x1c5: {  	[sflag:s24] =	ssyncset.done $0x0  }
0x1c6: {  	[sflag:s24] =	ssyncadd.s32 $0xFFFFB800  }
0x1c7: {  	[spmem:s2] =	stream.indirect.scatter.add.f32 [tilespmem:s22], [sflag:$0x3], $0x90, s6, s21, $0xb8;
	[tilespmem:$0x1FBD0] =	vst v63  }
0x1c8: {  	_ =	swait.ge [sflag:s25], $0x4800  }
0x1c9: {  	[sflag:s25] =	ssyncset.done $0x0  }
0x1ca: {  	[sflag:s25] =	ssyncadd.s32 $0xFFFFB800  }
0x1cb: {  	[spmem:s2] =	stream.indirect.scatter.add.f32 [tilespmem:s23], [sflag:$0x4], $0x90, s7, s21, $0xb8;
	[tilespmem:$0x1FBD0] =	vst v63  }
0x1cc: {  	_ =	swait.ge [sflag:s28], $0x4800  }
0x1cd: {  	[sflag:s28] =	ssyncset.done $0x0  }
0x1ce: {  	[sflag:s28] =	ssyncadd.s32 $0xFFFFB800  }
0x1cf: {  	[tilespmem:s22], [sflag:$0x1] =	stream.indirect.gather [hbm4b:s5+s21], $0x90, s8, s21, $0xb8;
	[tilespmem:$0x1FBD0] =	vst v63  }
0x1d0: {  	_ =	swait.ge [sflag:s30], $0x4800  }
0x1d1: {  	[sflag:s30] =	ssyncset.done $0x0  }
0x1d2: {  	[sflag:s30] =	ssyncadd.s32 $0xFFFFB800  }
0x1d3: {  	[tilespmem:s23], [sflag:$0x2] =	stream.indirect.gather [hbm4b:s5+s21], $0x90, s17, s21, $0xb8;
	[tilespmem:$0x1FBD0] =	vst v63  }
0x1d4: {  	_ =	swait.ge [sflag:s24], $0x4800  }
0x1d5: {  	[sflag:s24] =	ssyncset.done $0x0  }
0x1d6: {  	[sflag:s24] =	ssyncadd.s32 $0xFFFFB800  }
0x1d7: {  	[spmem:s2] =	stream.indirect.scatter.add.f32 [tilespmem:s22], [sflag:$0x3], $0x90, s18, s21, $0xb8;
	[tilespmem:$0x1FBD0] =	vst v63  }
0x1d8: {  	_ =	swait.ge [sflag:s25], $0x4800  }
0x1d9: {  	[sflag:s25] =	ssyncset.done $0x0  }
0x1da: {  	[sflag:s25] =	ssyncadd.s32 $0xFFFFB800  }
0x1db: {  	[spmem:s2] =	stream.indirect.scatter.add.f32 [tilespmem:s23], [sflag:$0x4], $0x90, s26, s21, $0xb8;
	[tilespmem:$0x1FBD0] =	vst v63  }
0x1dc: {  	_ =	swait.ge [sflag:s28], $0x4800  }
0x1dd: {  	[sflag:s28] =	ssyncset.done $0x0  }
0x1de: {  	[sflag:s28] =	ssyncadd.s32 $0xFFFFB800  }
0x1df: {  	[tilespmem:s22], [sflag:$0x1] =	stream.indirect.gather [hbm4b:s5+s21], $0x90, s29, s21, $0xb8;
	[tilespmem:$0x1FBD0] =	vst v63  }
0x1e0: {  	_ =	swait.ge [sflag:s30], $0x4800  }
0x1e1: {  	[sflag:s30] =	ssyncset.done $0x0  }
0x1e2: {  	[sflag:s30] =	ssyncadd.s32 $0xFFFFB800  }
0x1e3: {  	[tilespmem:s23], [sflag:$0x2] =	stream.indirect.gather [hbm4b:s5+s21], $0x90, s31, s21, $0xb8;
	[tilespmem:$0x1FBD0] =	vst v63  }
0x1e4: {  	_ =	swait.ge [sflag:s24], $0x4800  }
0x1e5: {  	[sflag:s24] =	ssyncset.done $0x0  }
0x1e6: {  	[sflag:s24] =	ssyncadd.s32 $0xFFFFB800  }
0x1e7: {  	[spmem:s2] =	stream.indirect.scatter.add.f32 [tilespmem:s22], [sflag:$0x3], $0x90, s1, s21, $0xb8;
	[tilespmem:$0x1FBD0] =	vst v63  }
0x1e8: {  	_ =	swait.ge [sflag:s25], $0x4800  }
0x1e9: {  	[sflag:s25] =	ssyncset.done $0x0  }
0x1ea: {  	[sflag:s25] =	ssyncadd.s32 $0xFFFFB800  }
0x1eb: {  	[spmem:s2] =	stream.indirect.scatter.add.f32 [tilespmem:s23], [sflag:$0x4], $0x90, s13, s21, $0xb8;
	[tilespmem:$0x1FBD0] =	vst v63  }
0x1ec: {  	_ =	swait.ge [sflag:s28], $0x4800  }
0x1ed: {  	[sflag:s28] =	ssyncset.done $0x0  }
0x1ee: {  	s10 =	simm.s32 $0x500;
	[sflag:s28] =	ssyncadd.s32 $0xFFFFB800  }
0x1ef: {  	[tilespmem:s22], [sflag:$0x1] =	stream.indirect.gather [hbm4b:s5+s21], $0x90, s10, s21, $0xb8;
	[tilespmem:$0x1FBD0] =	vst v63  }
0x1f0: {  	_ =	swait.ge [sflag:s30], $0x4800  }
0x1f1: {  	[sflag:s30] =	ssyncset.done $0x0  }
0x1f2: {  	s10 =	simm.s32 $0x580;
	[sflag:s30] =	ssyncadd.s32 $0xFFFFB800  }
0x1f3: {  	[tilespmem:s23], [sflag:$0x2] =	stream.indirect.gather [hbm4b:s5+s21], $0x90, s10, s21, $0xb8;
	[tilespmem:$0x1FBD0] =	vst v63  }
0x1f4: {  	_ =	swait.ge [sflag:s24], $0x4800  }
0x1f5: {  	[sflag:s24] =	ssyncset.done $0x0  }
0x1f6: {  	s10 =	simm.s32 $0xB00;
	[sflag:s24] =	ssyncadd.s32 $0xFFFFB800  }
0x1f7: {  	[spmem:s2] =	stream.indirect.scatter.add.f32 [tilespmem:s22], [sflag:$0x3], $0x90, s10, s21, $0xb8;
	[tilespmem:$0x1FBD0] =	vst v63  }
0x1f8: {  	_ =	swait.ge [sflag:s25], $0x4800  }
0x1f9: {  	[sflag:s25] =	ssyncset.done $0x0  }
0x1fa: {  	p2 =	sne.s32 s0, $0x900;
	s10 =	simm.s32 $0xB80;
	[sflag:s25] =	ssyncadd.s32 $0xFFFFB800  }
0x1fb: {  	[spmem:s2] =	stream.indirect.scatter.add.f32 [tilespmem:s23], [sflag:$0x4], $0x90, s10, s21, $0xb8;
	[tilespmem:$0x1FBD0] =	vst v63  }
.Ltmp5:
0x1fc: {  	_ =	swait.ge [sflag:s28], $0x4800;
	(pc) =	sbr.rel @p2 .LBB2_3-.Ltmp5, $4  }
0x1fd: {  	[sflag:s28] =	ssyncset.done $0x0  }
0x1fe: {  	[sflag:s28] =	ssyncadd.s32 $0xFFFFB800  }
0x1ff: {  	_ =	swait.ge [sflag:s30], $0x4800  }
0x200: {  	s0 =	sadd.s32 $0xC0, s0;
	[sflag:s30] =	ssyncset.done $0x0  }
0x201: {  	[sflag:s30] =	ssyncadd.s32 $0xFFFFB800;
	s0 =	rddreg [dreg:$0xe];
	s1 =	simm.s32 $0xC00  }
0x202: {  	[tilespmem:s1], [sflag:$0x5] =	stream.linear.gather [hbm4b:s0+s3], $0x20, $0x38;
	[tilespmem:$0x1FBD0] =	vst v63  }
0x203: {  	_ =	swait.ge [sflag:s19], $0x20  }
0x204: {  	[sflag:s19] =	ssyncset.done $0x0  }
0x205: {  	s6 =	simm.s32 $0xC20;
	s29 =	rddreg [dreg:$0xf];
	[sflag:s19] =	ssyncadd.s32 $0xFFFFFFE0  }
0x206: {  	[tilespmem:s6], [sflag:$0x5] =	stream.linear.gather [hbm4b:s29+s3], $0x20, $0x38;
	[tilespmem:$0x1FBD0] =	vst v63  }
0x207: {  	_ =	swait.ge [sflag:s19], $0x20  }
0x208: {  	[sflag:s19] =	ssyncset.done $0x0  }
0x209: {  	s31 =	simm.s32 $0x20;
	[sflag:s19] =	ssyncadd.s32 $0xFFFFFFE0  }
0x20a: {  	[tilespmem:s22], [sflag:$0x1] =	stream.indirect.gather [hbm4b:s5+s31], $0x90, s1, s31, $0xb8;
	[tilespmem:$0x1FBD0] =	vst v63  }
0x20b: {  	_ =	swait.ge [sflag:s24], $0x1200  }
0x20c: {  	[sflag:s24] =	ssyncset.done $0x0  }
0x20d: {  	[sflag:s24] =	ssyncadd.s32 $0xFFFFEE00  }
0x20e: {  	[spmem:s2] =	stream.indirect.scatter.add.f32 [tilespmem:s22], [sflag:$0x5], $0x90, s6, s31, $0xb8;
	[tilespmem:$0x1FBD0] =	vst v63  }
0x20f: {  	_ =	swait.ge [sflag:s19], $0x1200  }
0x210: {  	[sflag:s19] =	ssyncset.done $0x0  }
0x211: {  	[sflag:s19] =	ssyncadd.s32 $0xFFFFEE00  }
0x212: {  	[bflag:$0x0] =	sbarrier.arrive $0xFFFF  }
0x213: {  	s9 =	rddreg [dreg:$0x11]  }
0x214: {  	s0 =	simm.s32 @p0 $0x1FC5;
	s10 =	rddreg [dreg:$0x17]  }
0x215: {  	[hbm:s9], [sflag:s0] =	dma.local @p0 [spmem:s10], $0x2D00  }
0x216: {  	s0 =	simm.s32 @p0 $0x5  }
0x217: {  	_ =	swait.ge @p0 [sflag:s0], $0x2D00  }
0x218: {  	s1 =	rddreg [dreg:$0x19]  }
0x219: {  	[sflag:s0] =	ssyncset.done @p0 $0x0;
	s6 =	rddreg [dreg:$0x1a]  }
0x21a: {  	[sflag:s0] =	ssyncadd.s32 @p0 $0xFFFFD300;
	s0 =	rddreg [dreg:$0x10]  }
0x21b: {  	[hbm:s0], [sflag:s1] =	dma.local @!p0 [spmem:s6], $0x2BE0  }
.Ltmp6:
0x21c: {  	_ = 	snop;
	(pc) =	sbr.rel .LBB2_8-.Ltmp6, $4  }
0x21d: {  	s0 =	simm.s32 @!p0 $0x5  }
0x21e: {  	_ =	swait.ge @!p0 [sflag:s0], $0x2BE0  }
0x21f: {  	[sflag:s0] =	ssyncset.done @!p0 $0x0  }
0x220: {  	s9 =	rddreg [dreg:$0x18];
	[sflag:s0] =	ssyncadd.s32 @!p0 $0xFFFFD420  }
.LBB2_9:
0x221: {  	_ =	sfence.sel $0x180000  }
0x222: {  	[bflag:$0x0] =	sbarrier.arrive $0xFFFF  }
0x223: {  	_ =	strace $0x90000047  }
0x224: {  	s0 =	stileid.u32;
	[bflag:$0x2] =	sbarrier.arrive $0xFFFF  }
0x225: {  	p0 =	sne.s32 s0, $0x0;
	s0 =	rddreg [dreg:$0x6]  }
0x226: {  	s0 =	sadd.s32 @!p0 $0x100000, s0  }
0x227: {  	[sflag:s0] =	ssyncadd.tile.s32 @!p0 $0x1;
	_ =	shalt  }
.Lfunc_end2:
_tile_overlayer_lowered:
.L_overlay_start_2:
0x228: {  	(tag) =	ssettag $0x2  }
0x229: {  	s0 =	rddreg [dreg:$0x0];
	s2 =	stileid.u32  }
0x22a: {  	s1 =	rddreg [dreg:$0x1];
	p0 =	sne.s32 s2, $0x0  }
0x22b: {  	s3 =	rddreg [dreg:$0x2];
	[bflag:$0x3] =	sbarrier.arrive $0xFFFF;
	s2 =	simm.s32 @!p0 $0x1C05  }
0x22c: {  	[timem:s3], [sflag:s2] =	dma.local @!p0 [hbm:s0], s1  }
0x22d: {  	s0 =	simm.s32 @!p0 $0x5  }
0x22e: {  	_ =	swait.ge @!p0 [sflag:s0], s1  }
0x22f: {  	s1 =	ssub.s32 @!p0 $0x0, s1;
	[sflag:s0] =	ssyncset.done @!p0 $0x0  }
0x230: {  	[sflag:s0] =	ssyncadd.s32 @!p0 s1  }
0x231: {  	[bflag:$0x3] =	sbarrier.arrive $0xFFFF  }
0x232: {  	_ =	shalt  }

</sc_bundles>
